<compile_context>
chip_gen: v7x
topology: tpu7x:2x2x1
jax: 0.10.2.dev20260603
libtpu: 0.0.44.dev20260713+nightly
codegen_flags: <defaults>
</compile_context>

<pallas_src>
import functools

import jax
import jax.numpy as jnp
import numpy as np
from jax import lax
from jax.experimental import pallas as pl
from jax.experimental.pallas import tpu as pltpu
from jax.experimental.pallas import tpu_sc as plsc

NFRAMES = 16384
NLM = 543
NCOORD = 3
NLANE = 16
LM_BULK = 536
NSTRIP_PER_C = LM_BULK // 8
NSTRIP = NCOORD * NSTRIP_PER_C
FSC = 12288
FCHUNK = 2048
NBUF = 4
UNITS_PER_STRIP = FSC // FCHUNK
NUNITS = NSTRIP * UNITS_PER_STRIP
NW = 32
NSLOT = 8
ACC_LEN = NSLOT * 8 * NLANE


def _sc_strip_sums(xt):

    mesh = plsc.VectorSubcoreMesh(core_axis_name="c", subcore_axis_name="s")

    @functools.partial(
        pl.kernel,
        mesh=mesh,
        compiler_params=pltpu.CompilerParams(use_tc_tiling_on_sc=True),
        out_type=jax.ShapeDtypeStruct((NW, NSLOT, 2, 8, NLANE), jnp.float32),
        scratch_types=[
            pltpu.VMEM((NBUF, 8, FCHUNK), jnp.float32),
            pltpu.VMEM((NSLOT, 8, NLANE), jnp.float32),
            pltpu.VMEM((NSLOT, 8, NLANE), jnp.float32),
            pltpu.SemaphoreType.DMA((NBUF,)),
        ],
    )
    def body(x_hbm, out_hbm, buf, acc_s, acc_q, sem):
        wid = lax.axis_index("s") * 2 + lax.axis_index("c")
        base = (NUNITS * wid) // NW
        nunits = (NUNITS * (wid + 1)) // NW - base
        strip0 = base // UNITS_PER_STRIP

        fzero = jnp.zeros((NLANE,), jnp.float32)
        for sl in range(NSLOT):
            for lm in range(8):
                acc_s[sl, lm, :] = fzero
                acc_q[sl, lm, :] = fzero

        def dma(t, p):
            u = base + t
            sig = u // UNITS_PER_STRIP
            j = u % UNITS_PER_STRIP
            c = sig // NSTRIP_PER_C
            k = sig % NSTRIP_PER_C
            return pltpu.make_async_copy(
                x_hbm.at[c, pl.ds(8 * k, 8), pl.ds(FCHUNK * j, FCHUNK)],
                buf.at[p],
                sem.at[p],
            )

        for t0 in range(NBUF):
            dma(t0, t0).start()

        def unit_body(t, carry):
            p = lax.rem(t, NBUF)
            dma(t, p).wait()

            def vbody(v, vcarry):
                s = list(vcarry[:8])
                q = list(vcarry[8:])
                for half in range(2):
                    for lm in range(8):
                        x = buf[p, lm, pl.ds((2 * v + half) * NLANE, NLANE)]
                        s[lm] = s[lm] + x
                        q[lm] = q[lm] + x * x
                return tuple(s) + tuple(q)

            init = (fzero,) * 16
            res = lax.fori_loop(0, FCHUNK // NLANE // 2, vbody, init)

            sig = (base + t) // UNITS_PER_STRIP
            slot = sig - strip0
            for lm in range(8):
                acc_s[slot, lm, :] = acc_s[slot, lm, :] + res[lm]
                acc_q[slot, lm, :] = acc_q[slot, lm, :] + res[8 + lm]

            @pl.when(t + NBUF < nunits)
            def _():
                dma(t + NBUF, p).start()

            return carry

        lax.fori_loop(0, nunits, unit_body, 0)

        pltpu.sync_copy(acc_s, out_hbm.at[wid, :, 0])
        pltpu.sync_copy(acc_q, out_hbm.at[wid, :, 1])

    return body(xt)


def _strip_sources() -> tuple[np.ndarray, np.ndarray]:
    src: list[list[int]] = [[] for _ in range(NSTRIP)]
    for w in range(NW):
        base = (NUNITS * w) // NW
        last = (NUNITS * (w + 1)) // NW - 1
        s0 = base // UNITS_PER_STRIP
        for sig in range(s0, last // UNITS_PER_STRIP + 1):
            src[sig].append(w * NSLOT + (sig - s0))
    dummy = NW * NSLOT
    idx1 = np.array([s[0] for s in src], dtype=np.int32)
    idx2 = np.array([s[1] if len(s) > 1 else dummy for s in src], dtype=np.int32)
    return idx1, idx2


_IDX1, _IDX2 = _strip_sources()


def _tc_tail_sums(xt):
    nj = (NFRAMES - FSC) // FCHUNK

    def body(x_ref, s_ref, q_ref):
        j = pl.program_id(1)

        @pl.when(j == 0)
        def _():
            s_ref[...] = jnp.zeros((1, NLM, 128), jnp.float32)
            q_ref[...] = jnp.zeros((1, NLM, 128), jnp.float32)

        s = s_ref[0]
        q = q_ref[0]
        for i in range(FCHUNK // 128):
            x = x_ref[0, :, pl.ds(i * 128, 128)]
            s = s + x
            q = q + x * x
        s_ref[0] = s
        q_ref[0] = q

    return pl.pallas_call(
        body,
        grid=(NCOORD, nj),
        in_specs=[
            pl.BlockSpec((1, NLM, FCHUNK), lambda c, j: (c, 0, FSC // FCHUNK + j))
        ],
        out_specs=[
            pl.BlockSpec((1, NLM, 128), lambda c, j: (c, 0, 0)),
            pl.BlockSpec((1, NLM, 128), lambda c, j: (c, 0, 0)),
        ],
        out_shape=[
            jax.ShapeDtypeStruct((NCOORD, NLM, 128), jnp.float32),
            jax.ShapeDtypeStruct((NCOORD, NLM, 128), jnp.float32),
        ],
    )(xt)


def kernel(inputs):
    xt = jnp.transpose(inputs, (2, 1, 0))
    parts = _sc_strip_sums(xt)
    tc_s, tc_q = _tc_tail_sums(xt)
    tcs = tc_s.sum(axis=-1)
    tcq = tc_q.sum(axis=-1)

    p = parts.sum(axis=-1).reshape(NW * NSLOT, 2, 8)
    p = jnp.concatenate([p, jnp.zeros((1, 2, 8), p.dtype)], axis=0)
    strips = p[jnp.asarray(_IDX1)] + p[jnp.asarray(_IDX2)]
    bulk = strips.reshape(NCOORD, NSTRIP_PER_C, 2, 8)
    bulk = bulk.transpose(2, 0, 1, 3).reshape(2, NCOORD, LM_BULK)

    tail = inputs[:FSC, LM_BULK:, :]
    ts = jnp.sum(tail, axis=0).T
    tq = jnp.sum(tail * tail, axis=0).T

    s_cl = jnp.concatenate([bulk[0] + tcs[:, :LM_BULK], ts + tcs[:, LM_BULK:]], axis=1)
    q_cl = jnp.concatenate([bulk[1] + tcq[:, :LM_BULK], tq + tcq[:, LM_BULK:]], axis=1)
    s = s_cl.T.reshape(NLM * NCOORD)
    q = q_cl.T.reshape(NLM * NCOORD)

    n = jnp.float32(NFRAMES)
    mean = s / n
    var = q / n - mean * mean
    std = jnp.sqrt(var)
    feat = jnp.concatenate([mean, std], axis=0)
    return jnp.where(jnp.isfinite(feat), feat, jnp.zeros_like(feat))

# --- scband reference (transcript-rebuilt; emitter-appended) ---
"""Pipeline reference for scband-frame-mean-std-feature-gen-45226005626916 (READ-ONLY COPY).

The authoritative reference and input builder live on the scoring server;
editing this copy changes nothing except your own understanding.
"""

import jax, jax.numpy as jnp
import numpy as np

# constants.Landmarks mapping (MediaPipe Holistic layout)
LANDMARKS = {
    "face": (0, 468),
    "left_hand": (468, 489),
    "pose": (489, 522),
    "right_hand": (522, 543),
}
LANDMARKS_SET = ["face", "left_hand", "pose", "right_hand"]
SKIP_Z = False
NUM_COLUMNS = 2 if SKIP_Z else 3
LANDMARK_COORDS = [LANDMARKS[n] for n in LANDMARKS_SET]
FLAT_FEAT_LENS = [NUM_COLUMNS * (c[1] - c[0]) for c in LANDMARK_COORDS]


def setup_inputs(seed: int = 0) -> dict:
    key = jax.random.key(seed)
    inputs = jax.random.normal(key, (16384, 543, 3), dtype=jnp.float32)
    return {"inputs": inputs}


def _masked_mean_std(x):
    # rows (frames) containing any NaN are dropped, matching tf.boolean_mask
    valid = jnp.all(jnp.logical_not(jnp.isnan(x)), axis=1)
    w = valid.astype(x.dtype)
    n = jnp.sum(w)
    xz = jnp.where(valid[:, None], x, jnp.zeros_like(x))
    mean = jnp.sum(xz, axis=0) / n
    diff = jnp.where(valid[:, None], x - mean[None, :], jnp.zeros_like(x))
    var = jnpp_sum = jnp.sum(diff * diff, axis=0) / n
    std = jnp.sqrt(var)
    return mean, std


def reference(inputs):
    x = inputs
    if SKIP_Z:
        x = x[:, :, :2]
    landmarks = []
    for coords in LANDMARK_COORDS:
        if isinstance(coords, tuple):
            landmarks.append(x[:, coords[0]:coords[1], :])
        else:
            landmarks.append(jnp.take(x, jnp.asarray(coords), axis=1))
    landmarks = [jnp.reshape(l, (-1, fl)) for l, fl in zip(landmarks, FLAT_FEAT_LENS)]
    means = []
    stds = []
    for feat in landmarks:
        m, s = _masked_mean_std(feat)
        means.append(m)
        stds.append(s)
    final_feature = jnp.concatenate([*means, *stds], axis=0)
    final_feature = jnp.where(jnp.isfinite(final_feature), final_feature, jnp.zeros_like(final_feature))
    return final_feature

if __name__ == "__main__":
    import jax
    _d = setup_inputs()
    print(jax.jit(kernel)(*tuple(_d.values())))

</pallas_src>

<mosaic_0001>
#map = affine_map<(d0, d1) -> (0, 0, 0)>
#map1 = affine_map<(d0, d1) -> (0, 0, 0, 0, 0)>
module attributes {stable_mosaic.version = 14 : i64} {
  func.func @body(%arg0: i32, %arg1: i32, %arg2: memref<3x543x16384xf32, #tpu.memory_space<hbm>>, %arg3: memref<32x8x2x8x16xf32, #tpu.memory_space<hbm>>, %arg4: memref<4x8x2048xf32, #tpu.memory_space<vmem>>, %arg5: memref<8x8x16xf32, #tpu.memory_space<vmem>>, %arg6: memref<8x8x16xf32, #tpu.memory_space<vmem>>, %arg7: memref<4x!tpu.dma_semaphore, #tpu.memory_space<semaphore_mem>>) attributes {dimension_semantics = [#tpu.dimension_semantics<core_parallel>, #tpu.dimension_semantics<subcore_parallel>], iteration_bounds = array<i64: 2, 16>, scalar_prefetch = 0 : i64, scratch_operands = 4 : i64, tpu.core_type = #tpu.core_type<sc_vector_subcore>, window_params = [{transform_indices = #map}, {transform_indices = #map1}]} {
    %mul3A = arith.constant 2 : i32
    %mul3A_0 = arith.muli %arg1, %mul3A : i32
    %add3A = arith.addi %mul3A_0, %arg0 : i32
    %mul3A_1 = arith.constant 1206 : i32
    %mul3A_2 = arith.muli %mul3A_1, %add3A : i32
    %jit3A = arith.constant 32 : i32
    %div3A = arith.divsi %mul3A_2, %jit3A : i32
    %sign3A = arith.constant 0 : i32
    %sign3A_3 = arith.cmpi sgt, %mul3A_2, %sign3A : i32
    %sign3A_4 = arith.extui %sign3A_3 : i1 to i32
    %sign3A_5 = arith.constant 0 : i32
    %sign3A_6 = arith.cmpi slt, %mul3A_2, %sign3A_5 : i32
    %sign3A_7 = arith.extui %sign3A_6 : i1 to i32
    %sign3A_8 = arith.subi %sign3A_4, %sign3A_7 : i32
    %sign3A_9 = arith.constant 0 : i32
    %sign3A_10 = arith.cmpi sgt, %jit3A, %sign3A_9 : i32
    %sign3A_11 = arith.extui %sign3A_10 : i1 to i32
    %sign3A_12 = arith.constant 0 : i32
    %sign3A_13 = arith.cmpi slt, %jit3A, %sign3A_12 : i32
    %sign3A_14 = arith.extui %sign3A_13 : i1 to i32
    %sign3A_15 = arith.subi %sign3A_11, %sign3A_14 : i32
    %ne3A = arith.cmpi ne, %sign3A_8, %sign3A_15 : i32
    %rem3A = arith.remsi %mul3A_2, %jit3A : i32
    %ne3A_16 = arith.constant 0 : i32
    %ne3A_17 = arith.cmpi ne, %rem3A, %ne3A_16 : i32
    %and3A = arith.andi %ne3A, %ne3A_17 : i1
    %sub3A = arith.constant 1 : i32
    %sub3A_18 = arith.subi %div3A, %sub3A : i32
    %select_n3A = arith.select %and3A, %sub3A_18, %div3A : i32
    %add3A_19 = arith.constant 1 : i32
    %add3A_20 = arith.addi %add3A, %add3A_19 : i32
    %mul3A_21 = arith.constant 1206 : i32
    %mul3A_22 = arith.muli %mul3A_21, %add3A_20 : i32
    %jit3A_23 = arith.constant 32 : i32
    %div3A_24 = arith.divsi %mul3A_22, %jit3A_23 : i32
    %sign3A_25 = arith.constant 0 : i32
    %sign3A_26 = arith.cmpi sgt, %mul3A_22, %sign3A_25 : i32
    %sign3A_27 = arith.extui %sign3A_26 : i1 to i32
    %sign3A_28 = arith.constant 0 : i32
    %sign3A_29 = arith.cmpi slt, %mul3A_22, %sign3A_28 : i32
    %sign3A_30 = arith.extui %sign3A_29 : i1 to i32
    %sign3A_31 = arith.subi %sign3A_27, %sign3A_30 : i32
    %sign3A_32 = arith.constant 0 : i32
    %sign3A_33 = arith.cmpi sgt, %jit3A_23, %sign3A_32 : i32
    %sign3A_34 = arith.extui %sign3A_33 : i1 to i32
    %sign3A_35 = arith.constant 0 : i32
    %sign3A_36 = arith.cmpi slt, %jit3A_23, %sign3A_35 : i32
    %sign3A_37 = arith.extui %sign3A_36 : i1 to i32
    %sign3A_38 = arith.subi %sign3A_34, %sign3A_37 : i32
    %ne3A_39 = arith.cmpi ne, %sign3A_31, %sign3A_38 : i32
    %rem3A_40 = arith.remsi %mul3A_22, %jit3A_23 : i32
    %ne3A_41 = arith.constant 0 : i32
    %ne3A_42 = arith.cmpi ne, %rem3A_40, %ne3A_41 : i32
    %and3A_43 = arith.andi %ne3A_39, %ne3A_42 : i1
    %sub3A_44 = arith.constant 1 : i32
    %sub3A_45 = arith.subi %div3A_24, %sub3A_44 : i32
    %select_n3A_46 = arith.select %and3A_43, %sub3A_45, %div3A_24 : i32
    %sub3A_47 = arith.subi %select_n3A_46, %select_n3A : i32
    %jit3A_48 = arith.constant 6 : i32
    %div3A_49 = arith.divsi %select_n3A, %jit3A_48 : i32
    %sign3A_50 = arith.constant 0 : i32
    %sign3A_51 = arith.cmpi sgt, %select_n3A, %sign3A_50 : i32
    %sign3A_52 = arith.extui %sign3A_51 : i1 to i32
    %sign3A_53 = arith.constant 0 : i32
    %sign3A_54 = arith.cmpi slt, %select_n3A, %sign3A_53 : i32
    %sign3A_55 = arith.extui %sign3A_54 : i1 to i32
    %sign3A_56 = arith.subi %sign3A_52, %sign3A_55 : i32
    %sign3A_57 = arith.constant 0 : i32
    %sign3A_58 = arith.cmpi sgt, %jit3A_48, %sign3A_57 : i32
    %sign3A_59 = arith.extui %sign3A_58 : i1 to i32
    %sign3A_60 = arith.constant 0 : i32
    %sign3A_61 = arith.cmpi slt, %jit3A_48, %sign3A_60 : i32
    %sign3A_62 = arith.extui %sign3A_61 : i1 to i32
    %sign3A_63 = arith.subi %sign3A_59, %sign3A_62 : i32
    %ne3A_64 = arith.cmpi ne, %sign3A_56, %sign3A_63 : i32
    %rem3A_65 = arith.remsi %select_n3A, %jit3A_48 : i32
    %ne3A_66 = arith.constant 0 : i32
    %ne3A_67 = arith.cmpi ne, %rem3A_65, %ne3A_66 : i32
    %and3A_68 = arith.andi %ne3A_64, %ne3A_67 : i1
    %sub3A_69 = arith.constant 1 : i32
    %sub3A_70 = arith.subi %div3A_49, %sub3A_69 : i32
    %select_n3A_71 = arith.select %and3A_68, %sub3A_70, %div3A_49 : i32
    %broadcast_in_dim3A = arith.constant 0.000000e+00 : f32
    %broadcast_in_dim3A_72 = vector.broadcast %broadcast_in_dim3A : f32 to vector<16xf32>
    %swap3A = arith.constant 0 : i32
    %swap3A_73 = arith.constant 0 : i32
    %swap3A_74 = arith.index_cast %swap3A : i32 to index
    %swap3A_75 = arith.index_cast %swap3A_73 : i32 to index
    %swap3A_76 = arith.constant 0 : index
    %swap3A_77 = tpu.vector_load %arg5[%swap3A_74, %swap3A_75, %swap3A_76] {strides = array<i32>} : memref<8x8x16xf32, #tpu.memory_space<vmem>>, vector<1x1x16xf32>,
    %swap3A_78 = vector.shape_cast %swap3A_77 : vector<1x1x16xf32> to vector<16xf32>
    %swap3A_79 = vector.shape_cast %broadcast_in_dim3A_72 : vector<16xf32> to vector<1x1x16xf32>
    tpu.vector_store %arg5[%swap3A_74, %swap3A_75, %swap3A_76], %swap3A_79 {strides = array<i32>} : memref<8x8x16xf32, #tpu.memory_space<vmem>>, vector<1x1x16xf32>,
    %swap3A_80 = arith.constant 0 : i32
    %swap3A_81 = arith.constant 0 : i32
    %swap3A_82 = arith.index_cast %swap3A_80 : i32 to index
    %swap3A_83 = arith.index_cast %swap3A_81 : i32 to index
    %swap3A_84 = arith.constant 0 : index
    %swap3A_85 = tpu.vector_load %arg6[%swap3A_82, %swap3A_83, %swap3A_84] {strides = array<i32>} : memref<8x8x16xf32, #tpu.memory_space<vmem>>, vector<1x1x16xf32>,
    %swap3A_86 = vector.shape_cast %swap3A_85 : vector<1x1x16xf32> to vector<16xf32>
    %swap3A_87 = vector.shape_cast %broadcast_in_dim3A_72 : vector<16xf32> to vector<1x1x16xf32>
    tpu.vector_store %arg6[%swap3A_82, %swap3A_83, %swap3A_84], %swap3A_87 {strides = array<i32>} : memref<8x8x16xf32, #tpu.memory_space<vmem>>, vector<1x1x16xf32>,
    %swap3A_88 = arith.constant 0 : i32
    %swap3A_89 = arith.constant 1 : i32
    %swap3A_90 = arith.index_cast %swap3A_88 : i32 to index
    %swap3A_91 = arith.index_cast %swap3A_89 : i32 to index
    %swap3A_92 = arith.constant 0 : index
    %swap3A_93 = tpu.vector_load %arg5[%swap3A_90, %swap3A_91, %swap3A_92] {strides = array<i32>} : memref<8x8x16xf32, #tpu.memory_space<vmem>>, vector<1x1x16xf32>,
    %swap3A_94 = vector.shape_cast %swap3A_93 : vector<1x1x16xf32> to vector<16xf32>
    %swap3A_95 = vector.shape_cast %broadcast_in_dim3A_72 : vector<16xf32> to vector<1x1x16xf32>
    tpu.vector_store %arg5[%swap3A_90, %swap3A_91, %swap3A_92], %swap3A_95 {strides = array<i32>} : memref<8x8x16xf32, #tpu.memory_space<vmem>>, vector<1x1x16xf32>,
    %swap3A_96 = arith.constant 0 : i32
    %swap3A_97 = arith.constant 1 : i32
    %swap3A_98 = arith.index_cast %swap3A_96 : i32 to index
    %swap3A_99 = arith.index_cast %swap3A_97 : i32 to index
    %swap3A_100 = arith.constant 0 : index
    %swap3A_101 = tpu.vector_load %arg6[%swap3A_98, %swap3A_99, %swap3A_100] {strides = array<i32>} : memref<8x8x16xf32, #tpu.memory_space<vmem>>, vector<1x1x16xf32>,
    %swap3A_102 = vector.shape_cast %swap3A_101 : vector<1x1x16xf32> to vector<16xf32>
    %swap3A_103 = vector.shape_cast %broadcast_in_dim3A_72 : vector<16xf32> to vector<1x1x16xf32>
    tpu.vector_store %arg6[%swap3A_98, %swap3A_99, %swap3A_100], %swap3A_103 {strides = array<i32>} : memref<8x8x16xf32, #tpu.memory_space<vmem>>, vector<1x1x16xf32>,
    %swap3A_104 = arith.constant 0 : i32
    %swap3A_105 = arith.constant 2 : i32
    %swap3A_106 = arith.index_cast %swap3A_104 : i32 to index
    %swap3A_107 = arith.index_cast %swap3A_105 : i32 to index
    %swap3A_108 = arith.constant 0 : index
    %swap3A_109 = tpu.vector_load %arg5[%swap3A_106, %swap3A_107, %swap3A_108] {strides = array<i32>} : memref<8x8x16xf32, #tpu.memory_space<vmem>>, vector<1x1x16xf32>,
    %swap3A_110 = vector.shape_cast %swap3A_109 : vector<1x1x16xf32> to vector<16xf32>
    %swap3A_111 = vector.shape_cast %broadcast_in_dim3A_72 : vector<16xf32> to vector<1x1x16xf32>
    tpu.vector_store %arg5[%swap3A_106, %swap3A_107, %swap3A_108], %swap3A_111 {strides = array<i32>} : memref<8x8x16xf32, #tpu.memory_space<vmem>>, vector<1x1x16xf32>,
    %swap3A_112 = arith.constant 0 : i32
    %swap3A_113 = arith.constant 2 : i32
    %swap3A_114 = arith.index_cast %swap3A_112 : i32 to index
    %swap3A_115 = arith.index_cast %swap3A_113 : i32 to index
    %swap3A_116 = arith.constant 0 : index
    %swap3A_117 = tpu.vector_load %arg6[%swap3A_114, %swap3A_115, %swap3A_116] {strides = array<i32>} : memref<8x8x16xf32, #tpu.memory_space<vmem>>, vector<1x1x16xf32>,
    %swap3A_118 = vector.shape_cast %swap3A_117 : vector<1x1x16xf32> to vector<16xf32>
    %swap3A_119 = vector.shape_cast %broadcast_in_dim3A_72 : vector<16xf32> to vector<1x1x16xf32>
    tpu.vector_store %arg6[%swap3A_114, %swap3A_115, %swap3A_116], %swap3A_119 {strides = array<i32>} : memref<8x8x16xf32, #tpu.memory_space<vmem>>, vector<1x1x16xf32>,
    %swap3A_120 = arith.constant 0 : i32
    %swap3A_121 = arith.constant 3 : i32
    %swap3A_122 = arith.index_cast %swap3A_120 : i32 to index
    %swap3A_123 = arith.index_cast %swap3A_121 : i32 to index
    %swap3A_124 = arith.constant 0 : index
    %swap3A_125 = tpu.vector_load %arg5[%swap3A_122, %swap3A_123, %swap3A_124] {strides = array<i32>} : memref<8x8x16xf32, #tpu.memory_space<vmem>>, vector<1x1x16xf32>,
    %swap3A_126 = vector.shape_cast %swap3A_125 : vector<1x1x16xf32> to vector<16xf32>
    %swap3A_127 = vector.shape_cast %broadcast_in_dim3A_72 : vector<16xf32> to vector<1x1x16xf32>
    tpu.vector_store %arg5[%swap3A_122, %swap3A_123, %swap3A_124], %swap3A_127 {strides = array<i32>} : memref<8x8x16xf32, #tpu.memory_space<vmem>>, vector<1x1x16xf32>,
    %swap3A_128 = arith.constant 0 : i32
    %swap3A_129 = arith.constant 3 : i32
    %swap3A_130 = arith.index_cast %swap3A_128 : i32 to index
    %swap3A_131 = arith.index_cast %swap3A_129 : i32 to index
    %swap3A_132 = arith.constant 0 : index
    %swap3A_133 = tpu.vector_load %arg6[%swap3A_130, %swap3A_131, %swap3A_132] {strides = array<i32>} : memref<8x8x16xf32, #tpu.memory_space<vmem>>, vector<1x1x16xf32>,
    %swap3A_134 = vector.shape_cast %swap3A_133 : vector<1x1x16xf32> to vector<16xf32>
    %swap3A_135 = vector.shape_cast %broadcast_in_dim3A_72 : vector<16xf32> to vector<1x1x16xf32>
    tpu.vector_store %arg6[%swap3A_130, %swap3A_131, %swap3A_132], %swap3A_135 {strides = array<i32>} : memref<8x8x16xf32, #tpu.memory_space<vmem>>, vector<1x1x16xf32>,
    %swap3A_136 = arith.constant 0 : i32
    %swap3A_137 = arith.constant 4 : i32
    %swap3A_138 = arith.index_cast %swap3A_136 : i32 to index
    %swap3A_139 = arith.index_cast %swap3A_137 : i32 to index
    %swap3A_140 = arith.constant 0 : index
    %swap3A_141 = tpu.vector_load %arg5[%swap3A_138, %swap3A_139, %swap3A_140] {strides = array<i32>} : memref<8x8x16xf32, #tpu.memory_space<vmem>>, vector<1x1x16xf32>,
    %swap3A_142 = vector.shape_cast %swap3A_141 : vector<1x1x16xf32> to vector<16xf32>
    %swap3A_143 = vector.shape_cast %broadcast_in_dim3A_72 : vector<16xf32> to vector<1x1x16xf32>
    tpu.vector_store %arg5[%swap3A_138, %swap3A_139, %swap3A_140], %swap3A_143 {strides = array<i32>} : memref<8x8x16xf32, #tpu.memory_space<vmem>>, vector<1x1x16xf32>,
    %swap3A_144 = arith.constant 0 : i32
    %swap3A_145 = arith.constant 4 : i32
    %swap3A_146 = arith.index_cast %swap3A_144 : i32 to index
    %swap3A_147 = arith.index_cast %swap3A_145 : i32 to index
    %swap3A_148 = arith.constant 0 : index
    %swap3A_149 = tpu.vector_load %arg6[%swap3A_146, %swap3A_147, %swap3A_148] {strides = array<i32>} : memref<8x8x16xf32, #tpu.memory_space<vmem>>, vector<1x1x16xf32>,
    %swap3A_150 = vector.shape_cast %swap3A_149 : vector<1x1x16xf32> to vector<16xf32>
    %swap3A_151 = vector.shape_cast %broadcast_in_dim3A_72 : vector<16xf32> to vector<1x1x16xf32>
    tpu.vector_store %arg6[%swap3A_146, %swap3A_147, %swap3A_148], %swap3A_151 {strides = array<i32>} : memref<8x8x16xf32, #tpu.memory_space<vmem>>, vector<1x1x16xf32>,
    %swap3A_152 = arith.constant 0 : i32
    %swap3A_153 = arith.constant 5 : i32
    %swap3A_154 = arith.index_cast %swap3A_152 : i32 to index
    %swap3A_155 = arith.index_cast %swap3A_153 : i32 to index
    %swap3A_156 = arith.constant 0 : index
    %swap3A_157 = tpu.vector_load %arg5[%swap3A_154, %swap3A_155, %swap3A_156] {strides = array<i32>} : memref<8x8x16xf32, #tpu.memory_space<vmem>>, vector<1x1x16xf32>,
    %swap3A_158 = vector.shape_cast %swap3A_157 : vector<1x1x16xf32> to vector<16xf32>
    %swap3A_159 = vector.shape_cast %broadcast_in_dim3A_72 : vector<16xf32> to vector<1x1x16xf32>
    tpu.vector_store %arg5[%swap3A_154, %swap3A_155, %swap3A_156], %swap3A_159 {strides = array<i32>} : memref<8x8x16xf32, #tpu.memory_space<vmem>>, vector<1x1x16xf32>,
    %swap3A_160 = arith.constant 0 : i32
    %swap3A_161 = arith.constant 5 : i32
    %swap3A_162 = arith.index_cast %swap3A_160 : i32 to index
    %swap3A_163 = arith.index_cast %swap3A_161 : i32 to index
    %swap3A_164 = arith.constant 0 : index
    %swap3A_165 = tpu.vector_load %arg6[%swap3A_162, %swap3A_163, %swap3A_164] {strides = array<i32>} : memref<8x8x16xf32, #tpu.memory_space<vmem>>, vector<1x1x16xf32>,
    %swap3A_166 = vector.shape_cast %swap3A_165 : vector<1x1x16xf32> to vector<16xf32>
    %swap3A_167 = vector.shape_cast %broadcast_in_dim3A_72 : vector<16xf32> to vector<1x1x16xf32>
    tpu.vector_store %arg6[%swap3A_162, %swap3A_163, %swap3A_164], %swap3A_167 {strides = array<i32>} : memref<8x8x16xf32, #tpu.memory_space<vmem>>, vector<1x1x16xf32>,
    %swap3A_168 = arith.constant 0 : i32
    %swap3A_169 = arith.constant 6 : i32
    %swap3A_170 = arith.index_cast %swap3A_168 : i32 to index
    %swap3A_171 = arith.index_cast %swap3A_169 : i32 to index
    %swap3A_172 = arith.constant 0 : index
    %swap3A_173 = tpu.vector_load %arg5[%swap3A_170, %swap3A_171, %swap3A_172] {strides = array<i32>} : memref<8x8x16xf32, #tpu.memory_space<vmem>>, vector<1x1x16xf32>,
    %swap3A_174 = vector.shape_cast %swap3A_173 : vector<1x1x16xf32> to vector<16xf32>
    %swap3A_175 = vector.shape_cast %broadcast_in_dim3A_72 : vector<16xf32> to vector<1x1x16xf32>
    tpu.vector_store %arg5[%swap3A_170, %swap3A_171, %swap3A_172], %swap3A_175 {strides = array<i32>} : memref<8x8x16xf32, #tpu.memory_space<vmem>>, vector<1x1x16xf32>,
    %swap3A_176 = arith.constant 0 : i32
    %swap3A_177 = arith.constant 6 : i32
    %swap3A_178 = arith.index_cast %swap3A_176 : i32 to index
    %swap3A_179 = arith.index_cast %swap3A_177 : i32 to index
    %swap3A_180 = arith.constant 0 : index
    %swap3A_181 = tpu.vector_load %arg6[%swap3A_178, %swap3A_179, %swap3A_180] {strides = array<i32>} : memref<8x8x16xf32, #tpu.memory_space<vmem>>, vector<1x1x16xf32>,
    %swap3A_182 = vector.shape_cast %swap3A_181 : vector<1x1x16xf32> to vector<16xf32>
    %swap3A_183 = vector.shape_cast %broadcast_in_dim3A_72 : vector<16xf32> to vector<1x1x16xf32>
    tpu.vector_store %arg6[%swap3A_178, %swap3A_179, %swap3A_180], %swap3A_183 {strides = array<i32>} : memref<8x8x16xf32, #tpu.memory_space<vmem>>, vector<1x1x16xf32>,
    %swap3A_184 = arith.constant 0 : i32
    %swap3A_185 = arith.constant 7 : i32
    %swap3A_186 = arith.index_cast %swap3A_184 : i32 to index
    %swap3A_187 = arith.index_cast %swap3A_185 : i32 to index
    %swap3A_188 = arith.constant 0 : index
    %swap3A_189 = tpu.vector_load %arg5[%swap3A_186, %swap3A_187, %swap3A_188] {strides = array<i32>} : memref<8x8x16xf32, #tpu.memory_space<vmem>>, vector<1x1x16xf32>,
    %swap3A_190 = vector.shape_cast %swap3A_189 : vector<1x1x16xf32> to vector<16xf32>
    %swap3A_191 = vector.shape_cast %broadcast_in_dim3A_72 : vector<16xf32> to vector<1x1x16xf32>
    tpu.vector_store %arg5[%swap3A_186, %swap3A_187, %swap3A_188], %swap3A_191 {strides = array<i32>} : memref<8x8x16xf32, #tpu.memory_space<vmem>>, vector<1x1x16xf32>,
    %swap3A_192 = arith.constant 0 : i32
    %swap3A_193 = arith.constant 7 : i32
    %swap3A_194 = arith.index_cast %swap3A_192 : i32 to index
    %swap3A_195 = arith.index_cast %swap3A_193 : i32 to index
    %swap3A_196 = arith.constant 0 : index
    %swap3A_197 = tpu.vector_load %arg6[%swap3A_194, %swap3A_195, %swap3A_196] {strides = array<i32>} : memref<8x8x16xf32, #tpu.memory_space<vmem>>, vector<1x1x16xf32>,
    %swap3A_198 = vector.shape_cast %swap3A_197 : vector<1x1x16xf32> to vector<16xf32>
    %swap3A_199 = vector.shape_cast %broadcast_in_dim3A_72 : vector<16xf32> to vector<1x1x16xf32>
    tpu.vector_store %arg6[%swap3A_194, %swap3A_195, %swap3A_196], %swap3A_199 {strides = array<i32>} : memref<8x8x16xf32, #tpu.memory_space<vmem>>, vector<1x1x16xf32>,
    %swap3A_200 = arith.constant 1 : i32
    %swap3A_201 = arith.constant 0 : i32
    %swap3A_202 = arith.index_cast %swap3A_200 : i32 to index
    %swap3A_203 = arith.index_cast %swap3A_201 : i32 to index
    %swap3A_204 = arith.constant 0 : index
    %swap3A_205 = tpu.vector_load %arg5[%swap3A_202, %swap3A_203, %swap3A_204] {strides = array<i32>} : memref<8x8x16xf32, #tpu.memory_space<vmem>>, vector<1x1x16xf32>,
    %swap3A_206 = vector.shape_cast %swap3A_205 : vector<1x1x16xf32> to vector<16xf32>
    %swap3A_207 = vector.shape_cast %broadcast_in_dim3A_72 : vector<16xf32> to vector<1x1x16xf32>
    tpu.vector_store %arg5[%swap3A_202, %swap3A_203, %swap3A_204], %swap3A_207 {strides = array<i32>} : memref<8x8x16xf32, #tpu.memory_space<vmem>>, vector<1x1x16xf32>,
    %swap3A_208 = arith.constant 1 : i32
    %swap3A_209 = arith.constant 0 : i32
    %swap3A_210 = arith.index_cast %swap3A_208 : i32 to index
    %swap3A_211 = arith.index_cast %swap3A_209 : i32 to index
    %swap3A_212 = arith.constant 0 : index
    %swap3A_213 = tpu.vector_load %arg6[%swap3A_210, %swap3A_211, %swap3A_212] {strides = array<i32>} : memref<8x8x16xf32, #tpu.memory_space<vmem>>, vector<1x1x16xf32>,
    %swap3A_214 = vector.shape_cast %swap3A_213 : vector<1x1x16xf32> to vector<16xf32>
    %swap3A_215 = vector.shape_cast %broadcast_in_dim3A_72 : vector<16xf32> to vector<1x1x16xf32>
    tpu.vector_store %arg6[%swap3A_210, %swap3A_211, %swap3A_212], %swap3A_215 {strides = array<i32>} : memref<8x8x16xf32, #tpu.memory_space<vmem>>, vector<1x1x16xf32>,
    %swap3A_216 = arith.constant 1 : i32
    %swap3A_217 = arith.constant 1 : i32
    %swap3A_218 = arith.index_cast %swap3A_216 : i32 to index
    %swap3A_219 = arith.index_cast %swap3A_217 : i32 to index
    %swap3A_220 = arith.constant 0 : index
    %swap3A_221 = tpu.vector_load %arg5[%swap3A_218, %swap3A_219, %swap3A_220] {strides = array<i32>} : memref<8x8x16xf32, #tpu.memory_space<vmem>>, vector<1x1x16xf32>,
    %swap3A_222 = vector.shape_cast %swap3A_221 : vector<1x1x16xf32> to vector<16xf32>
    %swap3A_223 = vector.shape_cast %broadcast_in_dim3A_72 : vector<16xf32> to vector<1x1x16xf32>
    tpu.vector_store %arg5[%swap3A_218, %swap3A_219, %swap3A_220], %swap3A_223 {strides = array<i32>} : memref<8x8x16xf32, #tpu.memory_space<vmem>>, vector<1x1x16xf32>,
    %swap3A_224 = arith.constant 1 : i32
    %swap3A_225 = arith.constant 1 : i32
    %swap3A_226 = arith.index_cast %swap3A_224 : i32 to index
    %swap3A_227 = arith.index_cast %swap3A_225 : i32 to index
    %swap3A_228 = arith.constant 0 : index
    %swap3A_229 = tpu.vector_load %arg6[%swap3A_226, %swap3A_227, %swap3A_228] {strides = array<i32>} : memref<8x8x16xf32, #tpu.memory_space<vmem>>, vector<1x1x16xf32>,
    %swap3A_230 = vector.shape_cast %swap3A_229 : vector<1x1x16xf32> to vector<16xf32>
    %swap3A_231 = vector.shape_cast %broadcast_in_dim3A_72 : vector<16xf32> to vector<1x1x16xf32>
    tpu.vector_store %arg6[%swap3A_226, %swap3A_227, %swap3A_228], %swap3A_231 {strides = array<i32>} : memref<8x8x16xf32, #tpu.memory_space<vmem>>, vector<1x1x16xf32>,
    %swap3A_232 = arith.constant 1 : i32
    %swap3A_233 = arith.constant 2 : i32
    %swap3A_234 = arith.index_cast %swap3A_232 : i32 to index
    %swap3A_235 = arith.index_cast %swap3A_233 : i32 to index
    %swap3A_236 = arith.constant 0 : index
    %swap3A_237 = tpu.vector_load %arg5[%swap3A_234, %swap3A_235, %swap3A_236] {strides = array<i32>} : memref<8x8x16xf32, #tpu.memory_space<vmem>>, vector<1x1x16xf32>,
    %swap3A_238 = vector.shape_cast %swap3A_237 : vector<1x1x16xf32> to vector<16xf32>
    %swap3A_239 = vector.shape_cast %broadcast_in_dim3A_72 : vector<16xf32> to vector<1x1x16xf32>
    tpu.vector_store %arg5[%swap3A_234, %swap3A_235, %swap3A_236], %swap3A_239 {strides = array<i32>} : memref<8x8x16xf32, #tpu.memory_space<vmem>>, vector<1x1x16xf32>,
    %swap3A_240 = arith.constant 1 : i32
    %swap3A_241 = arith.constant 2 : i32
    %swap3A_242 = arith.index_cast %swap3A_240 : i32 to index
    %swap3A_243 = arith.index_cast %swap3A_241 : i32 to index
    %swap3A_244 = arith.constant 0 : index
    %swap3A_245 = tpu.vector_load %arg6[%swap3A_242, %swap3A_243, %swap3A_244] {strides = array<i32>} : memref<8x8x16xf32, #tpu.memory_space<vmem>>, vector<1x1x16xf32>,
    %swap3A_246 = vector.shape_cast %swap3A_245 : vector<1x1x16xf32> to vector<16xf32>
    %swap3A_247 = vector.shape_cast %broadcast_in_dim3A_72 : vector<16xf32> to vector<1x1x16xf32>
    tpu.vector_store %arg6[%swap3A_242, %swap3A_243, %swap3A_244], %swap3A_247 {strides = array<i32>} : memref<8x8x16xf32, #tpu.memory_space<vmem>>, vector<1x1x16xf32>,
    %swap3A_248 = arith.constant 1 : i32
    %swap3A_249 = arith.constant 3 : i32
    %swap3A_250 = arith.index_cast %swap3A_248 : i32 to index
    %swap3A_251 = arith.index_cast %swap3A_249 : i32 to index
    %swap3A_252 = arith.constant 0 : index
    %swap3A_253 = tpu.vector_load %arg5[%swap3A_250, %swap3A_251, %swap3A_252] {strides = array<i32>} : memref<8x8x16xf32, #tpu.memory_space<vmem>>, vector<1x1x16xf32>,
    %swap3A_254 = vector.shape_cast %swap3A_253 : vector<1x1x16xf32> to vector<16xf32>
    %swap3A_255 = vector.shape_cast %broadcast_in_dim3A_72 : vector<16xf32> to vector<1x1x16xf32>
    tpu.vector_store %arg5[%swap3A_250, %swap3A_251, %swap3A_252], %swap3A_255 {strides = array<i32>} : memref<8x8x16xf32, #tpu.memory_space<vmem>>, vector<1x1x16xf32>,
    %swap3A_256 = arith.constant 1 : i32
    %swap3A_257 = arith.constant 3 : i32
    %swap3A_258 = arith.index_cast %swap3A_256 : i32 to index
    %swap3A_259 = arith.index_cast %swap3A_257 : i32 to index
    %swap3A_260 = arith.constant 0 : index
    %swap3A_261 = tpu.vector_load %arg6[%swap3A_258, %swap3A_259, %swap3A_260] {strides = array<i32>} : memref<8x8x16xf32, #tpu.memory_space<vmem>>, vector<1x1x16xf32>,
    %swap3A_262 = vector.shape_cast %swap3A_261 : vector<1x1x16xf32> to vector<16xf32>
    %swap3A_263 = vector.shape_cast %broadcast_in_dim3A_72 : vector<16xf32> to vector<1x1x16xf32>
    tpu.vector_store %arg6[%swap3A_258, %swap3A_259, %swap3A_260], %swap3A_263 {strides = array<i32>} : memref<8x8x16xf32, #tpu.memory_space<vmem>>, vector<1x1x16xf32>,
    %swap3A_264 = arith.constant 1 : i32
    %swap3A_265 = arith.constant 4 : i32
    %swap3A_266 = arith.index_cast %swap3A_264 : i32 to index
    %swap3A_267 = arith.index_cast %swap3A_265 : i32 to index
    %swap3A_268 = arith.constant 0 : index
    %swap3A_269 = tpu.vector_load %arg5[%swap3A_266, %swap3A_267, %swap3A_268] {strides = array<i32>} : memref<8x8x16xf32, #tpu.memory_space<vmem>>, vector<1x1x16xf32>,
    %swap3A_270 = vector.shape_cast %swap3A_269 : vector<1x1x16xf32> to vector<16xf32>
    %swap3A_271 = vector.shape_cast %broadcast_in_dim3A_72 : vector<16xf32> to vector<1x1x16xf32>
    tpu.vector_store %arg5[%swap3A_266, %swap3A_267, %swap3A_268], %swap3A_271 {strides = array<i32>} : memref<8x8x16xf32, #tpu.memory_space<vmem>>, vector<1x1x16xf32>,
    %swap3A_272 = arith.constant 1 : i32
    %swap3A_273 = arith.constant 4 : i32
    %swap3A_274 = arith.index_cast %swap3A_272 : i32 to index
    %swap3A_275 = arith.index_cast %swap3A_273 : i32 to index
    %swap3A_276 = arith.constant 0 : index
    %swap3A_277 = tpu.vector_load %arg6[%swap3A_274, %swap3A_275, %swap3A_276] {strides = array<i32>} : memref<8x8x16xf32, #tpu.memory_space<vmem>>, vector<1x1x16xf32>,
    %swap3A_278 = vector.shape_cast %swap3A_277 : vector<1x1x16xf32> to vector<16xf32>
    %swap3A_279 = vector.shape_cast %broadcast_in_dim3A_72 : vector<16xf32> to vector<1x1x16xf32>
    tpu.vector_store %arg6[%swap3A_274, %swap3A_275, %swap3A_276], %swap3A_279 {strides = array<i32>} : memref<8x8x16xf32, #tpu.memory_space<vmem>>, vector<1x1x16xf32>,
    %swap3A_280 = arith.constant 1 : i32
    %swap3A_281 = arith.constant 5 : i32
    %swap3A_282 = arith.index_cast %swap3A_280 : i32 to index
    %swap3A_283 = arith.index_cast %swap3A_281 : i32 to index
    %swap3A_284 = arith.constant 0 : index
    %swap3A_285 = tpu.vector_load %arg5[%swap3A_282, %swap3A_283, %swap3A_284] {strides = array<i32>} : memref<8x8x16xf32, #tpu.memory_space<vmem>>, vector<1x1x16xf32>,
    %swap3A_286 = vector.shape_cast %swap3A_285 : vector<1x1x16xf32> to vector<16xf32>
    %swap3A_287 = vector.shape_cast %broadcast_in_dim3A_72 : vector<16xf32> to vector<1x1x16xf32>
    tpu.vector_store %arg5[%swap3A_282, %swap3A_283, %swap3A_284], %swap3A_287 {strides = array<i32>} : memref<8x8x16xf32, #tpu.memory_space<vmem>>, vector<1x1x16xf32>,
    %swap3A_288 = arith.constant 1 : i32
    %swap3A_289 = arith.constant 5 : i32
    %swap3A_290 = arith.index_cast %swap3A_288 : i32 to index
    %swap3A_291 = arith.index_cast %swap3A_289 : i32 to index
    %swap3A_292 = arith.constant 0 : index
    %swap3A_293 = tpu.vector_load %arg6[%swap3A_290, %swap3A_291, %swap3A_292] {strides = array<i32>} : memref<8x8x16xf32, #tpu.memory_space<vmem>>, vector<1x1x16xf32>,
    %swap3A_294 = vector.shape_cast %swap3A_293 : vector<1x1x16xf32> to vector<16xf32>
    %swap3A_295 = vector.shape_cast %broadcast_in_dim3A_72 : vector<16xf32> to vector<1x1x16xf32>
    tpu.vector_store %arg6[%swap3A_290, %swap3A_291, %swap3A_292], %swap3A_295 {strides = array<i32>} : memref<8x8x16xf32, #tpu.memory_space<vmem>>, vector<1x1x16xf32>,
    %swap3A_296 = arith.constant 1 : i32
    %swap3A_297 = arith.constant 6 : i32
    %swap3A_298 = arith.index_cast %swap3A_296 : i32 to index
    %swap3A_299 = arith.index_cast %swap3A_297 : i32 to index
    %swap3A_300 = arith.constant 0 : index
    %swap3A_301 = tpu.vector_load %arg5[%swap3A_298, %swap3A_299, %swap3A_300] {strides = array<i32>} : memref<8x8x16xf32, #tpu.memory_space<vmem>>, vector<1x1x16xf32>,
    %swap3A_302 = vector.shape_cast %swap3A_301 : vector<1x1x16xf32> to vector<16xf32>
    %swap3A_303 = vector.shape_cast %broadcast_in_dim3A_72 : vector<16xf32> to vector<1x1x16xf32>
    tpu.vector_store %arg5[%swap3A_298, %swap3A_299, %swap3A_300], %swap3A_303 {strides = array<i32>} : memref<8x8x16xf32, #tpu.memory_space<vmem>>, vector<1x1x16xf32>,
    %swap3A_304 = arith.constant 1 : i32
    %swap3A_305 = arith.constant 6 : i32
    %swap3A_306 = arith.index_cast %swap3A_304 : i32 to index
    %swap3A_307 = arith.index_cast %swap3A_305 : i32 to index
    %swap3A_308 = arith.constant 0 : index
    %swap3A_309 = tpu.vector_load %arg6[%swap3A_306, %swap3A_307, %swap3A_308] {strides = array<i32>} : memref<8x8x16xf32, #tpu.memory_space<vmem>>, vector<1x1x16xf32>,
    %swap3A_310 = vector.shape_cast %swap3A_309 : vector<1x1x16xf32> to vector<16xf32>
    %swap3A_311 = vector.shape_cast %broadcast_in_dim3A_72 : vector<16xf32> to vector<1x1x16xf32>
    tpu.vector_store %arg6[%swap3A_306, %swap3A_307, %swap3A_308], %swap3A_311 {strides = array<i32>} : memref<8x8x16xf32, #tpu.memory_space<vmem>>, vector<1x1x16xf32>,
    %swap3A_312 = arith.constant 1 : i32
    %swap3A_313 = arith.constant 7 : i32
    %swap3A_314 = arith.index_cast %swap3A_312 : i32 to index
    %swap3A_315 = arith.index_cast %swap3A_313 : i32 to index
    %swap3A_316 = arith.constant 0 : index
    %swap3A_317 = tpu.vector_load %arg5[%swap3A_314, %swap3A_315, %swap3A_316] {strides = array<i32>} : memref<8x8x16xf32, #tpu.memory_space<vmem>>, vector<1x1x16xf32>,
    %swap3A_318 = vector.shape_cast %swap3A_317 : vector<1x1x16xf32> to vector<16xf32>
    %swap3A_319 = vector.shape_cast %broadcast_in_dim3A_72 : vector<16xf32> to vector<1x1x16xf32>
    tpu.vector_store %arg5[%swap3A_314, %swap3A_315, %swap3A_316], %swap3A_319 {strides = array<i32>} : memref<8x8x16xf32, #tpu.memory_space<vmem>>, vector<1x1x16xf32>,
    %swap3A_320 = arith.constant 1 : i32
    %swap3A_321 = arith.constant 7 : i32
    %swap3A_322 = arith.index_cast %swap3A_320 : i32 to index
    %swap3A_323 = arith.index_cast %swap3A_321 : i32 to index
    %swap3A_324 = arith.constant 0 : index
    %swap3A_325 = tpu.vector_load %arg6[%swap3A_322, %swap3A_323, %swap3A_324] {strides = array<i32>} : memref<8x8x16xf32, #tpu.memory_space<vmem>>, vector<1x1x16xf32>,
    %swap3A_326 = vector.shape_cast %swap3A_325 : vector<1x1x16xf32> to vector<16xf32>
    %swap3A_327 = vector.shape_cast %broadcast_in_dim3A_72 : vector<16xf32> to vector<1x1x16xf32>
    tpu.vector_store %arg6[%swap3A_322, %swap3A_323, %swap3A_324], %swap3A_327 {strides = array<i32>} : memref<8x8x16xf32, #tpu.memory_space<vmem>>, vector<1x1x16xf32>,
    %swap3A_328 = arith.constant 2 : i32
    %swap3A_329 = arith.constant 0 : i32
    %swap3A_330 = arith.index_cast %swap3A_328 : i32 to index
    %swap3A_331 = arith.index_cast %swap3A_329 : i32 to index
    %swap3A_332 = arith.constant 0 : index
    %swap3A_333 = tpu.vector_load %arg5[%swap3A_330, %swap3A_331, %swap3A_332] {strides = array<i32>} : memref<8x8x16xf32, #tpu.memory_space<vmem>>, vector<1x1x16xf32>,
    %swap3A_334 = vector.shape_cast %swap3A_333 : vector<1x1x16xf32> to vector<16xf32>
    %swap3A_335 = vector.shape_cast %broadcast_in_dim3A_72 : vector<16xf32> to vector<1x1x16xf32>
    tpu.vector_store %arg5[%swap3A_330, %swap3A_331, %swap3A_332], %swap3A_335 {strides = array<i32>} : memref<8x8x16xf32, #tpu.memory_space<vmem>>, vector<1x1x16xf32>,
    %swap3A_336 = arith.constant 2 : i32
    %swap3A_337 = arith.constant 0 : i32
    %swap3A_338 = arith.index_cast %swap3A_336 : i32 to index
    %swap3A_339 = arith.index_cast %swap3A_337 : i32 to index
    %swap3A_340 = arith.constant 0 : index
    %swap3A_341 = tpu.vector_load %arg6[%swap3A_338, %swap3A_339, %swap3A_340] {strides = array<i32>} : memref<8x8x16xf32, #tpu.memory_space<vmem>>, vector<1x1x16xf32>,
    %swap3A_342 = vector.shape_cast %swap3A_341 : vector<1x1x16xf32> to vector<16xf32>
    %swap3A_343 = vector.shape_cast %broadcast_in_dim3A_72 : vector<16xf32> to vector<1x1x16xf32>
    tpu.vector_store %arg6[%swap3A_338, %swap3A_339, %swap3A_340], %swap3A_343 {strides = array<i32>} : memref<8x8x16xf32, #tpu.memory_space<vmem>>, vector<1x1x16xf32>,
    %swap3A_344 = arith.constant 2 : i32
    %swap3A_345 = arith.constant 1 : i32
    %swap3A_346 = arith.index_cast %swap3A_344 : i32 to index
    %swap3A_347 = arith.index_cast %swap3A_345 : i32 to index
    %swap3A_348 = arith.constant 0 : index
    %swap3A_349 = tpu.vector_load %arg5[%swap3A_346, %swap3A_347, %swap3A_348] {strides = array<i32>} : memref<8x8x16xf32, #tpu.memory_space<vmem>>, vector<1x1x16xf32>,
    %swap3A_350 = vector.shape_cast %swap3A_349 : vector<1x1x16xf32> to vector<16xf32>
    %swap3A_351 = vector.shape_cast %broadcast_in_dim3A_72 : vector<16xf32> to vector<1x1x16xf32>
    tpu.vector_store %arg5[%swap3A_346, %swap3A_347, %swap3A_348], %swap3A_351 {strides = array<i32>} : memref<8x8x16xf32, #tpu.memory_space<vmem>>, vector<1x1x16xf32>,
    %swap3A_352 = arith.constant 2 : i32
    %swap3A_353 = arith.constant 1 : i32
    %swap3A_354 = arith.index_cast %swap3A_352 : i32 to index
    %swap3A_355 = arith.index_cast %swap3A_353 : i32 to index
    %swap3A_356 = arith.constant 0 : index
    %swap3A_357 = tpu.vector_load %arg6[%swap3A_354, %swap3A_355, %swap3A_356] {strides = array<i32>} : memref<8x8x16xf32, #tpu.memory_space<vmem>>, vector<1x1x16xf32>,
    %swap3A_358 = vector.shape_cast %swap3A_357 : vector<1x1x16xf32> to vector<16xf32>
    %swap3A_359 = vector.shape_cast %broadcast_in_dim3A_72 : vector<16xf32> to vector<1x1x16xf32>
    tpu.vector_store %arg6[%swap3A_354, %swap3A_355, %swap3A_356], %swap3A_359 {strides = array<i32>} : memref<8x8x16xf32, #tpu.memory_space<vmem>>, vector<1x1x16xf32>,
    %swap3A_360 = arith.constant 2 : i32
    %swap3A_361 = arith.constant 2 : i32
    %swap3A_362 = arith.index_cast %swap3A_360 : i32 to index
    %swap3A_363 = arith.index_cast %swap3A_361 : i32 to index
    %swap3A_364 = arith.constant 0 : index
    %swap3A_365 = tpu.vector_load %arg5[%swap3A_362, %swap3A_363, %swap3A_364] {strides = array<i32>} : memref<8x8x16xf32, #tpu.memory_space<vmem>>, vector<1x1x16xf32>,
    %swap3A_366 = vector.shape_cast %swap3A_365 : vector<1x1x16xf32> to vector<16xf32>
    %swap3A_367 = vector.shape_cast %broadcast_in_dim3A_72 : vector<16xf32> to vector<1x1x16xf32>
    tpu.vector_store %arg5[%swap3A_362, %swap3A_363, %swap3A_364], %swap3A_367 {strides = array<i32>} : memref<8x8x16xf32, #tpu.memory_space<vmem>>, vector<1x1x16xf32>,
    %swap3A_368 = arith.constant 2 : i32
    %swap3A_369 = arith.constant 2 : i32
    %swap3A_370 = arith.index_cast %swap3A_368 : i32 to index
    %swap3A_371 = arith.index_cast %swap3A_369 : i32 to index
    %swap3A_372 = arith.constant 0 : index
    %swap3A_373 = tpu.vector_load %arg6[%swap3A_370, %swap3A_371, %swap3A_372] {strides = array<i32>} : memref<8x8x16xf32, #tpu.memory_space<vmem>>, vector<1x1x16xf32>,
    %swap3A_374 = vector.shape_cast %swap3A_373 : vector<1x1x16xf32> to vector<16xf32>
    %swap3A_375 = vector.shape_cast %broadcast_in_dim3A_72 : vector<16xf32> to vector<1x1x16xf32>
    tpu.vector_store %arg6[%swap3A_370, %swap3A_371, %swap3A_372], %swap3A_375 {strides = array<i32>} : memref<8x8x16xf32, #tpu.memory_space<vmem>>, vector<1x1x16xf32>,
    %swap3A_376 = arith.constant 2 : i32
    %swap3A_377 = arith.constant 3 : i32
    %swap3A_378 = arith.index_cast %swap3A_376 : i32 to index
    %swap3A_379 = arith.index_cast %swap3A_377 : i32 to index
    %swap3A_380 = arith.constant 0 : index
    %swap3A_381 = tpu.vector_load %arg5[%swap3A_378, %swap3A_379, %swap3A_380] {strides = array<i32>} : memref<8x8x16xf32, #tpu.memory_space<vmem>>, vector<1x1x16xf32>,
    %swap3A_382 = vector.shape_cast %swap3A_381 : vector<1x1x16xf32> to vector<16xf32>
    %swap3A_383 = vector.shape_cast %broadcast_in_dim3A_72 : vector<16xf32> to vector<1x1x16xf32>
    tpu.vector_store %arg5[%swap3A_378, %swap3A_379, %swap3A_380], %swap3A_383 {strides = array<i32>} : memref<8x8x16xf32, #tpu.memory_space<vmem>>, vector<1x1x16xf32>,
    %swap3A_384 = arith.constant 2 : i32
    %swap3A_385 = arith.constant 3 : i32
    %swap3A_386 = arith.index_cast %swap3A_384 : i32 to index
    %swap3A_387 = arith.index_cast %swap3A_385 : i32 to index
    %swap3A_388 = arith.constant 0 : index
    %swap3A_389 = tpu.vector_load %arg6[%swap3A_386, %swap3A_387, %swap3A_388] {strides = array<i32>} : memref<8x8x16xf32, #tpu.memory_space<vmem>>, vector<1x1x16xf32>,
    %swap3A_390 = vector.shape_cast %swap3A_389 : vector<1x1x16xf32> to vector<16xf32>
    %swap3A_391 = vector.shape_cast %broadcast_in_dim3A_72 : vector<16xf32> to vector<1x1x16xf32>
    tpu.vector_store %arg6[%swap3A_386, %swap3A_387, %swap3A_388], %swap3A_391 {strides = array<i32>} : memref<8x8x16xf32, #tpu.memory_space<vmem>>, vector<1x1x16xf32>,
    %swap3A_392 = arith.constant 2 : i32
    %swap3A_393 = arith.constant 4 : i32
    %swap3A_394 = arith.index_cast %swap3A_392 : i32 to index
    %swap3A_395 = arith.index_cast %swap3A_393 : i32 to index
    %swap3A_396 = arith.constant 0 : index
    %swap3A_397 = tpu.vector_load %arg5[%swap3A_394, %swap3A_395, %swap3A_396] {strides = array<i32>} : memref<8x8x16xf32, #tpu.memory_space<vmem>>, vector<1x1x16xf32>,
    %swap3A_398 = vector.shape_cast %swap3A_397 : vector<1x1x16xf32> to vector<16xf32>
    %swap3A_399 = vector.shape_cast %broadcast_in_dim3A_72 : vector<16xf32> to vector<1x1x16xf32>
    tpu.vector_store %arg5[%swap3A_394, %swap3A_395, %swap3A_396], %swap3A_399 {strides = array<i32>} : memref<8x8x16xf32, #tpu.memory_space<vmem>>, vector<1x1x16xf32>,
    %swap3A_400 = arith.constant 2 : i32
    %swap3A_401 = arith.constant 4 : i32
    %swap3A_402 = arith.index_cast %swap3A_400 : i32 to index
    %swap3A_403 = arith.index_cast %swap3A_401 : i32 to index
    %swap3A_404 = arith.constant 0 : index
    %swap3A_405 = tpu.vector_load %arg6[%swap3A_402, %swap3A_403, %swap3A_404] {strides = array<i32>} : memref<8x8x16xf32, #tpu.memory_space<vmem>>, vector<1x1x16xf32>,
    %swap3A_406 = vector.shape_cast %swap3A_405 : vector<1x1x16xf32> to vector<16xf32>
    %swap3A_407 = vector.shape_cast %broadcast_in_dim3A_72 : vector<16xf32> to vector<1x1x16xf32>
    tpu.vector_store %arg6[%swap3A_402, %swap3A_403, %swap3A_404], %swap3A_407 {strides = array<i32>} : memref<8x8x16xf32, #tpu.memory_space<vmem>>, vector<1x1x16xf32>,
    %swap3A_408 = arith.constant 2 : i32
    %swap3A_409 = arith.constant 5 : i32
    %swap3A_410 = arith.index_cast %swap3A_408 : i32 to index
    %swap3A_411 = arith.index_cast %swap3A_409 : i32 to index
    %swap3A_412 = arith.constant 0 : index
    %swap3A_413 = tpu.vector_load %arg5[%swap3A_410, %swap3A_411, %swap3A_412] {strides = array<i32>} : memref<8x8x16xf32, #tpu.memory_space<vmem>>, vector<1x1x16xf32>,
    %swap3A_414 = vector.shape_cast %swap3A_413 : vector<1x1x16xf32> to vector<16xf32>
    %swap3A_415 = vector.shape_cast %broadcast_in_dim3A_72 : vector<16xf32> to vector<1x1x16xf32>
    tpu.vector_store %arg5[%swap3A_410, %swap3A_411, %swap3A_412], %swap3A_415 {strides = array<i32>} : memref<8x8x16xf32, #tpu.memory_space<vmem>>, vector<1x1x16xf32>,
    %swap3A_416 = arith.constant 2 : i32
    %swap3A_417 = arith.constant 5 : i32
    %swap3A_418 = arith.index_cast %swap3A_416 : i32 to index
    %swap3A_419 = arith.index_cast %swap3A_417 : i32 to index
    %swap3A_420 = arith.constant 0 : index
    %swap3A_421 = tpu.vector_load %arg6[%swap3A_418, %swap3A_419, %swap3A_420] {strides = array<i32>} : memref<8x8x16xf32, #tpu.memory_space<vmem>>, vector<1x1x16xf32>,
    %swap3A_422 = vector.shape_cast %swap3A_421 : vector<1x1x16xf32> to vector<16xf32>
    %swap3A_423 = vector.shape_cast %broadcast_in_dim3A_72 : vector<16xf32> to vector<1x1x16xf32>
    tpu.vector_store %arg6[%swap3A_418, %swap3A_419, %swap3A_420], %swap3A_423 {strides = array<i32>} : memref<8x8x16xf32, #tpu.memory_space<vmem>>, vector<1x1x16xf32>,
    %swap3A_424 = arith.constant 2 : i32
    %swap3A_425 = arith.constant 6 : i32
    %swap3A_426 = arith.index_cast %swap3A_424 : i32 to index
    %swap3A_427 = arith.index_cast %swap3A_425 : i32 to index
    %swap3A_428 = arith.constant 0 : index
    %swap3A_429 = tpu.vector_load %arg5[%swap3A_426, %swap3A_427, %swap3A_428] {strides = array<i32>} : memref<8x8x16xf32, #tpu.memory_space<vmem>>, vector<1x1x16xf32>,
    %swap3A_430 = vector.shape_cast %swap3A_429 : vector<1x1x16xf32> to vector<16xf32>
    %swap3A_431 = vector.shape_cast %broadcast_in_dim3A_72 : vector<16xf32> to vector<1x1x16xf32>
    tpu.vector_store %arg5[%swap3A_426, %swap3A_427, %swap3A_428], %swap3A_431 {strides = array<i32>} : memref<8x8x16xf32, #tpu.memory_space<vmem>>, vector<1x1x16xf32>,
    %swap3A_432 = arith.constant 2 : i32
    %swap3A_433 = arith.constant 6 : i32
    %swap3A_434 = arith.index_cast %swap3A_432 : i32 to index
    %swap3A_435 = arith.index_cast %swap3A_433 : i32 to index
    %swap3A_436 = arith.constant 0 : index
    %swap3A_437 = tpu.vector_load %arg6[%swap3A_434, %swap3A_435, %swap3A_436] {strides = array<i32>} : memref<8x8x16xf32, #tpu.memory_space<vmem>>, vector<1x1x16xf32>,
    %swap3A_438 = vector.shape_cast %swap3A_437 : vector<1x1x16xf32> to vector<16xf32>
    %swap3A_439 = vector.shape_cast %broadcast_in_dim3A_72 : vector<16xf32> to vector<1x1x16xf32>
    tpu.vector_store %arg6[%swap3A_434, %swap3A_435, %swap3A_436], %swap3A_439 {strides = array<i32>} : memref<8x8x16xf32, #tpu.memory_space<vmem>>, vector<1x1x16xf32>,
    %swap3A_440 = arith.constant 2 : i32
    %swap3A_441 = arith.constant 7 : i32
    %swap3A_442 = arith.index_cast %swap3A_440 : i32 to index
    %swap3A_443 = arith.index_cast %swap3A_441 : i32 to index
    %swap3A_444 = arith.constant 0 : index
    %swap3A_445 = tpu.vector_load %arg5[%swap3A_442, %swap3A_443, %swap3A_444] {strides = array<i32>} : memref<8x8x16xf32, #tpu.memory_space<vmem>>, vector<1x1x16xf32>,
    %swap3A_446 = vector.shape_cast %swap3A_445 : vector<1x1x16xf32> to vector<16xf32>
    %swap3A_447 = vector.shape_cast %broadcast_in_dim3A_72 : vector<16xf32> to vector<1x1x16xf32>
    tpu.vector_store %arg5[%swap3A_442, %swap3A_443, %swap3A_444], %swap3A_447 {strides = array<i32>} : memref<8x8x16xf32, #tpu.memory_space<vmem>>, vector<1x1x16xf32>,
    %swap3A_448 = arith.constant 2 : i32
    %swap3A_449 = arith.constant 7 : i32
    %swap3A_450 = arith.index_cast %swap3A_448 : i32 to index
    %swap3A_451 = arith.index_cast %swap3A_449 : i32 to index
    %swap3A_452 = arith.constant 0 : index
    %swap3A_453 = tpu.vector_load %arg6[%swap3A_450, %swap3A_451, %swap3A_452] {strides = array<i32>} : memref<8x8x16xf32, #tpu.memory_space<vmem>>, vector<1x1x16xf32>,
    %swap3A_454 = vector.shape_cast %swap3A_453 : vector<1x1x16xf32> to vector<16xf32>
    %swap3A_455 = vector.shape_cast %broadcast_in_dim3A_72 : vector<16xf32> to vector<1x1x16xf32>
    tpu.vector_store %arg6[%swap3A_450, %swap3A_451, %swap3A_452], %swap3A_455 {strides = array<i32>} : memref<8x8x16xf32, #tpu.memory_space<vmem>>, vector<1x1x16xf32>,
    %swap3A_456 = arith.constant 3 : i32
    %swap3A_457 = arith.constant 0 : i32
    %swap3A_458 = arith.index_cast %swap3A_456 : i32 to index
    %swap3A_459 = arith.index_cast %swap3A_457 : i32 to index
    %swap3A_460 = arith.constant 0 : index
    %swap3A_461 = tpu.vector_load %arg5[%swap3A_458, %swap3A_459, %swap3A_460] {strides = array<i32>} : memref<8x8x16xf32, #tpu.memory_space<vmem>>, vector<1x1x16xf32>,
    %swap3A_462 = vector.shape_cast %swap3A_461 : vector<1x1x16xf32> to vector<16xf32>
    %swap3A_463 = vector.shape_cast %broadcast_in_dim3A_72 : vector<16xf32> to vector<1x1x16xf32>
    tpu.vector_store %arg5[%swap3A_458, %swap3A_459, %swap3A_460], %swap3A_463 {strides = array<i32>} : memref<8x8x16xf32, #tpu.memory_space<vmem>>, vector<1x1x16xf32>,
    %swap3A_464 = arith.constant 3 : i32
    %swap3A_465 = arith.constant 0 : i32
    %swap3A_466 = arith.index_cast %swap3A_464 : i32 to index
    %swap3A_467 = arith.index_cast %swap3A_465 : i32 to index
    %swap3A_468 = arith.constant 0 : index
    %swap3A_469 = tpu.vector_load %arg6[%swap3A_466, %swap3A_467, %swap3A_468] {strides = array<i32>} : memref<8x8x16xf32, #tpu.memory_space<vmem>>, vector<1x1x16xf32>,
    %swap3A_470 = vector.shape_cast %swap3A_469 : vector<1x1x16xf32> to vector<16xf32>
    %swap3A_471 = vector.shape_cast %broadcast_in_dim3A_72 : vector<16xf32> to vector<1x1x16xf32>
    tpu.vector_store %arg6[%swap3A_466, %swap3A_467, %swap3A_468], %swap3A_471 {strides = array<i32>} : memref<8x8x16xf32, #tpu.memory_space<vmem>>, vector<1x1x16xf32>,
    %swap3A_472 = arith.constant 3 : i32
    %swap3A_473 = arith.constant 1 : i32
    %swap3A_474 = arith.index_cast %swap3A_472 : i32 to index
    %swap3A_475 = arith.index_cast %swap3A_473 : i32 to index
    %swap3A_476 = arith.constant 0 : index
    %swap3A_477 = tpu.vector_load %arg5[%swap3A_474, %swap3A_475, %swap3A_476] {strides = array<i32>} : memref<8x8x16xf32, #tpu.memory_space<vmem>>, vector<1x1x16xf32>,
    %swap3A_478 = vector.shape_cast %swap3A_477 : vector<1x1x16xf32> to vector<16xf32>
    %swap3A_479 = vector.shape_cast %broadcast_in_dim3A_72 : vector<16xf32> to vector<1x1x16xf32>
    tpu.vector_store %arg5[%swap3A_474, %swap3A_475, %swap3A_476], %swap3A_479 {strides = array<i32>} : memref<8x8x16xf32, #tpu.memory_space<vmem>>, vector<1x1x16xf32>,
    %swap3A_480 = arith.constant 3 : i32
    %swap3A_481 = arith.constant 1 : i32
    %swap3A_482 = arith.index_cast %swap3A_480 : i32 to index
    %swap3A_483 = arith.index_cast %swap3A_481 : i32 to index
    %swap3A_484 = arith.constant 0 : index
    %swap3A_485 = tpu.vector_load %arg6[%swap3A_482, %swap3A_483, %swap3A_484] {strides = array<i32>} : memref<8x8x16xf32, #tpu.memory_space<vmem>>, vector<1x1x16xf32>,
    %swap3A_486 = vector.shape_cast %swap3A_485 : vector<1x1x16xf32> to vector<16xf32>
    %swap3A_487 = vector.shape_cast %broadcast_in_dim3A_72 : vector<16xf32> to vector<1x1x16xf32>
    tpu.vector_store %arg6[%swap3A_482, %swap3A_483, %swap3A_484], %swap3A_487 {strides = array<i32>} : memref<8x8x16xf32, #tpu.memory_space<vmem>>, vector<1x1x16xf32>,
    %swap3A_488 = arith.constant 3 : i32
    %swap3A_489 = arith.constant 2 : i32
    %swap3A_490 = arith.index_cast %swap3A_488 : i32 to index
    %swap3A_491 = arith.index_cast %swap3A_489 : i32 to index
    %swap3A_492 = arith.constant 0 : index
    %swap3A_493 = tpu.vector_load %arg5[%swap3A_490, %swap3A_491, %swap3A_492] {strides = array<i32>} : memref<8x8x16xf32, #tpu.memory_space<vmem>>, vector<1x1x16xf32>,
    %swap3A_494 = vector.shape_cast %swap3A_493 : vector<1x1x16xf32> to vector<16xf32>
    %swap3A_495 = vector.shape_cast %broadcast_in_dim3A_72 : vector<16xf32> to vector<1x1x16xf32>
    tpu.vector_store %arg5[%swap3A_490, %swap3A_491, %swap3A_492], %swap3A_495 {strides = array<i32>} : memref<8x8x16xf32, #tpu.memory_space<vmem>>, vector<1x1x16xf32>,
    %swap3A_496 = arith.constant 3 : i32
    %swap3A_497 = arith.constant 2 : i32
    %swap3A_498 = arith.index_cast %swap3A_496 : i32 to index
    %swap3A_499 = arith.index_cast %swap3A_497 : i32 to index
    %swap3A_500 = arith.constant 0 : index
    %swap3A_501 = tpu.vector_load %arg6[%swap3A_498, %swap3A_499, %swap3A_500] {strides = array<i32>} : memref<8x8x16xf32, #tpu.memory_space<vmem>>, vector<1x1x16xf32>,
    %swap3A_502 = vector.shape_cast %swap3A_501 : vector<1x1x16xf32> to vector<16xf32>
    %swap3A_503 = vector.shape_cast %broadcast_in_dim3A_72 : vector<16xf32> to vector<1x1x16xf32>
    tpu.vector_store %arg6[%swap3A_498, %swap3A_499, %swap3A_500], %swap3A_503 {strides = array<i32>} : memref<8x8x16xf32, #tpu.memory_space<vmem>>, vector<1x1x16xf32>,
    %swap3A_504 = arith.constant 3 : i32
    %swap3A_505 = arith.constant 3 : i32
    %swap3A_506 = arith.index_cast %swap3A_504 : i32 to index
    %swap3A_507 = arith.index_cast %swap3A_505 : i32 to index
    %swap3A_508 = arith.constant 0 : index
    %swap3A_509 = tpu.vector_load %arg5[%swap3A_506, %swap3A_507, %swap3A_508] {strides = array<i32>} : memref<8x8x16xf32, #tpu.memory_space<vmem>>, vector<1x1x16xf32>,
    %swap3A_510 = vector.shape_cast %swap3A_509 : vector<1x1x16xf32> to vector<16xf32>
    %swap3A_511 = vector.shape_cast %broadcast_in_dim3A_72 : vector<16xf32> to vector<1x1x16xf32>
    tpu.vector_store %arg5[%swap3A_506, %swap3A_507, %swap3A_508], %swap3A_511 {strides = array<i32>} : memref<8x8x16xf32, #tpu.memory_space<vmem>>, vector<1x1x16xf32>,
    %swap3A_512 = arith.constant 3 : i32
    %swap3A_513 = arith.constant 3 : i32
    %swap3A_514 = arith.index_cast %swap3A_512 : i32 to index
    %swap3A_515 = arith.index_cast %swap3A_513 : i32 to index
    %swap3A_516 = arith.constant 0 : index
    %swap3A_517 = tpu.vector_load %arg6[%swap3A_514, %swap3A_515, %swap3A_516] {strides = array<i32>} : memref<8x8x16xf32, #tpu.memory_space<vmem>>, vector<1x1x16xf32>,
    %swap3A_518 = vector.shape_cast %swap3A_517 : vector<1x1x16xf32> to vector<16xf32>
    %swap3A_519 = vector.shape_cast %broadcast_in_dim3A_72 : vector<16xf32> to vector<1x1x16xf32>
    tpu.vector_store %arg6[%swap3A_514, %swap3A_515, %swap3A_516], %swap3A_519 {strides = array<i32>} : memref<8x8x16xf32, #tpu.memory_space<vmem>>, vector<1x1x16xf32>,
    %swap3A_520 = arith.constant 3 : i32
    %swap3A_521 = arith.constant 4 : i32
    %swap3A_522 = arith.index_cast %swap3A_520 : i32 to index
    %swap3A_523 = arith.index_cast %swap3A_521 : i32 to index
    %swap3A_524 = arith.constant 0 : index
    %swap3A_525 = tpu.vector_load %arg5[%swap3A_522, %swap3A_523, %swap3A_524] {strides = array<i32>} : memref<8x8x16xf32, #tpu.memory_space<vmem>>, vector<1x1x16xf32>,
    %swap3A_526 = vector.shape_cast %swap3A_525 : vector<1x1x16xf32> to vector<16xf32>
    %swap3A_527 = vector.shape_cast %broadcast_in_dim3A_72 : vector<16xf32> to vector<1x1x16xf32>
    tpu.vector_store %arg5[%swap3A_522, %swap3A_523, %swap3A_524], %swap3A_527 {strides = array<i32>} : memref<8x8x16xf32, #tpu.memory_space<vmem>>, vector<1x1x16xf32>,
    %swap3A_528 = arith.constant 3 : i32
    %swap3A_529 = arith.constant 4 : i32
    %swap3A_530 = arith.index_cast %swap3A_528 : i32 to index
    %swap3A_531 = arith.index_cast %swap3A_529 : i32 to index
    %swap3A_532 = arith.constant 0 : index
    %swap3A_533 = tpu.vector_load %arg6[%swap3A_530, %swap3A_531, %swap3A_532] {strides = array<i32>} : memref<8x8x16xf32, #tpu.memory_space<vmem>>, vector<1x1x16xf32>,
    %swap3A_534 = vector.shape_cast %swap3A_533 : vector<1x1x16xf32> to vector<16xf32>
    %swap3A_535 = vector.shape_cast %broadcast_in_dim3A_72 : vector<16xf32> to vector<1x1x16xf32>
    tpu.vector_store %arg6[%swap3A_530, %swap3A_531, %swap3A_532], %swap3A_535 {strides = array<i32>} : memref<8x8x16xf32, #tpu.memory_space<vmem>>, vector<1x1x16xf32>,
    %swap3A_536 = arith.constant 3 : i32
    %swap3A_537 = arith.constant 5 : i32
    %swap3A_538 = arith.index_cast %swap3A_536 : i32 to index
    %swap3A_539 = arith.index_cast %swap3A_537 : i32 to index
    %swap3A_540 = arith.constant 0 : index
    %swap3A_541 = tpu.vector_load %arg5[%swap3A_538, %swap3A_539, %swap3A_540] {strides = array<i32>} : memref<8x8x16xf32, #tpu.memory_space<vmem>>, vector<1x1x16xf32>,
    %swap3A_542 = vector.shape_cast %swap3A_541 : vector<1x1x16xf32> to vector<16xf32>
    %swap3A_543 = vector.shape_cast %broadcast_in_dim3A_72 : vector<16xf32> to vector<1x1x16xf32>
    tpu.vector_store %arg5[%swap3A_538, %swap3A_539, %swap3A_540], %swap3A_543 {strides = array<i32>} : memref<8x8x16xf32, #tpu.memory_space<vmem>>, vector<1x1x16xf32>,
    %swap3A_544 = arith.constant 3 : i32
    %swap3A_545 = arith.constant 5 : i32
    %swap3A_546 = arith.index_cast %swap3A_544 : i32 to index
    %swap3A_547 = arith.index_cast %swap3A_545 : i32 to index
    %swap3A_548 = arith.constant 0 : index
    %swap3A_549 = tpu.vector_load %arg6[%swap3A_546, %swap3A_547, %swap3A_548] {strides = array<i32>} : memref<8x8x16xf32, #tpu.memory_space<vmem>>, vector<1x1x16xf32>,
    %swap3A_550 = vector.shape_cast %swap3A_549 : vector<1x1x16xf32> to vector<16xf32>
    %swap3A_551 = vector.shape_cast %broadcast_in_dim3A_72 : vector<16xf32> to vector<1x1x16xf32>
    tpu.vector_store %arg6[%swap3A_546, %swap3A_547, %swap3A_548], %swap3A_551 {strides = array<i32>} : memref<8x8x16xf32, #tpu.memory_space<vmem>>, vector<1x1x16xf32>,
    %swap3A_552 = arith.constant 3 : i32
    %swap3A_553 = arith.constant 6 : i32
    %swap3A_554 = arith.index_cast %swap3A_552 : i32 to index
    %swap3A_555 = arith.index_cast %swap3A_553 : i32 to index
    %swap3A_556 = arith.constant 0 : index
    %swap3A_557 = tpu.vector_load %arg5[%swap3A_554, %swap3A_555, %swap3A_556] {strides = array<i32>} : memref<8x8x16xf32, #tpu.memory_space<vmem>>, vector<1x1x16xf32>,
    %swap3A_558 = vector.shape_cast %swap3A_557 : vector<1x1x16xf32> to vector<16xf32>
    %swap3A_559 = vector.shape_cast %broadcast_in_dim3A_72 : vector<16xf32> to vector<1x1x16xf32>
    tpu.vector_store %arg5[%swap3A_554, %swap3A_555, %swap3A_556], %swap3A_559 {strides = array<i32>} : memref<8x8x16xf32, #tpu.memory_space<vmem>>, vector<1x1x16xf32>,
    %swap3A_560 = arith.constant 3 : i32
    %swap3A_561 = arith.constant 6 : i32
    %swap3A_562 = arith.index_cast %swap3A_560 : i32 to index
    %swap3A_563 = arith.index_cast %swap3A_561 : i32 to index
    %swap3A_564 = arith.constant 0 : index
    %swap3A_565 = tpu.vector_load %arg6[%swap3A_562, %swap3A_563, %swap3A_564] {strides = array<i32>} : memref<8x8x16xf32, #tpu.memory_space<vmem>>, vector<1x1x16xf32>,
    %swap3A_566 = vector.shape_cast %swap3A_565 : vector<1x1x16xf32> to vector<16xf32>
    %swap3A_567 = vector.shape_cast %broadcast_in_dim3A_72 : vector<16xf32> to vector<1x1x16xf32>
    tpu.vector_store %arg6[%swap3A_562, %swap3A_563, %swap3A_564], %swap3A_567 {strides = array<i32>} : memref<8x8x16xf32, #tpu.memory_space<vmem>>, vector<1x1x16xf32>,
    %swap3A_568 = arith.constant 3 : i32
    %swap3A_569 = arith.constant 7 : i32
    %swap3A_570 = arith.index_cast %swap3A_568 : i32 to index
    %swap3A_571 = arith.index_cast %swap3A_569 : i32 to index
    %swap3A_572 = arith.constant 0 : index
    %swap3A_573 = tpu.vector_load %arg5[%swap3A_570, %swap3A_571, %swap3A_572] {strides = array<i32>} : memref<8x8x16xf32, #tpu.memory_space<vmem>>, vector<1x1x16xf32>,
    %swap3A_574 = vector.shape_cast %swap3A_573 : vector<1x1x16xf32> to vector<16xf32>
    %swap3A_575 = vector.shape_cast %broadcast_in_dim3A_72 : vector<16xf32> to vector<1x1x16xf32>
    tpu.vector_store %arg5[%swap3A_570, %swap3A_571, %swap3A_572], %swap3A_575 {strides = array<i32>} : memref<8x8x16xf32, #tpu.memory_space<vmem>>, vector<1x1x16xf32>,
    %swap3A_576 = arith.constant 3 : i32
    %swap3A_577 = arith.constant 7 : i32
    %swap3A_578 = arith.index_cast %swap3A_576 : i32 to index
    %swap3A_579 = arith.index_cast %swap3A_577 : i32 to index
    %swap3A_580 = arith.constant 0 : index
    %swap3A_581 = tpu.vector_load %arg6[%swap3A_578, %swap3A_579, %swap3A_580] {strides = array<i32>} : memref<8x8x16xf32, #tpu.memory_space<vmem>>, vector<1x1x16xf32>,
    %swap3A_582 = vector.shape_cast %swap3A_581 : vector<1x1x16xf32> to vector<16xf32>
    %swap3A_583 = vector.shape_cast %broadcast_in_dim3A_72 : vector<16xf32> to vector<1x1x16xf32>
    tpu.vector_store %arg6[%swap3A_578, %swap3A_579, %swap3A_580], %swap3A_583 {strides = array<i32>} : memref<8x8x16xf32, #tpu.memory_space<vmem>>, vector<1x1x16xf32>,
    %swap3A_584 = arith.constant 4 : i32
    %swap3A_585 = arith.constant 0 : i32
    %swap3A_586 = arith.index_cast %swap3A_584 : i32 to index
    %swap3A_587 = arith.index_cast %swap3A_585 : i32 to index
    %swap3A_588 = arith.constant 0 : index
    %swap3A_589 = tpu.vector_load %arg5[%swap3A_586, %swap3A_587, %swap3A_588] {strides = array<i32>} : memref<8x8x16xf32, #tpu.memory_space<vmem>>, vector<1x1x16xf32>,
    %swap3A_590 = vector.shape_cast %swap3A_589 : vector<1x1x16xf32> to vector<16xf32>
    %swap3A_591 = vector.shape_cast %broadcast_in_dim3A_72 : vector<16xf32> to vector<1x1x16xf32>
    tpu.vector_store %arg5[%swap3A_586, %swap3A_587, %swap3A_588], %swap3A_591 {strides = array<i32>} : memref<8x8x16xf32, #tpu.memory_space<vmem>>, vector<1x1x16xf32>,
    %swap3A_592 = arith.constant 4 : i32
    %swap3A_593 = arith.constant 0 : i32
    %swap3A_594 = arith.index_cast %swap3A_592 : i32 to index
    %swap3A_595 = arith.index_cast %swap3A_593 : i32 to index
    %swap3A_596 = arith.constant 0 : index
    %swap3A_597 = tpu.vector_load %arg6[%swap3A_594, %swap3A_595, %swap3A_596] {strides = array<i32>} : memref<8x8x16xf32, #tpu.memory_space<vmem>>, vector<1x1x16xf32>,
    %swap3A_598 = vector.shape_cast %swap3A_597 : vector<1x1x16xf32> to vector<16xf32>
    %swap3A_599 = vector.shape_cast %broadcast_in_dim3A_72 : vector<16xf32> to vector<1x1x16xf32>
    tpu.vector_store %arg6[%swap3A_594, %swap3A_595, %swap3A_596], %swap3A_599 {strides = array<i32>} : memref<8x8x16xf32, #tpu.memory_space<vmem>>, vector<1x1x16xf32>,
    %swap3A_600 = arith.constant 4 : i32
    %swap3A_601 = arith.constant 1 : i32
    %swap3A_602 = arith.index_cast %swap3A_600 : i32 to index
    %swap3A_603 = arith.index_cast %swap3A_601 : i32 to index
    %swap3A_604 = arith.constant 0 : index
    %swap3A_605 = tpu.vector_load %arg5[%swap3A_602, %swap3A_603, %swap3A_604] {strides = array<i32>} : memref<8x8x16xf32, #tpu.memory_space<vmem>>, vector<1x1x16xf32>,
    %swap3A_606 = vector.shape_cast %swap3A_605 : vector<1x1x16xf32> to vector<16xf32>
    %swap3A_607 = vector.shape_cast %broadcast_in_dim3A_72 : vector<16xf32> to vector<1x1x16xf32>
    tpu.vector_store %arg5[%swap3A_602, %swap3A_603, %swap3A_604], %swap3A_607 {strides = array<i32>} : memref<8x8x16xf32, #tpu.memory_space<vmem>>, vector<1x1x16xf32>,
    %swap3A_608 = arith.constant 4 : i32
    %swap3A_609 = arith.constant 1 : i32
    %swap3A_610 = arith.index_cast %swap3A_608 : i32 to index
    %swap3A_611 = arith.index_cast %swap3A_609 : i32 to index
    %swap3A_612 = arith.constant 0 : index
    %swap3A_613 = tpu.vector_load %arg6[%swap3A_610, %swap3A_611, %swap3A_612] {strides = array<i32>} : memref<8x8x16xf32, #tpu.memory_space<vmem>>, vector<1x1x16xf32>,
    %swap3A_614 = vector.shape_cast %swap3A_613 : vector<1x1x16xf32> to vector<16xf32>
    %swap3A_615 = vector.shape_cast %broadcast_in_dim3A_72 : vector<16xf32> to vector<1x1x16xf32>
    tpu.vector_store %arg6[%swap3A_610, %swap3A_611, %swap3A_612], %swap3A_615 {strides = array<i32>} : memref<8x8x16xf32, #tpu.memory_space<vmem>>, vector<1x1x16xf32>,
    %swap3A_616 = arith.constant 4 : i32
    %swap3A_617 = arith.constant 2 : i32
    %swap3A_618 = arith.index_cast %swap3A_616 : i32 to index
    %swap3A_619 = arith.index_cast %swap3A_617 : i32 to index
    %swap3A_620 = arith.constant 0 : index
    %swap3A_621 = tpu.vector_load %arg5[%swap3A_618, %swap3A_619, %swap3A_620] {strides = array<i32>} : memref<8x8x16xf32, #tpu.memory_space<vmem>>, vector<1x1x16xf32>,
    %swap3A_622 = vector.shape_cast %swap3A_621 : vector<1x1x16xf32> to vector<16xf32>
    %swap3A_623 = vector.shape_cast %broadcast_in_dim3A_72 : vector<16xf32> to vector<1x1x16xf32>
    tpu.vector_store %arg5[%swap3A_618, %swap3A_619, %swap3A_620], %swap3A_623 {strides = array<i32>} : memref<8x8x16xf32, #tpu.memory_space<vmem>>, vector<1x1x16xf32>,
    %swap3A_624 = arith.constant 4 : i32
    %swap3A_625 = arith.constant 2 : i32
    %swap3A_626 = arith.index_cast %swap3A_624 : i32 to index
    %swap3A_627 = arith.index_cast %swap3A_625 : i32 to index
    %swap3A_628 = arith.constant 0 : index
    %swap3A_629 = tpu.vector_load %arg6[%swap3A_626, %swap3A_627, %swap3A_628] {strides = array<i32>} : memref<8x8x16xf32, #tpu.memory_space<vmem>>, vector<1x1x16xf32>,
    %swap3A_630 = vector.shape_cast %swap3A_629 : vector<1x1x16xf32> to vector<16xf32>
    %swap3A_631 = vector.shape_cast %broadcast_in_dim3A_72 : vector<16xf32> to vector<1x1x16xf32>
    tpu.vector_store %arg6[%swap3A_626, %swap3A_627, %swap3A_628], %swap3A_631 {strides = array<i32>} : memref<8x8x16xf32, #tpu.memory_space<vmem>>, vector<1x1x16xf32>,
    %swap3A_632 = arith.constant 4 : i32
    %swap3A_633 = arith.constant 3 : i32
    %swap3A_634 = arith.index_cast %swap3A_632 : i32 to index
    %swap3A_635 = arith.index_cast %swap3A_633 : i32 to index
    %swap3A_636 = arith.constant 0 : index
    %swap3A_637 = tpu.vector_load %arg5[%swap3A_634, %swap3A_635, %swap3A_636] {strides = array<i32>} : memref<8x8x16xf32, #tpu.memory_space<vmem>>, vector<1x1x16xf32>,
    %swap3A_638 = vector.shape_cast %swap3A_637 : vector<1x1x16xf32> to vector<16xf32>
    %swap3A_639 = vector.shape_cast %broadcast_in_dim3A_72 : vector<16xf32> to vector<1x1x16xf32>
    tpu.vector_store %arg5[%swap3A_634, %swap3A_635, %swap3A_636], %swap3A_639 {strides = array<i32>} : memref<8x8x16xf32, #tpu.memory_space<vmem>>, vector<1x1x16xf32>,
    %swap3A_640 = arith.constant 4 : i32
    %swap3A_641 = arith.constant 3 : i32
    %swap3A_642 = arith.index_cast %swap3A_640 : i32 to index
    %swap3A_643 = arith.index_cast %swap3A_641 : i32 to index
    %swap3A_644 = arith.constant 0 : index
    %swap3A_645 = tpu.vector_load %arg6[%swap3A_642, %swap3A_643, %swap3A_644] {strides = array<i32>} : memref<8x8x16xf32, #tpu.memory_space<vmem>>, vector<1x1x16xf32>,
    %swap3A_646 = vector.shape_cast %swap3A_645 : vector<1x1x16xf32> to vector<16xf32>
    %swap3A_647 = vector.shape_cast %broadcast_in_dim3A_72 : vector<16xf32> to vector<1x1x16xf32>
    tpu.vector_store %arg6[%swap3A_642, %swap3A_643, %swap3A_644], %swap3A_647 {strides = array<i32>} : memref<8x8x16xf32, #tpu.memory_space<vmem>>, vector<1x1x16xf32>,
    %swap3A_648 = arith.constant 4 : i32
    %swap3A_649 = arith.constant 4 : i32
    %swap3A_650 = arith.index_cast %swap3A_648 : i32 to index
    %swap3A_651 = arith.index_cast %swap3A_649 : i32 to index
    %swap3A_652 = arith.constant 0 : index
    %swap3A_653 = tpu.vector_load %arg5[%swap3A_650, %swap3A_651, %swap3A_652] {strides = array<i32>} : memref<8x8x16xf32, #tpu.memory_space<vmem>>, vector<1x1x16xf32>,
    %swap3A_654 = vector.shape_cast %swap3A_653 : vector<1x1x16xf32> to vector<16xf32>
    %swap3A_655 = vector.shape_cast %broadcast_in_dim3A_72 : vector<16xf32> to vector<1x1x16xf32>
    tpu.vector_store %arg5[%swap3A_650, %swap3A_651, %swap3A_652], %swap3A_655 {strides = array<i32>} : memref<8x8x16xf32, #tpu.memory_space<vmem>>, vector<1x1x16xf32>,
    %swap3A_656 = arith.constant 4 : i32
    %swap3A_657 = arith.constant 4 : i32
    %swap3A_658 = arith.index_cast %swap3A_656 : i32 to index
    %swap3A_659 = arith.index_cast %swap3A_657 : i32 to index
    %swap3A_660 = arith.constant 0 : index
    %swap3A_661 = tpu.vector_load %arg6[%swap3A_658, %swap3A_659, %swap3A_660] {strides = array<i32>} : memref<8x8x16xf32, #tpu.memory_space<vmem>>, vector<1x1x16xf32>,
    %swap3A_662 = vector.shape_cast %swap3A_661 : vector<1x1x16xf32> to vector<16xf32>
    %swap3A_663 = vector.shape_cast %broadcast_in_dim3A_72 : vector<16xf32> to vector<1x1x16xf32>
    tpu.vector_store %arg6[%swap3A_658, %swap3A_659, %swap3A_660], %swap3A_663 {strides = array<i32>} : memref<8x8x16xf32, #tpu.memory_space<vmem>>, vector<1x1x16xf32>,
    %swap3A_664 = arith.constant 4 : i32
    %swap3A_665 = arith.constant 5 : i32
    %swap3A_666 = arith.index_cast %swap3A_664 : i32 to index
    %swap3A_667 = arith.index_cast %swap3A_665 : i32 to index
    %swap3A_668 = arith.constant 0 : index
    %swap3A_669 = tpu.vector_load %arg5[%swap3A_666, %swap3A_667, %swap3A_668] {strides = array<i32>} : memref<8x8x16xf32, #tpu.memory_space<vmem>>, vector<1x1x16xf32>,
    %swap3A_670 = vector.shape_cast %swap3A_669 : vector<1x1x16xf32> to vector<16xf32>
    %swap3A_671 = vector.shape_cast %broadcast_in_dim3A_72 : vector<16xf32> to vector<1x1x16xf32>
    tpu.vector_store %arg5[%swap3A_666, %swap3A_667, %swap3A_668], %swap3A_671 {strides = array<i32>} : memref<8x8x16xf32, #tpu.memory_space<vmem>>, vector<1x1x16xf32>,
    %swap3A_672 = arith.constant 4 : i32
    %swap3A_673 = arith.constant 5 : i32
    %swap3A_674 = arith.index_cast %swap3A_672 : i32 to index
    %swap3A_675 = arith.index_cast %swap3A_673 : i32 to index
    %swap3A_676 = arith.constant 0 : index
    %swap3A_677 = tpu.vector_load %arg6[%swap3A_674, %swap3A_675, %swap3A_676] {strides = array<i32>} : memref<8x8x16xf32, #tpu.memory_space<vmem>>, vector<1x1x16xf32>,
    %swap3A_678 = vector.shape_cast %swap3A_677 : vector<1x1x16xf32> to vector<16xf32>
    %swap3A_679 = vector.shape_cast %broadcast_in_dim3A_72 : vector<16xf32> to vector<1x1x16xf32>
    tpu.vector_store %arg6[%swap3A_674, %swap3A_675, %swap3A_676], %swap3A_679 {strides = array<i32>} : memref<8x8x16xf32, #tpu.memory_space<vmem>>, vector<1x1x16xf32>,
    %swap3A_680 = arith.constant 4 : i32
    %swap3A_681 = arith.constant 6 : i32
    %swap3A_682 = arith.index_cast %swap3A_680 : i32 to index
    %swap3A_683 = arith.index_cast %swap3A_681 : i32 to index
    %swap3A_684 = arith.constant 0 : index
    %swap3A_685 = tpu.vector_load %arg5[%swap3A_682, %swap3A_683, %swap3A_684] {strides = array<i32>} : memref<8x8x16xf32, #tpu.memory_space<vmem>>, vector<1x1x16xf32>,
    %swap3A_686 = vector.shape_cast %swap3A_685 : vector<1x1x16xf32> to vector<16xf32>
    %swap3A_687 = vector.shape_cast %broadcast_in_dim3A_72 : vector<16xf32> to vector<1x1x16xf32>
    tpu.vector_store %arg5[%swap3A_682, %swap3A_683, %swap3A_684], %swap3A_687 {strides = array<i32>} : memref<8x8x16xf32, #tpu.memory_space<vmem>>, vector<1x1x16xf32>,
    %swap3A_688 = arith.constant 4 : i32
    %swap3A_689 = arith.constant 6 : i32
    %swap3A_690 = arith.index_cast %swap3A_688 : i32 to index
    %swap3A_691 = arith.index_cast %swap3A_689 : i32 to index
    %swap3A_692 = arith.constant 0 : index
    %swap3A_693 = tpu.vector_load %arg6[%swap3A_690, %swap3A_691, %swap3A_692] {strides = array<i32>} : memref<8x8x16xf32, #tpu.memory_space<vmem>>, vector<1x1x16xf32>,
    %swap3A_694 = vector.shape_cast %swap3A_693 : vector<1x1x16xf32> to vector<16xf32>
    %swap3A_695 = vector.shape_cast %broadcast_in_dim3A_72 : vector<16xf32> to vector<1x1x16xf32>
    tpu.vector_store %arg6[%swap3A_690, %swap3A_691, %swap3A_692], %swap3A_695 {strides = array<i32>} : memref<8x8x16xf32, #tpu.memory_space<vmem>>, vector<1x1x16xf32>,
    %swap3A_696 = arith.constant 4 : i32
    %swap3A_697 = arith.constant 7 : i32
    %swap3A_698 = arith.index_cast %swap3A_696 : i32 to index
    %swap3A_699 = arith.index_cast %swap3A_697 : i32 to index
    %swap3A_700 = arith.constant 0 : index
    %swap3A_701 = tpu.vector_load %arg5[%swap3A_698, %swap3A_699, %swap3A_700] {strides = array<i32>} : memref<8x8x16xf32, #tpu.memory_space<vmem>>, vector<1x1x16xf32>,
    %swap3A_702 = vector.shape_cast %swap3A_701 : vector<1x1x16xf32> to vector<16xf32>
    %swap3A_703 = vector.shape_cast %broadcast_in_dim3A_72 : vector<16xf32> to vector<1x1x16xf32>
    tpu.vector_store %arg5[%swap3A_698, %swap3A_699, %swap3A_700], %swap3A_703 {strides = array<i32>} : memref<8x8x16xf32, #tpu.memory_space<vmem>>, vector<1x1x16xf32>,
    %swap3A_704 = arith.constant 4 : i32
    %swap3A_705 = arith.constant 7 : i32
    %swap3A_706 = arith.index_cast %swap3A_704 : i32 to index
    %swap3A_707 = arith.index_cast %swap3A_705 : i32 to index
    %swap3A_708 = arith.constant 0 : index
    %swap3A_709 = tpu.vector_load %arg6[%swap3A_706, %swap3A_707, %swap3A_708] {strides = array<i32>} : memref<8x8x16xf32, #tpu.memory_space<vmem>>, vector<1x1x16xf32>,
    %swap3A_710 = vector.shape_cast %swap3A_709 : vector<1x1x16xf32> to vector<16xf32>
    %swap3A_711 = vector.shape_cast %broadcast_in_dim3A_72 : vector<16xf32> to vector<1x1x16xf32>
    tpu.vector_store %arg6[%swap3A_706, %swap3A_707, %swap3A_708], %swap3A_711 {strides = array<i32>} : memref<8x8x16xf32, #tpu.memory_space<vmem>>, vector<1x1x16xf32>,
    %swap3A_712 = arith.constant 5 : i32
    %swap3A_713 = arith.constant 0 : i32
    %swap3A_714 = arith.index_cast %swap3A_712 : i32 to index
    %swap3A_715 = arith.index_cast %swap3A_713 : i32 to index
    %swap3A_716 = arith.constant 0 : index
    %swap3A_717 = tpu.vector_load %arg5[%swap3A_714, %swap3A_715, %swap3A_716] {strides = array<i32>} : memref<8x8x16xf32, #tpu.memory_space<vmem>>, vector<1x1x16xf32>,
    %swap3A_718 = vector.shape_cast %swap3A_717 : vector<1x1x16xf32> to vector<16xf32>
    %swap3A_719 = vector.shape_cast %broadcast_in_dim3A_72 : vector<16xf32> to vector<1x1x16xf32>
    tpu.vector_store %arg5[%swap3A_714, %swap3A_715, %swap3A_716], %swap3A_719 {strides = array<i32>} : memref<8x8x16xf32, #tpu.memory_space<vmem>>, vector<1x1x16xf32>,
    %swap3A_720 = arith.constant 5 : i32
    %swap3A_721 = arith.constant 0 : i32
    %swap3A_722 = arith.index_cast %swap3A_720 : i32 to index
    %swap3A_723 = arith.index_cast %swap3A_721 : i32 to index
    %swap3A_724 = arith.constant 0 : index
    %swap3A_725 = tpu.vector_load %arg6[%swap3A_722, %swap3A_723, %swap3A_724] {strides = array<i32>} : memref<8x8x16xf32, #tpu.memory_space<vmem>>, vector<1x1x16xf32>,
    %swap3A_726 = vector.shape_cast %swap3A_725 : vector<1x1x16xf32> to vector<16xf32>
    %swap3A_727 = vector.shape_cast %broadcast_in_dim3A_72 : vector<16xf32> to vector<1x1x16xf32>
    tpu.vector_store %arg6[%swap3A_722, %swap3A_723, %swap3A_724], %swap3A_727 {strides = array<i32>} : memref<8x8x16xf32, #tpu.memory_space<vmem>>, vector<1x1x16xf32>,
    %swap3A_728 = arith.constant 5 : i32
    %swap3A_729 = arith.constant 1 : i32
    %swap3A_730 = arith.index_cast %swap3A_728 : i32 to index
    %swap3A_731 = arith.index_cast %swap3A_729 : i32 to index
    %swap3A_732 = arith.constant 0 : index
    %swap3A_733 = tpu.vector_load %arg5[%swap3A_730, %swap3A_731, %swap3A_732] {strides = array<i32>} : memref<8x8x16xf32, #tpu.memory_space<vmem>>, vector<1x1x16xf32>,
    %swap3A_734 = vector.shape_cast %swap3A_733 : vector<1x1x16xf32> to vector<16xf32>
    %swap3A_735 = vector.shape_cast %broadcast_in_dim3A_72 : vector<16xf32> to vector<1x1x16xf32>
    tpu.vector_store %arg5[%swap3A_730, %swap3A_731, %swap3A_732], %swap3A_735 {strides = array<i32>} : memref<8x8x16xf32, #tpu.memory_space<vmem>>, vector<1x1x16xf32>,
    %swap3A_736 = arith.constant 5 : i32
    %swap3A_737 = arith.constant 1 : i32
    %swap3A_738 = arith.index_cast %swap3A_736 : i32 to index
    %swap3A_739 = arith.index_cast %swap3A_737 : i32 to index
    %swap3A_740 = arith.constant 0 : index
    %swap3A_741 = tpu.vector_load %arg6[%swap3A_738, %swap3A_739, %swap3A_740] {strides = array<i32>} : memref<8x8x16xf32, #tpu.memory_space<vmem>>, vector<1x1x16xf32>,
    %swap3A_742 = vector.shape_cast %swap3A_741 : vector<1x1x16xf32> to vector<16xf32>
    %swap3A_743 = vector.shape_cast %broadcast_in_dim3A_72 : vector<16xf32> to vector<1x1x16xf32>
    tpu.vector_store %arg6[%swap3A_738, %swap3A_739, %swap3A_740], %swap3A_743 {strides = array<i32>} : memref<8x8x16xf32, #tpu.memory_space<vmem>>, vector<1x1x16xf32>,
    %swap3A_744 = arith.constant 5 : i32
    %swap3A_745 = arith.constant 2 : i32
    %swap3A_746 = arith.index_cast %swap3A_744 : i32 to index
    %swap3A_747 = arith.index_cast %swap3A_745 : i32 to index
    %swap3A_748 = arith.constant 0 : index
    %swap3A_749 = tpu.vector_load %arg5[%swap3A_746, %swap3A_747, %swap3A_748] {strides = array<i32>} : memref<8x8x16xf32, #tpu.memory_space<vmem>>, vector<1x1x16xf32>,
    %swap3A_750 = vector.shape_cast %swap3A_749 : vector<1x1x16xf32> to vector<16xf32>
    %swap3A_751 = vector.shape_cast %broadcast_in_dim3A_72 : vector<16xf32> to vector<1x1x16xf32>
    tpu.vector_store %arg5[%swap3A_746, %swap3A_747, %swap3A_748], %swap3A_751 {strides = array<i32>} : memref<8x8x16xf32, #tpu.memory_space<vmem>>, vector<1x1x16xf32>,
    %swap3A_752 = arith.constant 5 : i32
    %swap3A_753 = arith.constant 2 : i32
    %swap3A_754 = arith.index_cast %swap3A_752 : i32 to index
    %swap3A_755 = arith.index_cast %swap3A_753 : i32 to index
    %swap3A_756 = arith.constant 0 : index
    %swap3A_757 = tpu.vector_load %arg6[%swap3A_754, %swap3A_755, %swap3A_756] {strides = array<i32>} : memref<8x8x16xf32, #tpu.memory_space<vmem>>, vector<1x1x16xf32>,
    %swap3A_758 = vector.shape_cast %swap3A_757 : vector<1x1x16xf32> to vector<16xf32>
    %swap3A_759 = vector.shape_cast %broadcast_in_dim3A_72 : vector<16xf32> to vector<1x1x16xf32>
    tpu.vector_store %arg6[%swap3A_754, %swap3A_755, %swap3A_756], %swap3A_759 {strides = array<i32>} : memref<8x8x16xf32, #tpu.memory_space<vmem>>, vector<1x1x16xf32>,
    %swap3A_760 = arith.constant 5 : i32
    %swap3A_761 = arith.constant 3 : i32
    %swap3A_762 = arith.index_cast %swap3A_760 : i32 to index
    %swap3A_763 = arith.index_cast %swap3A_761 : i32 to index
    %swap3A_764 = arith.constant 0 : index
    %swap3A_765 = tpu.vector_load %arg5[%swap3A_762, %swap3A_763, %swap3A_764] {strides = array<i32>} : memref<8x8x16xf32, #tpu.memory_space<vmem>>, vector<1x1x16xf32>,
    %swap3A_766 = vector.shape_cast %swap3A_765 : vector<1x1x16xf32> to vector<16xf32>
    %swap3A_767 = vector.shape_cast %broadcast_in_dim3A_72 : vector<16xf32> to vector<1x1x16xf32>
    tpu.vector_store %arg5[%swap3A_762, %swap3A_763, %swap3A_764], %swap3A_767 {strides = array<i32>} : memref<8x8x16xf32, #tpu.memory_space<vmem>>, vector<1x1x16xf32>,
    %swap3A_768 = arith.constant 5 : i32
    %swap3A_769 = arith.constant 3 : i32
    %swap3A_770 = arith.index_cast %swap3A_768 : i32 to index
    %swap3A_771 = arith.index_cast %swap3A_769 : i32 to index
    %swap3A_772 = arith.constant 0 : index
    %swap3A_773 = tpu.vector_load %arg6[%swap3A_770, %swap3A_771, %swap3A_772] {strides = array<i32>} : memref<8x8x16xf32, #tpu.memory_space<vmem>>, vector<1x1x16xf32>,
    %swap3A_774 = vector.shape_cast %swap3A_773 : vector<1x1x16xf32> to vector<16xf32>
    %swap3A_775 = vector.shape_cast %broadcast_in_dim3A_72 : vector<16xf32> to vector<1x1x16xf32>
    tpu.vector_store %arg6[%swap3A_770, %swap3A_771, %swap3A_772], %swap3A_775 {strides = array<i32>} : memref<8x8x16xf32, #tpu.memory_space<vmem>>, vector<1x1x16xf32>,
    %swap3A_776 = arith.constant 5 : i32
    %swap3A_777 = arith.constant 4 : i32
    %swap3A_778 = arith.index_cast %swap3A_776 : i32 to index
    %swap3A_779 = arith.index_cast %swap3A_777 : i32 to index
    %swap3A_780 = arith.constant 0 : index
    %swap3A_781 = tpu.vector_load %arg5[%swap3A_778, %swap3A_779, %swap3A_780] {strides = array<i32>} : memref<8x8x16xf32, #tpu.memory_space<vmem>>, vector<1x1x16xf32>,
    %swap3A_782 = vector.shape_cast %swap3A_781 : vector<1x1x16xf32> to vector<16xf32>
    %swap3A_783 = vector.shape_cast %broadcast_in_dim3A_72 : vector<16xf32> to vector<1x1x16xf32>
    tpu.vector_store %arg5[%swap3A_778, %swap3A_779, %swap3A_780], %swap3A_783 {strides = array<i32>} : memref<8x8x16xf32, #tpu.memory_space<vmem>>, vector<1x1x16xf32>,
    %swap3A_784 = arith.constant 5 : i32
    %swap3A_785 = arith.constant 4 : i32
    %swap3A_786 = arith.index_cast %swap3A_784 : i32 to index
    %swap3A_787 = arith.index_cast %swap3A_785 : i32 to index
    %swap3A_788 = arith.constant 0 : index
    %swap3A_789 = tpu.vector_load %arg6[%swap3A_786, %swap3A_787, %swap3A_788] {strides = array<i32>} : memref<8x8x16xf32, #tpu.memory_space<vmem>>, vector<1x1x16xf32>,
    %swap3A_790 = vector.shape_cast %swap3A_789 : vector<1x1x16xf32> to vector<16xf32>
    %swap3A_791 = vector.shape_cast %broadcast_in_dim3A_72 : vector<16xf32> to vector<1x1x16xf32>
    tpu.vector_store %arg6[%swap3A_786, %swap3A_787, %swap3A_788], %swap3A_791 {strides = array<i32>} : memref<8x8x16xf32, #tpu.memory_space<vmem>>, vector<1x1x16xf32>,
    %swap3A_792 = arith.constant 5 : i32
    %swap3A_793 = arith.constant 5 : i32
    %swap3A_794 = arith.index_cast %swap3A_792 : i32 to index
    %swap3A_795 = arith.index_cast %swap3A_793 : i32 to index
    %swap3A_796 = arith.constant 0 : index
    %swap3A_797 = tpu.vector_load %arg5[%swap3A_794, %swap3A_795, %swap3A_796] {strides = array<i32>} : memref<8x8x16xf32, #tpu.memory_space<vmem>>, vector<1x1x16xf32>,
    %swap3A_798 = vector.shape_cast %swap3A_797 : vector<1x1x16xf32> to vector<16xf32>
    %swap3A_799 = vector.shape_cast %broadcast_in_dim3A_72 : vector<16xf32> to vector<1x1x16xf32>
    tpu.vector_store %arg5[%swap3A_794, %swap3A_795, %swap3A_796], %swap3A_799 {strides = array<i32>} : memref<8x8x16xf32, #tpu.memory_space<vmem>>, vector<1x1x16xf32>,
    %swap3A_800 = arith.constant 5 : i32
    %swap3A_801 = arith.constant 5 : i32
    %swap3A_802 = arith.index_cast %swap3A_800 : i32 to index
    %swap3A_803 = arith.index_cast %swap3A_801 : i32 to index
    %swap3A_804 = arith.constant 0 : index
    %swap3A_805 = tpu.vector_load %arg6[%swap3A_802, %swap3A_803, %swap3A_804] {strides = array<i32>} : memref<8x8x16xf32, #tpu.memory_space<vmem>>, vector<1x1x16xf32>,
    %swap3A_806 = vector.shape_cast %swap3A_805 : vector<1x1x16xf32> to vector<16xf32>
    %swap3A_807 = vector.shape_cast %broadcast_in_dim3A_72 : vector<16xf32> to vector<1x1x16xf32>
    tpu.vector_store %arg6[%swap3A_802, %swap3A_803, %swap3A_804], %swap3A_807 {strides = array<i32>} : memref<8x8x16xf32, #tpu.memory_space<vmem>>, vector<1x1x16xf32>,
    %swap3A_808 = arith.constant 5 : i32
    %swap3A_809 = arith.constant 6 : i32
    %swap3A_810 = arith.index_cast %swap3A_808 : i32 to index
    %swap3A_811 = arith.index_cast %swap3A_809 : i32 to index
    %swap3A_812 = arith.constant 0 : index
    %swap3A_813 = tpu.vector_load %arg5[%swap3A_810, %swap3A_811, %swap3A_812] {strides = array<i32>} : memref<8x8x16xf32, #tpu.memory_space<vmem>>, vector<1x1x16xf32>,
    %swap3A_814 = vector.shape_cast %swap3A_813 : vector<1x1x16xf32> to vector<16xf32>
    %swap3A_815 = vector.shape_cast %broadcast_in_dim3A_72 : vector<16xf32> to vector<1x1x16xf32>
    tpu.vector_store %arg5[%swap3A_810, %swap3A_811, %swap3A_812], %swap3A_815 {strides = array<i32>} : memref<8x8x16xf32, #tpu.memory_space<vmem>>, vector<1x1x16xf32>,
    %swap3A_816 = arith.constant 5 : i32
    %swap3A_817 = arith.constant 6 : i32
    %swap3A_818 = arith.index_cast %swap3A_816 : i32 to index
    %swap3A_819 = arith.index_cast %swap3A_817 : i32 to index
    %swap3A_820 = arith.constant 0 : index
    %swap3A_821 = tpu.vector_load %arg6[%swap3A_818, %swap3A_819, %swap3A_820] {strides = array<i32>} : memref<8x8x16xf32, #tpu.memory_space<vmem>>, vector<1x1x16xf32>,
    %swap3A_822 = vector.shape_cast %swap3A_821 : vector<1x1x16xf32> to vector<16xf32>
    %swap3A_823 = vector.shape_cast %broadcast_in_dim3A_72 : vector<16xf32> to vector<1x1x16xf32>
    tpu.vector_store %arg6[%swap3A_818, %swap3A_819, %swap3A_820], %swap3A_823 {strides = array<i32>} : memref<8x8x16xf32, #tpu.memory_space<vmem>>, vector<1x1x16xf32>,
    %swap3A_824 = arith.constant 5 : i32
    %swap3A_825 = arith.constant 7 : i32
    %swap3A_826 = arith.index_cast %swap3A_824 : i32 to index
    %swap3A_827 = arith.index_cast %swap3A_825 : i32 to index
    %swap3A_828 = arith.constant 0 : index
    %swap3A_829 = tpu.vector_load %arg5[%swap3A_826, %swap3A_827, %swap3A_828] {strides = array<i32>} : memref<8x8x16xf32, #tpu.memory_space<vmem>>, vector<1x1x16xf32>,
    %swap3A_830 = vector.shape_cast %swap3A_829 : vector<1x1x16xf32> to vector<16xf32>
    %swap3A_831 = vector.shape_cast %broadcast_in_dim3A_72 : vector<16xf32> to vector<1x1x16xf32>
    tpu.vector_store %arg5[%swap3A_826, %swap3A_827, %swap3A_828], %swap3A_831 {strides = array<i32>} : memref<8x8x16xf32, #tpu.memory_space<vmem>>, vector<1x1x16xf32>,
    %swap3A_832 = arith.constant 5 : i32
    %swap3A_833 = arith.constant 7 : i32
    %swap3A_834 = arith.index_cast %swap3A_832 : i32 to index
    %swap3A_835 = arith.index_cast %swap3A_833 : i32 to index
    %swap3A_836 = arith.constant 0 : index
    %swap3A_837 = tpu.vector_load %arg6[%swap3A_834, %swap3A_835, %swap3A_836] {strides = array<i32>} : memref<8x8x16xf32, #tpu.memory_space<vmem>>, vector<1x1x16xf32>,
    %swap3A_838 = vector.shape_cast %swap3A_837 : vector<1x1x16xf32> to vector<16xf32>
    %swap3A_839 = vector.shape_cast %broadcast_in_dim3A_72 : vector<16xf32> to vector<1x1x16xf32>
    tpu.vector_store %arg6[%swap3A_834, %swap3A_835, %swap3A_836], %swap3A_839 {strides = array<i32>} : memref<8x8x16xf32, #tpu.memory_space<vmem>>, vector<1x1x16xf32>,
    %swap3A_840 = arith.constant 6 : i32
    %swap3A_841 = arith.constant 0 : i32
    %swap3A_842 = arith.index_cast %swap3A_840 : i32 to index
    %swap3A_843 = arith.index_cast %swap3A_841 : i32 to index
    %swap3A_844 = arith.constant 0 : index
    %swap3A_845 = tpu.vector_load %arg5[%swap3A_842, %swap3A_843, %swap3A_844] {strides = array<i32>} : memref<8x8x16xf32, #tpu.memory_space<vmem>>, vector<1x1x16xf32>,
    %swap3A_846 = vector.shape_cast %swap3A_845 : vector<1x1x16xf32> to vector<16xf32>
    %swap3A_847 = vector.shape_cast %broadcast_in_dim3A_72 : vector<16xf32> to vector<1x1x16xf32>
    tpu.vector_store %arg5[%swap3A_842, %swap3A_843, %swap3A_844], %swap3A_847 {strides = array<i32>} : memref<8x8x16xf32, #tpu.memory_space<vmem>>, vector<1x1x16xf32>,
    %swap3A_848 = arith.constant 6 : i32
    %swap3A_849 = arith.constant 0 : i32
    %swap3A_850 = arith.index_cast %swap3A_848 : i32 to index
    %swap3A_851 = arith.index_cast %swap3A_849 : i32 to index
    %swap3A_852 = arith.constant 0 : index
    %swap3A_853 = tpu.vector_load %arg6[%swap3A_850, %swap3A_851, %swap3A_852] {strides = array<i32>} : memref<8x8x16xf32, #tpu.memory_space<vmem>>, vector<1x1x16xf32>,
    %swap3A_854 = vector.shape_cast %swap3A_853 : vector<1x1x16xf32> to vector<16xf32>
    %swap3A_855 = vector.shape_cast %broadcast_in_dim3A_72 : vector<16xf32> to vector<1x1x16xf32>
    tpu.vector_store %arg6[%swap3A_850, %swap3A_851, %swap3A_852], %swap3A_855 {strides = array<i32>} : memref<8x8x16xf32, #tpu.memory_space<vmem>>, vector<1x1x16xf32>,
    %swap3A_856 = arith.constant 6 : i32
    %swap3A_857 = arith.constant 1 : i32
    %swap3A_858 = arith.index_cast %swap3A_856 : i32 to index
    %swap3A_859 = arith.index_cast %swap3A_857 : i32 to index
    %swap3A_860 = arith.constant 0 : index
    %swap3A_861 = tpu.vector_load %arg5[%swap3A_858, %swap3A_859, %swap3A_860] {strides = array<i32>} : memref<8x8x16xf32, #tpu.memory_space<vmem>>, vector<1x1x16xf32>,
    %swap3A_862 = vector.shape_cast %swap3A_861 : vector<1x1x16xf32> to vector<16xf32>
    %swap3A_863 = vector.shape_cast %broadcast_in_dim3A_72 : vector<16xf32> to vector<1x1x16xf32>
    tpu.vector_store %arg5[%swap3A_858, %swap3A_859, %swap3A_860], %swap3A_863 {strides = array<i32>} : memref<8x8x16xf32, #tpu.memory_space<vmem>>, vector<1x1x16xf32>,
    %swap3A_864 = arith.constant 6 : i32
    %swap3A_865 = arith.constant 1 : i32
    %swap3A_866 = arith.index_cast %swap3A_864 : i32 to index
    %swap3A_867 = arith.index_cast %swap3A_865 : i32 to index
    %swap3A_868 = arith.constant 0 : index
    %swap3A_869 = tpu.vector_load %arg6[%swap3A_866, %swap3A_867, %swap3A_868] {strides = array<i32>} : memref<8x8x16xf32, #tpu.memory_space<vmem>>, vector<1x1x16xf32>,
    %swap3A_870 = vector.shape_cast %swap3A_869 : vector<1x1x16xf32> to vector<16xf32>
    %swap3A_871 = vector.shape_cast %broadcast_in_dim3A_72 : vector<16xf32> to vector<1x1x16xf32>
    tpu.vector_store %arg6[%swap3A_866, %swap3A_867, %swap3A_868], %swap3A_871 {strides = array<i32>} : memref<8x8x16xf32, #tpu.memory_space<vmem>>, vector<1x1x16xf32>,
    %swap3A_872 = arith.constant 6 : i32
    %swap3A_873 = arith.constant 2 : i32
    %swap3A_874 = arith.index_cast %swap3A_872 : i32 to index
    %swap3A_875 = arith.index_cast %swap3A_873 : i32 to index
    %swap3A_876 = arith.constant 0 : index
    %swap3A_877 = tpu.vector_load %arg5[%swap3A_874, %swap3A_875, %swap3A_876] {strides = array<i32>} : memref<8x8x16xf32, #tpu.memory_space<vmem>>, vector<1x1x16xf32>,
    %swap3A_878 = vector.shape_cast %swap3A_877 : vector<1x1x16xf32> to vector<16xf32>
    %swap3A_879 = vector.shape_cast %broadcast_in_dim3A_72 : vector<16xf32> to vector<1x1x16xf32>
    tpu.vector_store %arg5[%swap3A_874, %swap3A_875, %swap3A_876], %swap3A_879 {strides = array<i32>} : memref<8x8x16xf32, #tpu.memory_space<vmem>>, vector<1x1x16xf32>,
    %swap3A_880 = arith.constant 6 : i32
    %swap3A_881 = arith.constant 2 : i32
    %swap3A_882 = arith.index_cast %swap3A_880 : i32 to index
    %swap3A_883 = arith.index_cast %swap3A_881 : i32 to index
    %swap3A_884 = arith.constant 0 : index
    %swap3A_885 = tpu.vector_load %arg6[%swap3A_882, %swap3A_883, %swap3A_884] {strides = array<i32>} : memref<8x8x16xf32, #tpu.memory_space<vmem>>, vector<1x1x16xf32>,
    %swap3A_886 = vector.shape_cast %swap3A_885 : vector<1x1x16xf32> to vector<16xf32>
    %swap3A_887 = vector.shape_cast %broadcast_in_dim3A_72 : vector<16xf32> to vector<1x1x16xf32>
    tpu.vector_store %arg6[%swap3A_882, %swap3A_883, %swap3A_884], %swap3A_887 {strides = array<i32>} : memref<8x8x16xf32, #tpu.memory_space<vmem>>, vector<1x1x16xf32>,
    %swap3A_888 = arith.constant 6 : i32
    %swap3A_889 = arith.constant 3 : i32
    %swap3A_890 = arith.index_cast %swap3A_888 : i32 to index
    %swap3A_891 = arith.index_cast %swap3A_889 : i32 to index
    %swap3A_892 = arith.constant 0 : index
    %swap3A_893 = tpu.vector_load %arg5[%swap3A_890, %swap3A_891, %swap3A_892] {strides = array<i32>} : memref<8x8x16xf32, #tpu.memory_space<vmem>>, vector<1x1x16xf32>,
    %swap3A_894 = vector.shape_cast %swap3A_893 : vector<1x1x16xf32> to vector<16xf32>
    %swap3A_895 = vector.shape_cast %broadcast_in_dim3A_72 : vector<16xf32> to vector<1x1x16xf32>
    tpu.vector_store %arg5[%swap3A_890, %swap3A_891, %swap3A_892], %swap3A_895 {strides = array<i32>} : memref<8x8x16xf32, #tpu.memory_space<vmem>>, vector<1x1x16xf32>,
    %swap3A_896 = arith.constant 6 : i32
    %swap3A_897 = arith.constant 3 : i32
    %swap3A_898 = arith.index_cast %swap3A_896 : i32 to index
    %swap3A_899 = arith.index_cast %swap3A_897 : i32 to index
    %swap3A_900 = arith.constant 0 : index
    %swap3A_901 = tpu.vector_load %arg6[%swap3A_898, %swap3A_899, %swap3A_900] {strides = array<i32>} : memref<8x8x16xf32, #tpu.memory_space<vmem>>, vector<1x1x16xf32>,
    %swap3A_902 = vector.shape_cast %swap3A_901 : vector<1x1x16xf32> to vector<16xf32>
    %swap3A_903 = vector.shape_cast %broadcast_in_dim3A_72 : vector<16xf32> to vector<1x1x16xf32>
    tpu.vector_store %arg6[%swap3A_898, %swap3A_899, %swap3A_900], %swap3A_903 {strides = array<i32>} : memref<8x8x16xf32, #tpu.memory_space<vmem>>, vector<1x1x16xf32>,
    %swap3A_904 = arith.constant 6 : i32
    %swap3A_905 = arith.constant 4 : i32
    %swap3A_906 = arith.index_cast %swap3A_904 : i32 to index
    %swap3A_907 = arith.index_cast %swap3A_905 : i32 to index
    %swap3A_908 = arith.constant 0 : index
    %swap3A_909 = tpu.vector_load %arg5[%swap3A_906, %swap3A_907, %swap3A_908] {strides = array<i32>} : memref<8x8x16xf32, #tpu.memory_space<vmem>>, vector<1x1x16xf32>,
    %swap3A_910 = vector.shape_cast %swap3A_909 : vector<1x1x16xf32> to vector<16xf32>
    %swap3A_911 = vector.shape_cast %broadcast_in_dim3A_72 : vector<16xf32> to vector<1x1x16xf32>
    tpu.vector_store %arg5[%swap3A_906, %swap3A_907, %swap3A_908], %swap3A_911 {strides = array<i32>} : memref<8x8x16xf32, #tpu.memory_space<vmem>>, vector<1x1x16xf32>,
    %swap3A_912 = arith.constant 6 : i32
    %swap3A_913 = arith.constant 4 : i32
    %swap3A_914 = arith.index_cast %swap3A_912 : i32 to index
    %swap3A_915 = arith.index_cast %swap3A_913 : i32 to index
    %swap3A_916 = arith.constant 0 : index
    %swap3A_917 = tpu.vector_load %arg6[%swap3A_914, %swap3A_915, %swap3A_916] {strides = array<i32>} : memref<8x8x16xf32, #tpu.memory_space<vmem>>, vector<1x1x16xf32>,
    %swap3A_918 = vector.shape_cast %swap3A_917 : vector<1x1x16xf32> to vector<16xf32>
    %swap3A_919 = vector.shape_cast %broadcast_in_dim3A_72 : vector<16xf32> to vector<1x1x16xf32>
    tpu.vector_store %arg6[%swap3A_914, %swap3A_915, %swap3A_916], %swap3A_919 {strides = array<i32>} : memref<8x8x16xf32, #tpu.memory_space<vmem>>, vector<1x1x16xf32>,
    %swap3A_920 = arith.constant 6 : i32
    %swap3A_921 = arith.constant 5 : i32
    %swap3A_922 = arith.index_cast %swap3A_920 : i32 to index
    %swap3A_923 = arith.index_cast %swap3A_921 : i32 to index
    %swap3A_924 = arith.constant 0 : index
    %swap3A_925 = tpu.vector_load %arg5[%swap3A_922, %swap3A_923, %swap3A_924] {strides = array<i32>} : memref<8x8x16xf32, #tpu.memory_space<vmem>>, vector<1x1x16xf32>,
    %swap3A_926 = vector.shape_cast %swap3A_925 : vector<1x1x16xf32> to vector<16xf32>
    %swap3A_927 = vector.shape_cast %broadcast_in_dim3A_72 : vector<16xf32> to vector<1x1x16xf32>
    tpu.vector_store %arg5[%swap3A_922, %swap3A_923, %swap3A_924], %swap3A_927 {strides = array<i32>} : memref<8x8x16xf32, #tpu.memory_space<vmem>>, vector<1x1x16xf32>,
    %swap3A_928 = arith.constant 6 : i32
    %swap3A_929 = arith.constant 5 : i32
    %swap3A_930 = arith.index_cast %swap3A_928 : i32 to index
    %swap3A_931 = arith.index_cast %swap3A_929 : i32 to index
    %swap3A_932 = arith.constant 0 : index
    %swap3A_933 = tpu.vector_load %arg6[%swap3A_930, %swap3A_931, %swap3A_932] {strides = array<i32>} : memref<8x8x16xf32, #tpu.memory_space<vmem>>, vector<1x1x16xf32>,
    %swap3A_934 = vector.shape_cast %swap3A_933 : vector<1x1x16xf32> to vector<16xf32>
    %swap3A_935 = vector.shape_cast %broadcast_in_dim3A_72 : vector<16xf32> to vector<1x1x16xf32>
    tpu.vector_store %arg6[%swap3A_930, %swap3A_931, %swap3A_932], %swap3A_935 {strides = array<i32>} : memref<8x8x16xf32, #tpu.memory_space<vmem>>, vector<1x1x16xf32>,
    %swap3A_936 = arith.constant 6 : i32
    %swap3A_937 = arith.constant 6 : i32
    %swap3A_938 = arith.index_cast %swap3A_936 : i32 to index
    %swap3A_939 = arith.index_cast %swap3A_937 : i32 to index
    %swap3A_940 = arith.constant 0 : index
    %swap3A_941 = tpu.vector_load %arg5[%swap3A_938, %swap3A_939, %swap3A_940] {strides = array<i32>} : memref<8x8x16xf32, #tpu.memory_space<vmem>>, vector<1x1x16xf32>,
    %swap3A_942 = vector.shape_cast %swap3A_941 : vector<1x1x16xf32> to vector<16xf32>
    %swap3A_943 = vector.shape_cast %broadcast_in_dim3A_72 : vector<16xf32> to vector<1x1x16xf32>
    tpu.vector_store %arg5[%swap3A_938, %swap3A_939, %swap3A_940], %swap3A_943 {strides = array<i32>} : memref<8x8x16xf32, #tpu.memory_space<vmem>>, vector<1x1x16xf32>,
    %swap3A_944 = arith.constant 6 : i32
    %swap3A_945 = arith.constant 6 : i32
    %swap3A_946 = arith.index_cast %swap3A_944 : i32 to index
    %swap3A_947 = arith.index_cast %swap3A_945 : i32 to index
    %swap3A_948 = arith.constant 0 : index
    %swap3A_949 = tpu.vector_load %arg6[%swap3A_946, %swap3A_947, %swap3A_948] {strides = array<i32>} : memref<8x8x16xf32, #tpu.memory_space<vmem>>, vector<1x1x16xf32>,
    %swap3A_950 = vector.shape_cast %swap3A_949 : vector<1x1x16xf32> to vector<16xf32>
    %swap3A_951 = vector.shape_cast %broadcast_in_dim3A_72 : vector<16xf32> to vector<1x1x16xf32>
    tpu.vector_store %arg6[%swap3A_946, %swap3A_947, %swap3A_948], %swap3A_951 {strides = array<i32>} : memref<8x8x16xf32, #tpu.memory_space<vmem>>, vector<1x1x16xf32>,
    %swap3A_952 = arith.constant 6 : i32
    %swap3A_953 = arith.constant 7 : i32
    %swap3A_954 = arith.index_cast %swap3A_952 : i32 to index
    %swap3A_955 = arith.index_cast %swap3A_953 : i32 to index
    %swap3A_956 = arith.constant 0 : index
    %swap3A_957 = tpu.vector_load %arg5[%swap3A_954, %swap3A_955, %swap3A_956] {strides = array<i32>} : memref<8x8x16xf32, #tpu.memory_space<vmem>>, vector<1x1x16xf32>,
    %swap3A_958 = vector.shape_cast %swap3A_957 : vector<1x1x16xf32> to vector<16xf32>
    %swap3A_959 = vector.shape_cast %broadcast_in_dim3A_72 : vector<16xf32> to vector<1x1x16xf32>
    tpu.vector_store %arg5[%swap3A_954, %swap3A_955, %swap3A_956], %swap3A_959 {strides = array<i32>} : memref<8x8x16xf32, #tpu.memory_space<vmem>>, vector<1x1x16xf32>,
    %swap3A_960 = arith.constant 6 : i32
    %swap3A_961 = arith.constant 7 : i32
    %swap3A_962 = arith.index_cast %swap3A_960 : i32 to index
    %swap3A_963 = arith.index_cast %swap3A_961 : i32 to index
    %swap3A_964 = arith.constant 0 : index
    %swap3A_965 = tpu.vector_load %arg6[%swap3A_962, %swap3A_963, %swap3A_964] {strides = array<i32>} : memref<8x8x16xf32, #tpu.memory_space<vmem>>, vector<1x1x16xf32>,
    %swap3A_966 = vector.shape_cast %swap3A_965 : vector<1x1x16xf32> to vector<16xf32>
    %swap3A_967 = vector.shape_cast %broadcast_in_dim3A_72 : vector<16xf32> to vector<1x1x16xf32>
    tpu.vector_store %arg6[%swap3A_962, %swap3A_963, %swap3A_964], %swap3A_967 {strides = array<i32>} : memref<8x8x16xf32, #tpu.memory_space<vmem>>, vector<1x1x16xf32>,
    %swap3A_968 = arith.constant 7 : i32
    %swap3A_969 = arith.constant 0 : i32
    %swap3A_970 = arith.index_cast %swap3A_968 : i32 to index
    %swap3A_971 = arith.index_cast %swap3A_969 : i32 to index
    %swap3A_972 = arith.constant 0 : index
    %swap3A_973 = tpu.vector_load %arg5[%swap3A_970, %swap3A_971, %swap3A_972] {strides = array<i32>} : memref<8x8x16xf32, #tpu.memory_space<vmem>>, vector<1x1x16xf32>,
    %swap3A_974 = vector.shape_cast %swap3A_973 : vector<1x1x16xf32> to vector<16xf32>
    %swap3A_975 = vector.shape_cast %broadcast_in_dim3A_72 : vector<16xf32> to vector<1x1x16xf32>
    tpu.vector_store %arg5[%swap3A_970, %swap3A_971, %swap3A_972], %swap3A_975 {strides = array<i32>} : memref<8x8x16xf32, #tpu.memory_space<vmem>>, vector<1x1x16xf32>,
    %swap3A_976 = arith.constant 7 : i32
    %swap3A_977 = arith.constant 0 : i32
    %swap3A_978 = arith.index_cast %swap3A_976 : i32 to index
    %swap3A_979 = arith.index_cast %swap3A_977 : i32 to index
    %swap3A_980 = arith.constant 0 : index
    %swap3A_981 = tpu.vector_load %arg6[%swap3A_978, %swap3A_979, %swap3A_980] {strides = array<i32>} : memref<8x8x16xf32, #tpu.memory_space<vmem>>, vector<1x1x16xf32>,
    %swap3A_982 = vector.shape_cast %swap3A_981 : vector<1x1x16xf32> to vector<16xf32>
    %swap3A_983 = vector.shape_cast %broadcast_in_dim3A_72 : vector<16xf32> to vector<1x1x16xf32>
    tpu.vector_store %arg6[%swap3A_978, %swap3A_979, %swap3A_980], %swap3A_983 {strides = array<i32>} : memref<8x8x16xf32, #tpu.memory_space<vmem>>, vector<1x1x16xf32>,
    %swap3A_984 = arith.constant 7 : i32
    %swap3A_985 = arith.constant 1 : i32
    %swap3A_986 = arith.index_cast %swap3A_984 : i32 to index
    %swap3A_987 = arith.index_cast %swap3A_985 : i32 to index
    %swap3A_988 = arith.constant 0 : index
    %swap3A_989 = tpu.vector_load %arg5[%swap3A_986, %swap3A_987, %swap3A_988] {strides = array<i32>} : memref<8x8x16xf32, #tpu.memory_space<vmem>>, vector<1x1x16xf32>,
    %swap3A_990 = vector.shape_cast %swap3A_989 : vector<1x1x16xf32> to vector<16xf32>
    %swap3A_991 = vector.shape_cast %broadcast_in_dim3A_72 : vector<16xf32> to vector<1x1x16xf32>
    tpu.vector_store %arg5[%swap3A_986, %swap3A_987, %swap3A_988], %swap3A_991 {strides = array<i32>} : memref<8x8x16xf32, #tpu.memory_space<vmem>>, vector<1x1x16xf32>,
    %swap3A_992 = arith.constant 7 : i32
    %swap3A_993 = arith.constant 1 : i32
    %swap3A_994 = arith.index_cast %swap3A_992 : i32 to index
    %swap3A_995 = arith.index_cast %swap3A_993 : i32 to index
    %swap3A_996 = arith.constant 0 : index
    %swap3A_997 = tpu.vector_load %arg6[%swap3A_994, %swap3A_995, %swap3A_996] {strides = array<i32>} : memref<8x8x16xf32, #tpu.memory_space<vmem>>, vector<1x1x16xf32>,
    %swap3A_998 = vector.shape_cast %swap3A_997 : vector<1x1x16xf32> to vector<16xf32>
    %swap3A_999 = vector.shape_cast %broadcast_in_dim3A_72 : vector<16xf32> to vector<1x1x16xf32>
    tpu.vector_store %arg6[%swap3A_994, %swap3A_995, %swap3A_996], %swap3A_999 {strides = array<i32>} : memref<8x8x16xf32, #tpu.memory_space<vmem>>, vector<1x1x16xf32>,
    %swap3A_1000 = arith.constant 7 : i32
    %swap3A_1001 = arith.constant 2 : i32
    %swap3A_1002 = arith.index_cast %swap3A_1000 : i32 to index
    %swap3A_1003 = arith.index_cast %swap3A_1001 : i32 to index
    %swap3A_1004 = arith.constant 0 : index
    %swap3A_1005 = tpu.vector_load %arg5[%swap3A_1002, %swap3A_1003, %swap3A_1004] {strides = array<i32>} : memref<8x8x16xf32, #tpu.memory_space<vmem>>, vector<1x1x16xf32>,
    %swap3A_1006 = vector.shape_cast %swap3A_1005 : vector<1x1x16xf32> to vector<16xf32>
    %swap3A_1007 = vector.shape_cast %broadcast_in_dim3A_72 : vector<16xf32> to vector<1x1x16xf32>
    tpu.vector_store %arg5[%swap3A_1002, %swap3A_1003, %swap3A_1004], %swap3A_1007 {strides = array<i32>} : memref<8x8x16xf32, #tpu.memory_space<vmem>>, vector<1x1x16xf32>,
    %swap3A_1008 = arith.constant 7 : i32
    %swap3A_1009 = arith.constant 2 : i32
    %swap3A_1010 = arith.index_cast %swap3A_1008 : i32 to index
    %swap3A_1011 = arith.index_cast %swap3A_1009 : i32 to index
    %swap3A_1012 = arith.constant 0 : index
    %swap3A_1013 = tpu.vector_load %arg6[%swap3A_1010, %swap3A_1011, %swap3A_1012] {strides = array<i32>} : memref<8x8x16xf32, #tpu.memory_space<vmem>>, vector<1x1x16xf32>,
    %swap3A_1014 = vector.shape_cast %swap3A_1013 : vector<1x1x16xf32> to vector<16xf32>
    %swap3A_1015 = vector.shape_cast %broadcast_in_dim3A_72 : vector<16xf32> to vector<1x1x16xf32>
    tpu.vector_store %arg6[%swap3A_1010, %swap3A_1011, %swap3A_1012], %swap3A_1015 {strides = array<i32>} : memref<8x8x16xf32, #tpu.memory_space<vmem>>, vector<1x1x16xf32>,
    %swap3A_1016 = arith.constant 7 : i32
    %swap3A_1017 = arith.constant 3 : i32
    %swap3A_1018 = arith.index_cast %swap3A_1016 : i32 to index
    %swap3A_1019 = arith.index_cast %swap3A_1017 : i32 to index
    %swap3A_1020 = arith.constant 0 : index
    %swap3A_1021 = tpu.vector_load %arg5[%swap3A_1018, %swap3A_1019, %swap3A_1020] {strides = array<i32>} : memref<8x8x16xf32, #tpu.memory_space<vmem>>, vector<1x1x16xf32>,
    %swap3A_1022 = vector.shape_cast %swap3A_1021 : vector<1x1x16xf32> to vector<16xf32>
    %swap3A_1023 = vector.shape_cast %broadcast_in_dim3A_72 : vector<16xf32> to vector<1x1x16xf32>
    tpu.vector_store %arg5[%swap3A_1018, %swap3A_1019, %swap3A_1020], %swap3A_1023 {strides = array<i32>} : memref<8x8x16xf32, #tpu.memory_space<vmem>>, vector<1x1x16xf32>,
    %swap3A_1024 = arith.constant 7 : i32
    %swap3A_1025 = arith.constant 3 : i32
    %swap3A_1026 = arith.index_cast %swap3A_1024 : i32 to index
    %swap3A_1027 = arith.index_cast %swap3A_1025 : i32 to index
    %swap3A_1028 = arith.constant 0 : index
    %swap3A_1029 = tpu.vector_load %arg6[%swap3A_1026, %swap3A_1027, %swap3A_1028] {strides = array<i32>} : memref<8x8x16xf32, #tpu.memory_space<vmem>>, vector<1x1x16xf32>,
    %swap3A_1030 = vector.shape_cast %swap3A_1029 : vector<1x1x16xf32> to vector<16xf32>
    %swap3A_1031 = vector.shape_cast %broadcast_in_dim3A_72 : vector<16xf32> to vector<1x1x16xf32>
    tpu.vector_store %arg6[%swap3A_1026, %swap3A_1027, %swap3A_1028], %swap3A_1031 {strides = array<i32>} : memref<8x8x16xf32, #tpu.memory_space<vmem>>, vector<1x1x16xf32>,
    %swap3A_1032 = arith.constant 7 : i32
    %swap3A_1033 = arith.constant 4 : i32
    %swap3A_1034 = arith.index_cast %swap3A_1032 : i32 to index
    %swap3A_1035 = arith.index_cast %swap3A_1033 : i32 to index
    %swap3A_1036 = arith.constant 0 : index
    %swap3A_1037 = tpu.vector_load %arg5[%swap3A_1034, %swap3A_1035, %swap3A_1036] {strides = array<i32>} : memref<8x8x16xf32, #tpu.memory_space<vmem>>, vector<1x1x16xf32>,
    %swap3A_1038 = vector.shape_cast %swap3A_1037 : vector<1x1x16xf32> to vector<16xf32>
    %swap3A_1039 = vector.shape_cast %broadcast_in_dim3A_72 : vector<16xf32> to vector<1x1x16xf32>
    tpu.vector_store %arg5[%swap3A_1034, %swap3A_1035, %swap3A_1036], %swap3A_1039 {strides = array<i32>} : memref<8x8x16xf32, #tpu.memory_space<vmem>>, vector<1x1x16xf32>,
    %swap3A_1040 = arith.constant 7 : i32
    %swap3A_1041 = arith.constant 4 : i32
    %swap3A_1042 = arith.index_cast %swap3A_1040 : i32 to index
    %swap3A_1043 = arith.index_cast %swap3A_1041 : i32 to index
    %swap3A_1044 = arith.constant 0 : index
    %swap3A_1045 = tpu.vector_load %arg6[%swap3A_1042, %swap3A_1043, %swap3A_1044] {strides = array<i32>} : memref<8x8x16xf32, #tpu.memory_space<vmem>>, vector<1x1x16xf32>,
    %swap3A_1046 = vector.shape_cast %swap3A_1045 : vector<1x1x16xf32> to vector<16xf32>
    %swap3A_1047 = vector.shape_cast %broadcast_in_dim3A_72 : vector<16xf32> to vector<1x1x16xf32>
    tpu.vector_store %arg6[%swap3A_1042, %swap3A_1043, %swap3A_1044], %swap3A_1047 {strides = array<i32>} : memref<8x8x16xf32, #tpu.memory_space<vmem>>, vector<1x1x16xf32>,
    %swap3A_1048 = arith.constant 7 : i32
    %swap3A_1049 = arith.constant 5 : i32
    %swap3A_1050 = arith.index_cast %swap3A_1048 : i32 to index
    %swap3A_1051 = arith.index_cast %swap3A_1049 : i32 to index
    %swap3A_1052 = arith.constant 0 : index
    %swap3A_1053 = tpu.vector_load %arg5[%swap3A_1050, %swap3A_1051, %swap3A_1052] {strides = array<i32>} : memref<8x8x16xf32, #tpu.memory_space<vmem>>, vector<1x1x16xf32>,
    %swap3A_1054 = vector.shape_cast %swap3A_1053 : vector<1x1x16xf32> to vector<16xf32>
    %swap3A_1055 = vector.shape_cast %broadcast_in_dim3A_72 : vector<16xf32> to vector<1x1x16xf32>
    tpu.vector_store %arg5[%swap3A_1050, %swap3A_1051, %swap3A_1052], %swap3A_1055 {strides = array<i32>} : memref<8x8x16xf32, #tpu.memory_space<vmem>>, vector<1x1x16xf32>,
    %swap3A_1056 = arith.constant 7 : i32
    %swap3A_1057 = arith.constant 5 : i32
    %swap3A_1058 = arith.index_cast %swap3A_1056 : i32 to index
    %swap3A_1059 = arith.index_cast %swap3A_1057 : i32 to index
    %swap3A_1060 = arith.constant 0 : index
    %swap3A_1061 = tpu.vector_load %arg6[%swap3A_1058, %swap3A_1059, %swap3A_1060] {strides = array<i32>} : memref<8x8x16xf32, #tpu.memory_space<vmem>>, vector<1x1x16xf32>,
    %swap3A_1062 = vector.shape_cast %swap3A_1061 : vector<1x1x16xf32> to vector<16xf32>
    %swap3A_1063 = vector.shape_cast %broadcast_in_dim3A_72 : vector<16xf32> to vector<1x1x16xf32>
    tpu.vector_store %arg6[%swap3A_1058, %swap3A_1059, %swap3A_1060], %swap3A_1063 {strides = array<i32>} : memref<8x8x16xf32, #tpu.memory_space<vmem>>, vector<1x1x16xf32>,
    %swap3A_1064 = arith.constant 7 : i32
    %swap3A_1065 = arith.constant 6 : i32
    %swap3A_1066 = arith.index_cast %swap3A_1064 : i32 to index
    %swap3A_1067 = arith.index_cast %swap3A_1065 : i32 to index
    %swap3A_1068 = arith.constant 0 : index
    %swap3A_1069 = tpu.vector_load %arg5[%swap3A_1066, %swap3A_1067, %swap3A_1068] {strides = array<i32>} : memref<8x8x16xf32, #tpu.memory_space<vmem>>, vector<1x1x16xf32>,
    %swap3A_1070 = vector.shape_cast %swap3A_1069 : vector<1x1x16xf32> to vector<16xf32>
    %swap3A_1071 = vector.shape_cast %broadcast_in_dim3A_72 : vector<16xf32> to vector<1x1x16xf32>
    tpu.vector_store %arg5[%swap3A_1066, %swap3A_1067, %swap3A_1068], %swap3A_1071 {strides = array<i32>} : memref<8x8x16xf32, #tpu.memory_space<vmem>>, vector<1x1x16xf32>,
    %swap3A_1072 = arith.constant 7 : i32
    %swap3A_1073 = arith.constant 6 : i32
    %swap3A_1074 = arith.index_cast %swap3A_1072 : i32 to index
    %swap3A_1075 = arith.index_cast %swap3A_1073 : i32 to index
    %swap3A_1076 = arith.constant 0 : index
    %swap3A_1077 = tpu.vector_load %arg6[%swap3A_1074, %swap3A_1075, %swap3A_1076] {strides = array<i32>} : memref<8x8x16xf32, #tpu.memory_space<vmem>>, vector<1x1x16xf32>,
    %swap3A_1078 = vector.shape_cast %swap3A_1077 : vector<1x1x16xf32> to vector<16xf32>
    %swap3A_1079 = vector.shape_cast %broadcast_in_dim3A_72 : vector<16xf32> to vector<1x1x16xf32>
    tpu.vector_store %arg6[%swap3A_1074, %swap3A_1075, %swap3A_1076], %swap3A_1079 {strides = array<i32>} : memref<8x8x16xf32, #tpu.memory_space<vmem>>, vector<1x1x16xf32>,
    %swap3A_1080 = arith.constant 7 : i32
    %swap3A_1081 = arith.constant 7 : i32
    %swap3A_1082 = arith.index_cast %swap3A_1080 : i32 to index
    %swap3A_1083 = arith.index_cast %swap3A_1081 : i32 to index
    %swap3A_1084 = arith.constant 0 : index
    %swap3A_1085 = tpu.vector_load %arg5[%swap3A_1082, %swap3A_1083, %swap3A_1084] {strides = array<i32>} : memref<8x8x16xf32, #tpu.memory_space<vmem>>, vector<1x1x16xf32>,
    %swap3A_1086 = vector.shape_cast %swap3A_1085 : vector<1x1x16xf32> to vector<16xf32>
    %swap3A_1087 = vector.shape_cast %broadcast_in_dim3A_72 : vector<16xf32> to vector<1x1x16xf32>
    tpu.vector_store %arg5[%swap3A_1082, %swap3A_1083, %swap3A_1084], %swap3A_1087 {strides = array<i32>} : memref<8x8x16xf32, #tpu.memory_space<vmem>>, vector<1x1x16xf32>,
    %swap3A_1088 = arith.constant 7 : i32
    %swap3A_1089 = arith.constant 7 : i32
    %swap3A_1090 = arith.index_cast %swap3A_1088 : i32 to index
    %swap3A_1091 = arith.index_cast %swap3A_1089 : i32 to index
    %swap3A_1092 = arith.constant 0 : index
    %swap3A_1093 = tpu.vector_load %arg6[%swap3A_1090, %swap3A_1091, %swap3A_1092] {strides = array<i32>} : memref<8x8x16xf32, #tpu.memory_space<vmem>>, vector<1x1x16xf32>,
    %swap3A_1094 = vector.shape_cast %swap3A_1093 : vector<1x1x16xf32> to vector<16xf32>
    %swap3A_1095 = vector.shape_cast %broadcast_in_dim3A_72 : vector<16xf32> to vector<1x1x16xf32>
    tpu.vector_store %arg6[%swap3A_1090, %swap3A_1091, %swap3A_1092], %swap3A_1095 {strides = array<i32>} : memref<8x8x16xf32, #tpu.memory_space<vmem>>, vector<1x1x16xf32>,
    %add3A_1096 = arith.constant 0 : i32
    %add3A_1097 = arith.addi %select_n3A, %add3A_1096 : i32
    %jit3A_1098 = arith.constant 6 : i32
    %div3A_1099 = arith.divsi %add3A_1097, %jit3A_1098 : i32
    %sign3A_1100 = arith.constant 0 : i32
    %sign3A_1101 = arith.cmpi sgt, %add3A_1097, %sign3A_1100 : i32
    %sign3A_1102 = arith.extui %sign3A_1101 : i1 to i32
    %sign3A_1103 = arith.constant 0 : i32
    %sign3A_1104 = arith.cmpi slt, %add3A_1097, %sign3A_1103 : i32
    %sign3A_1105 = arith.extui %sign3A_1104 : i1 to i32
    %sign3A_1106 = arith.subi %sign3A_1102, %sign3A_1105 : i32
    %sign3A_1107 = arith.constant 0 : i32
    %sign3A_1108 = arith.cmpi sgt, %jit3A_1098, %sign3A_1107 : i32
    %sign3A_1109 = arith.extui %sign3A_1108 : i1 to i32
    %sign3A_1110 = arith.constant 0 : i32
    %sign3A_1111 = arith.cmpi slt, %jit3A_1098, %sign3A_1110 : i32
    %sign3A_1112 = arith.extui %sign3A_1111 : i1 to i32
    %sign3A_1113 = arith.subi %sign3A_1109, %sign3A_1112 : i32
    %ne3A_1114 = arith.cmpi ne, %sign3A_1106, %sign3A_1113 : i32
    %rem3A_1115 = arith.remsi %add3A_1097, %jit3A_1098 : i32
    %ne3A_1116 = arith.constant 0 : i32
    %ne3A_1117 = arith.cmpi ne, %rem3A_1115, %ne3A_1116 : i32
    %and3A_1118 = arith.andi %ne3A_1114, %ne3A_1117 : i1
    %sub3A_1119 = arith.constant 1 : i32
    %sub3A_1120 = arith.subi %div3A_1099, %sub3A_1119 : i32
    %select_n3A_1121 = arith.select %and3A_1118, %sub3A_1120, %div3A_1099 : i32
    %jit3A_1122 = arith.constant 6 : i32
    %eq3A = arith.constant 0 : i32
    %eq3A_1123 = arith.cmpi eq, %jit3A_1122, %eq3A : i32
    %jit3A_1124 = arith.constant 1 : i32
    %select_n3A_1125 = arith.select %eq3A_1123, %jit3A_1124, %jit3A_1122 : i32
    %rem3A_1126 = arith.remsi %add3A_1097, %select_n3A_1125 : i32
    %ne3A_1127 = arith.constant 0 : i32
    %ne3A_1128 = arith.cmpi ne, %rem3A_1126, %ne3A_1127 : i32
    %lt3A = arith.constant 0 : i32
    %lt3A_1129 = arith.cmpi slt, %rem3A_1126, %lt3A : i32
    %lt3A_1130 = arith.constant 0 : i32
    %lt3A_1131 = arith.cmpi slt, %select_n3A_1125, %lt3A_1130 : i32
    %ne3A_1132 = arith.xori %lt3A_1129, %lt3A_1131 : i1
    %and3A_1133 = arith.andi %ne3A_1132, %ne3A_1128 : i1
    %add3A_1134 = arith.addi %rem3A_1126, %select_n3A_1125 : i32
    %select_n3A_1135 = arith.select %and3A_1133, %add3A_1134, %rem3A_1126 : i32
    %jit3A_1136 = arith.constant 67 : i32
    %div3A_1137 = arith.divsi %select_n3A_1121, %jit3A_1136 : i32
    %sign3A_1138 = arith.constant 0 : i32
    %sign3A_1139 = arith.cmpi sgt, %select_n3A_1121, %sign3A_1138 : i32
    %sign3A_1140 = arith.extui %sign3A_1139 : i1 to i32
    %sign3A_1141 = arith.constant 0 : i32
    %sign3A_1142 = arith.cmpi slt, %select_n3A_1121, %sign3A_1141 : i32
    %sign3A_1143 = arith.extui %sign3A_1142 : i1 to i32
    %sign3A_1144 = arith.subi %sign3A_1140, %sign3A_1143 : i32
    %sign3A_1145 = arith.constant 0 : i32
    %sign3A_1146 = arith.cmpi sgt, %jit3A_1136, %sign3A_1145 : i32
    %sign3A_1147 = arith.extui %sign3A_1146 : i1 to i32
    %sign3A_1148 = arith.constant 0 : i32
    %sign3A_1149 = arith.cmpi slt, %jit3A_1136, %sign3A_1148 : i32
    %sign3A_1150 = arith.extui %sign3A_1149 : i1 to i32
    %sign3A_1151 = arith.subi %sign3A_1147, %sign3A_1150 : i32
    %ne3A_1152 = arith.cmpi ne, %sign3A_1144, %sign3A_1151 : i32
    %rem3A_1153 = arith.remsi %select_n3A_1121, %jit3A_1136 : i32
    %ne3A_1154 = arith.constant 0 : i32
    %ne3A_1155 = arith.cmpi ne, %rem3A_1153, %ne3A_1154 : i32
    %and3A_1156 = arith.andi %ne3A_1152, %ne3A_1155 : i1
    %sub3A_1157 = arith.constant 1 : i32
    %sub3A_1158 = arith.subi %div3A_1137, %sub3A_1157 : i32
    %select_n3A_1159 = arith.select %and3A_1156, %sub3A_1158, %div3A_1137 : i32
    %jit3A_1160 = arith.constant 67 : i32
    %eq3A_1161 = arith.constant 0 : i32
    %eq3A_1162 = arith.cmpi eq, %jit3A_1160, %eq3A_1161 : i32
    %jit3A_1163 = arith.constant 1 : i32
    %select_n3A_1164 = arith.select %eq3A_1162, %jit3A_1163, %jit3A_1160 : i32
    %rem3A_1165 = arith.remsi %select_n3A_1121, %select_n3A_1164 : i32
    %ne3A_1166 = arith.constant 0 : i32
    %ne3A_1167 = arith.cmpi ne, %rem3A_1165, %ne3A_1166 : i32
    %lt3A_1168 = arith.constant 0 : i32
    %lt3A_1169 = arith.cmpi slt, %rem3A_1165, %lt3A_1168 : i32
    %lt3A_1170 = arith.constant 0 : i32
    %lt3A_1171 = arith.cmpi slt, %select_n3A_1164, %lt3A_1170 : i32
    %ne3A_1172 = arith.xori %lt3A_1169, %lt3A_1171 : i1
    %and3A_1173 = arith.andi %ne3A_1172, %ne3A_1167 : i1
    %add3A_1174 = arith.addi %rem3A_1165, %select_n3A_1164 : i32
    %select_n3A_1175 = arith.select %and3A_1173, %add3A_1174, %rem3A_1165 : i32
    %mul3A_1176 = arith.constant 8 : i32
    %mul3A_1177 = arith.muli %mul3A_1176, %select_n3A_1175 : i32
    %mul3A_1178 = arith.constant 2048 : i32
    %mul3A_1179 = arith.muli %mul3A_1178, %select_n3A_1135 : i32
    %dma_start3A = arith.constant 0 : i32
    %dma_start3A_1180 = arith.constant 0 : i32
    %dma_start3A_1181 = arith.constant 0 : i32
    %dma_start3A_1182 = arith.constant 0 : i32
    %dma_start3A_1183 = tpu.memref_slice %arg4[%dma_start3A, %dma_start3A_1181, %dma_start3A_1182] : memref<4x8x2048xf32, #tpu.memory_space<vmem>> -> memref<1x8x2048xf32, #tpu.memory_space<vmem>>
    %dma_start3A_1184 = tpu.memref_squeeze %dma_start3A_1183 : memref<1x8x2048xf32, #tpu.memory_space<vmem>> -> memref<8x2048xf32, #tpu.memory_space<vmem>>
    %dma_start3A_1185 = tpu.memref_slice %arg2[%select_n3A_1159, %mul3A_1177, %mul3A_1179] : memref<3x543x16384xf32, #tpu.memory_space<hbm>> -> memref<1x8x2048xf32, #tpu.memory_space<hbm>>
    %dma_start3A_1186 = tpu.memref_squeeze %dma_start3A_1185 : memref<1x8x2048xf32, #tpu.memory_space<hbm>> -> memref<8x2048xf32, #tpu.memory_space<hbm>>
    %dma_start3A_1187 = tpu.memref_slice %arg7[%dma_start3A_1180] : memref<4x!tpu.dma_semaphore, #tpu.memory_space<semaphore_mem>> -> memref<1x!tpu.dma_semaphore, #tpu.memory_space<semaphore_mem>>
    %dma_start3A_1188 = tpu.memref_squeeze %dma_start3A_1187 : memref<1x!tpu.dma_semaphore, #tpu.memory_space<semaphore_mem>> -> memref<!tpu.dma_semaphore, #tpu.memory_space<semaphore_mem>>
    %dma_start3A_1189 = arith.constant 0 : i32
    %dma_start3A_1190 = arith.constant 0 : i32
    %dma_start3A_1191 = tpu.memref_slice %arg4[%dma_start3A, %dma_start3A_1189, %dma_start3A_1190] : memref<4x8x2048xf32, #tpu.memory_space<vmem>> -> memref<1x8x2048xf32, #tpu.memory_space<vmem>>
    %dma_start3A_1192 = tpu.memref_squeeze %dma_start3A_1191 : memref<1x8x2048xf32, #tpu.memory_space<vmem>> -> memref<8x2048xf32, #tpu.memory_space<vmem>>
    %dma_start3A_1193 = tpu.memref_slice %arg2[%select_n3A_1159, %mul3A_1177, %mul3A_1179] : memref<3x543x16384xf32, #tpu.memory_space<hbm>> -> memref<1x8x2048xf32, #tpu.memory_space<hbm>>
    %dma_start3A_1194 = tpu.memref_squeeze %dma_start3A_1193 : memref<1x8x2048xf32, #tpu.memory_space<hbm>> -> memref<8x2048xf32, #tpu.memory_space<hbm>>
    tpu.enqueue_dma source(%dma_start3A_1194 : memref<8x2048xf32, #tpu.memory_space<hbm>>) target(%dma_start3A_1192 : memref<8x2048xf32, #tpu.memory_space<vmem>>) target_semaphore(%dma_start3A_1188 : memref<!tpu.dma_semaphore, #tpu.memory_space<semaphore_mem>>)
    %add3A_1195 = arith.constant 1 : i32
    %add3A_1196 = arith.addi %select_n3A, %add3A_1195 : i32
    %jit3A_1197 = arith.constant 6 : i32
    %div3A_1198 = arith.divsi %add3A_1196, %jit3A_1197 : i32
    %sign3A_1199 = arith.constant 0 : i32
    %sign3A_1200 = arith.cmpi sgt, %add3A_1196, %sign3A_1199 : i32
    %sign3A_1201 = arith.extui %sign3A_1200 : i1 to i32
    %sign3A_1202 = arith.constant 0 : i32
    %sign3A_1203 = arith.cmpi slt, %add3A_1196, %sign3A_1202 : i32
    %sign3A_1204 = arith.extui %sign3A_1203 : i1 to i32
    %sign3A_1205 = arith.subi %sign3A_1201, %sign3A_1204 : i32
    %sign3A_1206 = arith.constant 0 : i32
    %sign3A_1207 = arith.cmpi sgt, %jit3A_1197, %sign3A_1206 : i32
    %sign3A_1208 = arith.extui %sign3A_1207 : i1 to i32
    %sign3A_1209 = arith.constant 0 : i32
    %sign3A_1210 = arith.cmpi slt, %jit3A_1197, %sign3A_1209 : i32
    %sign3A_1211 = arith.extui %sign3A_1210 : i1 to i32
    %sign3A_1212 = arith.subi %sign3A_1208, %sign3A_1211 : i32
    %ne3A_1213 = arith.cmpi ne, %sign3A_1205, %sign3A_1212 : i32
    %rem3A_1214 = arith.remsi %add3A_1196, %jit3A_1197 : i32
    %ne3A_1215 = arith.constant 0 : i32
    %ne3A_1216 = arith.cmpi ne, %rem3A_1214, %ne3A_1215 : i32
    %and3A_1217 = arith.andi %ne3A_1213, %ne3A_1216 : i1
    %sub3A_1218 = arith.constant 1 : i32
    %sub3A_1219 = arith.subi %div3A_1198, %sub3A_1218 : i32
    %select_n3A_1220 = arith.select %and3A_1217, %sub3A_1219, %div3A_1198 : i32
    %jit3A_1221 = arith.constant 6 : i32
    %eq3A_1222 = arith.constant 0 : i32
    %eq3A_1223 = arith.cmpi eq, %jit3A_1221, %eq3A_1222 : i32
    %jit3A_1224 = arith.constant 1 : i32
    %select_n3A_1225 = arith.select %eq3A_1223, %jit3A_1224, %jit3A_1221 : i32
    %rem3A_1226 = arith.remsi %add3A_1196, %select_n3A_1225 : i32
    %ne3A_1227 = arith.constant 0 : i32
    %ne3A_1228 = arith.cmpi ne, %rem3A_1226, %ne3A_1227 : i32
    %lt3A_1229 = arith.constant 0 : i32
    %lt3A_1230 = arith.cmpi slt, %rem3A_1226, %lt3A_1229 : i32
    %lt3A_1231 = arith.constant 0 : i32
    %lt3A_1232 = arith.cmpi slt, %select_n3A_1225, %lt3A_1231 : i32
    %ne3A_1233 = arith.xori %lt3A_1230, %lt3A_1232 : i1
    %and3A_1234 = arith.andi %ne3A_1233, %ne3A_1228 : i1
    %add3A_1235 = arith.addi %rem3A_1226, %select_n3A_1225 : i32
    %select_n3A_1236 = arith.select %and3A_1234, %add3A_1235, %rem3A_1226 : i32
    %jit3A_1237 = arith.constant 67 : i32
    %div3A_1238 = arith.divsi %select_n3A_1220, %jit3A_1237 : i32
    %sign3A_1239 = arith.constant 0 : i32
    %sign3A_1240 = arith.cmpi sgt, %select_n3A_1220, %sign3A_1239 : i32
    %sign3A_1241 = arith.extui %sign3A_1240 : i1 to i32
    %sign3A_1242 = arith.constant 0 : i32
    %sign3A_1243 = arith.cmpi slt, %select_n3A_1220, %sign3A_1242 : i32
    %sign3A_1244 = arith.extui %sign3A_1243 : i1 to i32
    %sign3A_1245 = arith.subi %sign3A_1241, %sign3A_1244 : i32
    %sign3A_1246 = arith.constant 0 : i32
    %sign3A_1247 = arith.cmpi sgt, %jit3A_1237, %sign3A_1246 : i32
    %sign3A_1248 = arith.extui %sign3A_1247 : i1 to i32
    %sign3A_1249 = arith.constant 0 : i32
    %sign3A_1250 = arith.cmpi slt, %jit3A_1237, %sign3A_1249 : i32
    %sign3A_1251 = arith.extui %sign3A_1250 : i1 to i32
    %sign3A_1252 = arith.subi %sign3A_1248, %sign3A_1251 : i32
    %ne3A_1253 = arith.cmpi ne, %sign3A_1245, %sign3A_1252 : i32
    %rem3A_1254 = arith.remsi %select_n3A_1220, %jit3A_1237 : i32
    %ne3A_1255 = arith.constant 0 : i32
    %ne3A_1256 = arith.cmpi ne, %rem3A_1254, %ne3A_1255 : i32
    %and3A_1257 = arith.andi %ne3A_1253, %ne3A_1256 : i1
    %sub3A_1258 = arith.constant 1 : i32
    %sub3A_1259 = arith.subi %div3A_1238, %sub3A_1258 : i32
    %select_n3A_1260 = arith.select %and3A_1257, %sub3A_1259, %div3A_1238 : i32
    %jit3A_1261 = arith.constant 67 : i32
    %eq3A_1262 = arith.constant 0 : i32
    %eq3A_1263 = arith.cmpi eq, %jit3A_1261, %eq3A_1262 : i32
    %jit3A_1264 = arith.constant 1 : i32
    %select_n3A_1265 = arith.select %eq3A_1263, %jit3A_1264, %jit3A_1261 : i32
    %rem3A_1266 = arith.remsi %select_n3A_1220, %select_n3A_1265 : i32
    %ne3A_1267 = arith.constant 0 : i32
    %ne3A_1268 = arith.cmpi ne, %rem3A_1266, %ne3A_1267 : i32
    %lt3A_1269 = arith.constant 0 : i32
    %lt3A_1270 = arith.cmpi slt, %rem3A_1266, %lt3A_1269 : i32
    %lt3A_1271 = arith.constant 0 : i32
    %lt3A_1272 = arith.cmpi slt, %select_n3A_1265, %lt3A_1271 : i32
    %ne3A_1273 = arith.xori %lt3A_1270, %lt3A_1272 : i1
    %and3A_1274 = arith.andi %ne3A_1273, %ne3A_1268 : i1
    %add3A_1275 = arith.addi %rem3A_1266, %select_n3A_1265 : i32
    %select_n3A_1276 = arith.select %and3A_1274, %add3A_1275, %rem3A_1266 : i32
    %mul3A_1277 = arith.constant 8 : i32
    %mul3A_1278 = arith.muli %mul3A_1277, %select_n3A_1276 : i32
    %mul3A_1279 = arith.constant 2048 : i32
    %mul3A_1280 = arith.muli %mul3A_1279, %select_n3A_1236 : i32
    %dma_start3A_1281 = arith.constant 1 : i32
    %dma_start3A_1282 = arith.constant 1 : i32
    %dma_start3A_1283 = arith.constant 0 : i32
    %dma_start3A_1284 = arith.constant 0 : i32
    %dma_start3A_1285 = tpu.memref_slice %arg4[%dma_start3A_1281, %dma_start3A_1283, %dma_start3A_1284] : memref<4x8x2048xf32, #tpu.memory_space<vmem>> -> memref<1x8x2048xf32, #tpu.memory_space<vmem>>
    %dma_start3A_1286 = tpu.memref_squeeze %dma_start3A_1285 : memref<1x8x2048xf32, #tpu.memory_space<vmem>> -> memref<8x2048xf32, #tpu.memory_space<vmem>>
    %dma_start3A_1287 = tpu.memref_slice %arg2[%select_n3A_1260, %mul3A_1278, %mul3A_1280] : memref<3x543x16384xf32, #tpu.memory_space<hbm>> -> memref<1x8x2048xf32, #tpu.memory_space<hbm>>
    %dma_start3A_1288 = tpu.memref_squeeze %dma_start3A_1287 : memref<1x8x2048xf32, #tpu.memory_space<hbm>> -> memref<8x2048xf32, #tpu.memory_space<hbm>>
    %dma_start3A_1289 = tpu.memref_slice %arg7[%dma_start3A_1282] : memref<4x!tpu.dma_semaphore, #tpu.memory_space<semaphore_mem>> -> memref<1x!tpu.dma_semaphore, #tpu.memory_space<semaphore_mem>>
    %dma_start3A_1290 = tpu.memref_squeeze %dma_start3A_1289 : memref<1x!tpu.dma_semaphore, #tpu.memory_space<semaphore_mem>> -> memref<!tpu.dma_semaphore, #tpu.memory_space<semaphore_mem>>
    %dma_start3A_1291 = arith.constant 0 : i32
    %dma_start3A_1292 = arith.constant 0 : i32
    %dma_start3A_1293 = tpu.memref_slice %arg4[%dma_start3A_1281, %dma_start3A_1291, %dma_start3A_1292] : memref<4x8x2048xf32, #tpu.memory_space<vmem>> -> memref<1x8x2048xf32, #tpu.memory_space<vmem>>
    %dma_start3A_1294 = tpu.memref_squeeze %dma_start3A_1293 : memref<1x8x2048xf32, #tpu.memory_space<vmem>> -> memref<8x2048xf32, #tpu.memory_space<vmem>>
    %dma_start3A_1295 = tpu.memref_slice %arg2[%select_n3A_1260, %mul3A_1278, %mul3A_1280] : memref<3x543x16384xf32, #tpu.memory_space<hbm>> -> memref<1x8x2048xf32, #tpu.memory_space<hbm>>
    %dma_start3A_1296 = tpu.memref_squeeze %dma_start3A_1295 : memref<1x8x2048xf32, #tpu.memory_space<hbm>> -> memref<8x2048xf32, #tpu.memory_space<hbm>>
    tpu.enqueue_dma source(%dma_start3A_1296 : memref<8x2048xf32, #tpu.memory_space<hbm>>) target(%dma_start3A_1294 : memref<8x2048xf32, #tpu.memory_space<vmem>>) target_semaphore(%dma_start3A_1290 : memref<!tpu.dma_semaphore, #tpu.memory_space<semaphore_mem>>)
    %add3A_1297 = arith.constant 2 : i32
    %add3A_1298 = arith.addi %select_n3A, %add3A_1297 : i32
    %jit3A_1299 = arith.constant 6 : i32
    %div3A_1300 = arith.divsi %add3A_1298, %jit3A_1299 : i32
    %sign3A_1301 = arith.constant 0 : i32
    %sign3A_1302 = arith.cmpi sgt, %add3A_1298, %sign3A_1301 : i32
    %sign3A_1303 = arith.extui %sign3A_1302 : i1 to i32
    %sign3A_1304 = arith.constant 0 : i32
    %sign3A_1305 = arith.cmpi slt, %add3A_1298, %sign3A_1304 : i32
    %sign3A_1306 = arith.extui %sign3A_1305 : i1 to i32
    %sign3A_1307 = arith.subi %sign3A_1303, %sign3A_1306 : i32
    %sign3A_1308 = arith.constant 0 : i32
    %sign3A_1309 = arith.cmpi sgt, %jit3A_1299, %sign3A_1308 : i32
    %sign3A_1310 = arith.extui %sign3A_1309 : i1 to i32
    %sign3A_1311 = arith.constant 0 : i32
    %sign3A_1312 = arith.cmpi slt, %jit3A_1299, %sign3A_1311 : i32
    %sign3A_1313 = arith.extui %sign3A_1312 : i1 to i32
    %sign3A_1314 = arith.subi %sign3A_1310, %sign3A_1313 : i32
    %ne3A_1315 = arith.cmpi ne, %sign3A_1307, %sign3A_1314 : i32
    %rem3A_1316 = arith.remsi %add3A_1298, %jit3A_1299 : i32
    %ne3A_1317 = arith.constant 0 : i32
    %ne3A_1318 = arith.cmpi ne, %rem3A_1316, %ne3A_1317 : i32
    %and3A_1319 = arith.andi %ne3A_1315, %ne3A_1318 : i1
    %sub3A_1320 = arith.constant 1 : i32
    %sub3A_1321 = arith.subi %div3A_1300, %sub3A_1320 : i32
    %select_n3A_1322 = arith.select %and3A_1319, %sub3A_1321, %div3A_1300 : i32
    %jit3A_1323 = arith.constant 6 : i32
    %eq3A_1324 = arith.constant 0 : i32
    %eq3A_1325 = arith.cmpi eq, %jit3A_1323, %eq3A_1324 : i32
    %jit3A_1326 = arith.constant 1 : i32
    %select_n3A_1327 = arith.select %eq3A_1325, %jit3A_1326, %jit3A_1323 : i32
    %rem3A_1328 = arith.remsi %add3A_1298, %select_n3A_1327 : i32
    %ne3A_1329 = arith.constant 0 : i32
    %ne3A_1330 = arith.cmpi ne, %rem3A_1328, %ne3A_1329 : i32
    %lt3A_1331 = arith.constant 0 : i32
    %lt3A_1332 = arith.cmpi slt, %rem3A_1328, %lt3A_1331 : i32
    %lt3A_1333 = arith.constant 0 : i32
    %lt3A_1334 = arith.cmpi slt, %select_n3A_1327, %lt3A_1333 : i32
    %ne3A_1335 = arith.xori %lt3A_1332, %lt3A_1334 : i1
    %and3A_1336 = arith.andi %ne3A_1335, %ne3A_1330 : i1
    %add3A_1337 = arith.addi %rem3A_1328, %select_n3A_1327 : i32
    %select_n3A_1338 = arith.select %and3A_1336, %add3A_1337, %rem3A_1328 : i32
    %jit3A_1339 = arith.constant 67 : i32
    %div3A_1340 = arith.divsi %select_n3A_1322, %jit3A_1339 : i32
    %sign3A_1341 = arith.constant 0 : i32
    %sign3A_1342 = arith.cmpi sgt, %select_n3A_1322, %sign3A_1341 : i32
    %sign3A_1343 = arith.extui %sign3A_1342 : i1 to i32
    %sign3A_1344 = arith.constant 0 : i32
    %sign3A_1345 = arith.cmpi slt, %select_n3A_1322, %sign3A_1344 : i32
    %sign3A_1346 = arith.extui %sign3A_1345 : i1 to i32
    %sign3A_1347 = arith.subi %sign3A_1343, %sign3A_1346 : i32
    %sign3A_1348 = arith.constant 0 : i32
    %sign3A_1349 = arith.cmpi sgt, %jit3A_1339, %sign3A_1348 : i32
    %sign3A_1350 = arith.extui %sign3A_1349 : i1 to i32
    %sign3A_1351 = arith.constant 0 : i32
    %sign3A_1352 = arith.cmpi slt, %jit3A_1339, %sign3A_1351 : i32
    %sign3A_1353 = arith.extui %sign3A_1352 : i1 to i32
    %sign3A_1354 = arith.subi %sign3A_1350, %sign3A_1353 : i32
    %ne3A_1355 = arith.cmpi ne, %sign3A_1347, %sign3A_1354 : i32
    %rem3A_1356 = arith.remsi %select_n3A_1322, %jit3A_1339 : i32
    %ne3A_1357 = arith.constant 0 : i32
    %ne3A_1358 = arith.cmpi ne, %rem3A_1356, %ne3A_1357 : i32
    %and3A_1359 = arith.andi %ne3A_1355, %ne3A_1358 : i1
    %sub3A_1360 = arith.constant 1 : i32
    %sub3A_1361 = arith.subi %div3A_1340, %sub3A_1360 : i32
    %select_n3A_1362 = arith.select %and3A_1359, %sub3A_1361, %div3A_1340 : i32
    %jit3A_1363 = arith.constant 67 : i32
    %eq3A_1364 = arith.constant 0 : i32
    %eq3A_1365 = arith.cmpi eq, %jit3A_1363, %eq3A_1364 : i32
    %jit3A_1366 = arith.constant 1 : i32
    %select_n3A_1367 = arith.select %eq3A_1365, %jit3A_1366, %jit3A_1363 : i32
    %rem3A_1368 = arith.remsi %select_n3A_1322, %select_n3A_1367 : i32
    %ne3A_1369 = arith.constant 0 : i32
    %ne3A_1370 = arith.cmpi ne, %rem3A_1368, %ne3A_1369 : i32
    %lt3A_1371 = arith.constant 0 : i32
    %lt3A_1372 = arith.cmpi slt, %rem3A_1368, %lt3A_1371 : i32
    %lt3A_1373 = arith.constant 0 : i32
    %lt3A_1374 = arith.cmpi slt, %select_n3A_1367, %lt3A_1373 : i32
    %ne3A_1375 = arith.xori %lt3A_1372, %lt3A_1374 : i1
    %and3A_1376 = arith.andi %ne3A_1375, %ne3A_1370 : i1
    %add3A_1377 = arith.addi %rem3A_1368, %select_n3A_1367 : i32
    %select_n3A_1378 = arith.select %and3A_1376, %add3A_1377, %rem3A_1368 : i32
    %mul3A_1379 = arith.constant 8 : i32
    %mul3A_1380 = arith.muli %mul3A_1379, %select_n3A_1378 : i32
    %mul3A_1381 = arith.constant 2048 : i32
    %mul3A_1382 = arith.muli %mul3A_1381, %select_n3A_1338 : i32
    %dma_start3A_1383 = arith.constant 2 : i32
    %dma_start3A_1384 = arith.constant 2 : i32
    %dma_start3A_1385 = arith.constant 0 : i32
    %dma_start3A_1386 = arith.constant 0 : i32
    %dma_start3A_1387 = tpu.memref_slice %arg4[%dma_start3A_1383, %dma_start3A_1385, %dma_start3A_1386] : memref<4x8x2048xf32, #tpu.memory_space<vmem>> -> memref<1x8x2048xf32, #tpu.memory_space<vmem>>
    %dma_start3A_1388 = tpu.memref_squeeze %dma_start3A_1387 : memref<1x8x2048xf32, #tpu.memory_space<vmem>> -> memref<8x2048xf32, #tpu.memory_space<vmem>>
    %dma_start3A_1389 = tpu.memref_slice %arg2[%select_n3A_1362, %mul3A_1380, %mul3A_1382] : memref<3x543x16384xf32, #tpu.memory_space<hbm>> -> memref<1x8x2048xf32, #tpu.memory_space<hbm>>
    %dma_start3A_1390 = tpu.memref_squeeze %dma_start3A_1389 : memref<1x8x2048xf32, #tpu.memory_space<hbm>> -> memref<8x2048xf32, #tpu.memory_space<hbm>>
    %dma_start3A_1391 = tpu.memref_slice %arg7[%dma_start3A_1384] : memref<4x!tpu.dma_semaphore, #tpu.memory_space<semaphore_mem>> -> memref<1x!tpu.dma_semaphore, #tpu.memory_space<semaphore_mem>>
    %dma_start3A_1392 = tpu.memref_squeeze %dma_start3A_1391 : memref<1x!tpu.dma_semaphore, #tpu.memory_space<semaphore_mem>> -> memref<!tpu.dma_semaphore, #tpu.memory_space<semaphore_mem>>
    %dma_start3A_1393 = arith.constant 0 : i32
    %dma_start3A_1394 = arith.constant 0 : i32
    %dma_start3A_1395 = tpu.memref_slice %arg4[%dma_start3A_1383, %dma_start3A_1393, %dma_start3A_1394] : memref<4x8x2048xf32, #tpu.memory_space<vmem>> -> memref<1x8x2048xf32, #tpu.memory_space<vmem>>
    %dma_start3A_1396 = tpu.memref_squeeze %dma_start3A_1395 : memref<1x8x2048xf32, #tpu.memory_space<vmem>> -> memref<8x2048xf32, #tpu.memory_space<vmem>>
    %dma_start3A_1397 = tpu.memref_slice %arg2[%select_n3A_1362, %mul3A_1380, %mul3A_1382] : memref<3x543x16384xf32, #tpu.memory_space<hbm>> -> memref<1x8x2048xf32, #tpu.memory_space<hbm>>
    %dma_start3A_1398 = tpu.memref_squeeze %dma_start3A_1397 : memref<1x8x2048xf32, #tpu.memory_space<hbm>> -> memref<8x2048xf32, #tpu.memory_space<hbm>>
    tpu.enqueue_dma source(%dma_start3A_1398 : memref<8x2048xf32, #tpu.memory_space<hbm>>) target(%dma_start3A_1396 : memref<8x2048xf32, #tpu.memory_space<vmem>>) target_semaphore(%dma_start3A_1392 : memref<!tpu.dma_semaphore, #tpu.memory_space<semaphore_mem>>)
    %add3A_1399 = arith.constant 3 : i32
    %add3A_1400 = arith.addi %select_n3A, %add3A_1399 : i32
    %jit3A_1401 = arith.constant 6 : i32
    %div3A_1402 = arith.divsi %add3A_1400, %jit3A_1401 : i32
    %sign3A_1403 = arith.constant 0 : i32
    %sign3A_1404 = arith.cmpi sgt, %add3A_1400, %sign3A_1403 : i32
    %sign3A_1405 = arith.extui %sign3A_1404 : i1 to i32
    %sign3A_1406 = arith.constant 0 : i32
    %sign3A_1407 = arith.cmpi slt, %add3A_1400, %sign3A_1406 : i32
    %sign3A_1408 = arith.extui %sign3A_1407 : i1 to i32
    %sign3A_1409 = arith.subi %sign3A_1405, %sign3A_1408 : i32
    %sign3A_1410 = arith.constant 0 : i32
    %sign3A_1411 = arith.cmpi sgt, %jit3A_1401, %sign3A_1410 : i32
    %sign3A_1412 = arith.extui %sign3A_1411 : i1 to i32
    %sign3A_1413 = arith.constant 0 : i32
    %sign3A_1414 = arith.cmpi slt, %jit3A_1401, %sign3A_1413 : i32
    %sign3A_1415 = arith.extui %sign3A_1414 : i1 to i32
    %sign3A_1416 = arith.subi %sign3A_1412, %sign3A_1415 : i32
    %ne3A_1417 = arith.cmpi ne, %sign3A_1409, %sign3A_1416 : i32
    %rem3A_1418 = arith.remsi %add3A_1400, %jit3A_1401 : i32
    %ne3A_1419 = arith.constant 0 : i32
    %ne3A_1420 = arith.cmpi ne, %rem3A_1418, %ne3A_1419 : i32
    %and3A_1421 = arith.andi %ne3A_1417, %ne3A_1420 : i1
    %sub3A_1422 = arith.constant 1 : i32
    %sub3A_1423 = arith.subi %div3A_1402, %sub3A_1422 : i32
    %select_n3A_1424 = arith.select %and3A_1421, %sub3A_1423, %div3A_1402 : i32
    %jit3A_1425 = arith.constant 6 : i32
    %eq3A_1426 = arith.constant 0 : i32
    %eq3A_1427 = arith.cmpi eq, %jit3A_1425, %eq3A_1426 : i32
    %jit3A_1428 = arith.constant 1 : i32
    %select_n3A_1429 = arith.select %eq3A_1427, %jit3A_1428, %jit3A_1425 : i32
    %rem3A_1430 = arith.remsi %add3A_1400, %select_n3A_1429 : i32
    %ne3A_1431 = arith.constant 0 : i32
    %ne3A_1432 = arith.cmpi ne, %rem3A_1430, %ne3A_1431 : i32
    %lt3A_1433 = arith.constant 0 : i32
    %lt3A_1434 = arith.cmpi slt, %rem3A_1430, %lt3A_1433 : i32
    %lt3A_1435 = arith.constant 0 : i32
    %lt3A_1436 = arith.cmpi slt, %select_n3A_1429, %lt3A_1435 : i32
    %ne3A_1437 = arith.xori %lt3A_1434, %lt3A_1436 : i1
    %and3A_1438 = arith.andi %ne3A_1437, %ne3A_1432 : i1
    %add3A_1439 = arith.addi %rem3A_1430, %select_n3A_1429 : i32
    %select_n3A_1440 = arith.select %and3A_1438, %add3A_1439, %rem3A_1430 : i32
    %jit3A_1441 = arith.constant 67 : i32
    %div3A_1442 = arith.divsi %select_n3A_1424, %jit3A_1441 : i32
    %sign3A_1443 = arith.constant 0 : i32
    %sign3A_1444 = arith.cmpi sgt, %select_n3A_1424, %sign3A_1443 : i32
    %sign3A_1445 = arith.extui %sign3A_1444 : i1 to i32
    %sign3A_1446 = arith.constant 0 : i32
    %sign3A_1447 = arith.cmpi slt, %select_n3A_1424, %sign3A_1446 : i32
    %sign3A_1448 = arith.extui %sign3A_1447 : i1 to i32
    %sign3A_1449 = arith.subi %sign3A_1445, %sign3A_1448 : i32
    %sign3A_1450 = arith.constant 0 : i32
    %sign3A_1451 = arith.cmpi sgt, %jit3A_1441, %sign3A_1450 : i32
    %sign3A_1452 = arith.extui %sign3A_1451 : i1 to i32
    %sign3A_1453 = arith.constant 0 : i32
    %sign3A_1454 = arith.cmpi slt, %jit3A_1441, %sign3A_1453 : i32
    %sign3A_1455 = arith.extui %sign3A_1454 : i1 to i32
    %sign3A_1456 = arith.subi %sign3A_1452, %sign3A_1455 : i32
    %ne3A_1457 = arith.cmpi ne, %sign3A_1449, %sign3A_1456 : i32
    %rem3A_1458 = arith.remsi %select_n3A_1424, %jit3A_1441 : i32
    %ne3A_1459 = arith.constant 0 : i32
    %ne3A_1460 = arith.cmpi ne, %rem3A_1458, %ne3A_1459 : i32
    %and3A_1461 = arith.andi %ne3A_1457, %ne3A_1460 : i1
    %sub3A_1462 = arith.constant 1 : i32
    %sub3A_1463 = arith.subi %div3A_1442, %sub3A_1462 : i32
    %select_n3A_1464 = arith.select %and3A_1461, %sub3A_1463, %div3A_1442 : i32
    %jit3A_1465 = arith.constant 67 : i32
    %eq3A_1466 = arith.constant 0 : i32
    %eq3A_1467 = arith.cmpi eq, %jit3A_1465, %eq3A_1466 : i32
    %jit3A_1468 = arith.constant 1 : i32
    %select_n3A_1469 = arith.select %eq3A_1467, %jit3A_1468, %jit3A_1465 : i32
    %rem3A_1470 = arith.remsi %select_n3A_1424, %select_n3A_1469 : i32
    %ne3A_1471 = arith.constant 0 : i32
    %ne3A_1472 = arith.cmpi ne, %rem3A_1470, %ne3A_1471 : i32
    %lt3A_1473 = arith.constant 0 : i32
    %lt3A_1474 = arith.cmpi slt, %rem3A_1470, %lt3A_1473 : i32
    %lt3A_1475 = arith.constant 0 : i32
    %lt3A_1476 = arith.cmpi slt, %select_n3A_1469, %lt3A_1475 : i32
    %ne3A_1477 = arith.xori %lt3A_1474, %lt3A_1476 : i1
    %and3A_1478 = arith.andi %ne3A_1477, %ne3A_1472 : i1
    %add3A_1479 = arith.addi %rem3A_1470, %select_n3A_1469 : i32
    %select_n3A_1480 = arith.select %and3A_1478, %add3A_1479, %rem3A_1470 : i32
    %mul3A_1481 = arith.constant 8 : i32
    %mul3A_1482 = arith.muli %mul3A_1481, %select_n3A_1480 : i32
    %mul3A_1483 = arith.constant 2048 : i32
    %mul3A_1484 = arith.muli %mul3A_1483, %select_n3A_1440 : i32
    %dma_start3A_1485 = arith.constant 3 : i32
    %dma_start3A_1486 = arith.constant 3 : i32
    %dma_start3A_1487 = arith.constant 0 : i32
    %dma_start3A_1488 = arith.constant 0 : i32
    %dma_start3A_1489 = tpu.memref_slice %arg4[%dma_start3A_1485, %dma_start3A_1487, %dma_start3A_1488] : memref<4x8x2048xf32, #tpu.memory_space<vmem>> -> memref<1x8x2048xf32, #tpu.memory_space<vmem>>
    %dma_start3A_1490 = tpu.memref_squeeze %dma_start3A_1489 : memref<1x8x2048xf32, #tpu.memory_space<vmem>> -> memref<8x2048xf32, #tpu.memory_space<vmem>>
    %dma_start3A_1491 = tpu.memref_slice %arg2[%select_n3A_1464, %mul3A_1482, %mul3A_1484] : memref<3x543x16384xf32, #tpu.memory_space<hbm>> -> memref<1x8x2048xf32, #tpu.memory_space<hbm>>
    %dma_start3A_1492 = tpu.memref_squeeze %dma_start3A_1491 : memref<1x8x2048xf32, #tpu.memory_space<hbm>> -> memref<8x2048xf32, #tpu.memory_space<hbm>>
    %dma_start3A_1493 = tpu.memref_slice %arg7[%dma_start3A_1486] : memref<4x!tpu.dma_semaphore, #tpu.memory_space<semaphore_mem>> -> memref<1x!tpu.dma_semaphore, #tpu.memory_space<semaphore_mem>>
    %dma_start3A_1494 = tpu.memref_squeeze %dma_start3A_1493 : memref<1x!tpu.dma_semaphore, #tpu.memory_space<semaphore_mem>> -> memref<!tpu.dma_semaphore, #tpu.memory_space<semaphore_mem>>
    %dma_start3A_1495 = arith.constant 0 : i32
    %dma_start3A_1496 = arith.constant 0 : i32
    %dma_start3A_1497 = tpu.memref_slice %arg4[%dma_start3A_1485, %dma_start3A_1495, %dma_start3A_1496] : memref<4x8x2048xf32, #tpu.memory_space<vmem>> -> memref<1x8x2048xf32, #tpu.memory_space<vmem>>
    %dma_start3A_1498 = tpu.memref_squeeze %dma_start3A_1497 : memref<1x8x2048xf32, #tpu.memory_space<vmem>> -> memref<8x2048xf32, #tpu.memory_space<vmem>>
    %dma_start3A_1499 = tpu.memref_slice %arg2[%select_n3A_1464, %mul3A_1482, %mul3A_1484] : memref<3x543x16384xf32, #tpu.memory_space<hbm>> -> memref<1x8x2048xf32, #tpu.memory_space<hbm>>
    %dma_start3A_1500 = tpu.memref_squeeze %dma_start3A_1499 : memref<1x8x2048xf32, #tpu.memory_space<hbm>> -> memref<8x2048xf32, #tpu.memory_space<hbm>>
    tpu.enqueue_dma source(%dma_start3A_1500 : memref<8x2048xf32, #tpu.memory_space<hbm>>) target(%dma_start3A_1498 : memref<8x2048xf32, #tpu.memory_space<vmem>>) target_semaphore(%dma_start3A_1494 : memref<!tpu.dma_semaphore, #tpu.memory_space<semaphore_mem>>)
    %while3A = arith.constant 0 : i32
    %while3A_1501 = arith.constant 0 : i32
    %while3A_1502 = arith.subi %sub3A_47, %while3A_1501 : i32
    %while3A_1503 = arith.addi %while3A_1501, %while3A_1502 : i32
    %while3A_1504 = arith.constant 1 : i32
    %while3A_1505 = arith.divsi %while3A_1502, %while3A_1504 : i32
    %while3A_1506 = arith.muli %while3A_1505, %while3A_1504 : i32
    %while3A_1507 = arith.addi %while3A_1501, %while3A_1506 : i32
    %while3A_1508 = arith.constant 1 : i32
    scf.for %while3A_1511 = %while3A_1501 to %while3A_1507 step %while3A_1508  : i32 {
      %rem3A_1512 = arith.constant 4 : i32
      %rem3A_1513 = arith.remsi %while3A_1511, %rem3A_1512 : i32
      %add3A_1514 = arith.addi %select_n3A, %while3A_1511 : i32
      %jit3A_1515 = arith.constant 6 : i32
      %div3A_1516 = arith.divsi %add3A_1514, %jit3A_1515 : i32
      %sign3A_1517 = arith.constant 0 : i32
      %sign3A_1518 = arith.cmpi sgt, %add3A_1514, %sign3A_1517 : i32
      %sign3A_1519 = arith.extui %sign3A_1518 : i1 to i32
      %sign3A_1520 = arith.constant 0 : i32
      %sign3A_1521 = arith.cmpi slt, %add3A_1514, %sign3A_1520 : i32
      %sign3A_1522 = arith.extui %sign3A_1521 : i1 to i32
      %sign3A_1523 = arith.subi %sign3A_1519, %sign3A_1522 : i32
      %sign3A_1524 = arith.constant 0 : i32
      %sign3A_1525 = arith.cmpi sgt, %jit3A_1515, %sign3A_1524 : i32
      %sign3A_1526 = arith.extui %sign3A_1525 : i1 to i32
      %sign3A_1527 = arith.constant 0 : i32
      %sign3A_1528 = arith.cmpi slt, %jit3A_1515, %sign3A_1527 : i32
      %sign3A_1529 = arith.extui %sign3A_1528 : i1 to i32
      %sign3A_1530 = arith.subi %sign3A_1526, %sign3A_1529 : i32
      %ne3A_1531 = arith.cmpi ne, %sign3A_1523, %sign3A_1530 : i32
      %rem3A_1532 = arith.remsi %add3A_1514, %jit3A_1515 : i32
      %ne3A_1533 = arith.constant 0 : i32
      %ne3A_1534 = arith.cmpi ne, %rem3A_1532, %ne3A_1533 : i32
      %and3A_1535 = arith.andi %ne3A_1531, %ne3A_1534 : i1
      %sub3A_1536 = arith.constant 1 : i32
      %sub3A_1537 = arith.subi %div3A_1516, %sub3A_1536 : i32
      %select_n3A_1538 = arith.select %and3A_1535, %sub3A_1537, %div3A_1516 : i32
      %jit3A_1539 = arith.constant 6 : i32
      %eq3A_1540 = arith.constant 0 : i32
      %eq3A_1541 = arith.cmpi eq, %jit3A_1539, %eq3A_1540 : i32
      %jit3A_1542 = arith.constant 1 : i32
      %select_n3A_1543 = arith.select %eq3A_1541, %jit3A_1542, %jit3A_1539 : i32
      %rem3A_1544 = arith.remsi %add3A_1514, %select_n3A_1543 : i32
      %ne3A_1545 = arith.constant 0 : i32
      %ne3A_1546 = arith.cmpi ne, %rem3A_1544, %ne3A_1545 : i32
      %lt3A_1547 = arith.constant 0 : i32
      %lt3A_1548 = arith.cmpi slt, %rem3A_1544, %lt3A_1547 : i32
      %lt3A_1549 = arith.constant 0 : i32
      %lt3A_1550 = arith.cmpi slt, %select_n3A_1543, %lt3A_1549 : i32
      %ne3A_1551 = arith.xori %lt3A_1548, %lt3A_1550 : i1
      %and3A_1552 = arith.andi %ne3A_1551, %ne3A_1546 : i1
      %add3A_1553 = arith.addi %rem3A_1544, %select_n3A_1543 : i32
      %select_n3A_1554 = arith.select %and3A_1552, %add3A_1553, %rem3A_1544 : i32
      %jit3A_1555 = arith.constant 67 : i32
      %div3A_1556 = arith.divsi %select_n3A_1538, %jit3A_1555 : i32
      %sign3A_1557 = arith.constant 0 : i32
      %sign3A_1558 = arith.cmpi sgt, %select_n3A_1538, %sign3A_1557 : i32
      %sign3A_1559 = arith.extui %sign3A_1558 : i1 to i32
      %sign3A_1560 = arith.constant 0 : i32
      %sign3A_1561 = arith.cmpi slt, %select_n3A_1538, %sign3A_1560 : i32
      %sign3A_1562 = arith.extui %sign3A_1561 : i1 to i32
      %sign3A_1563 = arith.subi %sign3A_1559, %sign3A_1562 : i32
      %sign3A_1564 = arith.constant 0 : i32
      %sign3A_1565 = arith.cmpi sgt, %jit3A_1555, %sign3A_1564 : i32
      %sign3A_1566 = arith.extui %sign3A_1565 : i1 to i32
      %sign3A_1567 = arith.constant 0 : i32
      %sign3A_1568 = arith.cmpi slt, %jit3A_1555, %sign3A_1567 : i32
      %sign3A_1569 = arith.extui %sign3A_1568 : i1 to i32
      %sign3A_1570 = arith.subi %sign3A_1566, %sign3A_1569 : i32
      %ne3A_1571 = arith.cmpi ne, %sign3A_1563, %sign3A_1570 : i32
      %rem3A_1572 = arith.remsi %select_n3A_1538, %jit3A_1555 : i32
      %ne3A_1573 = arith.constant 0 : i32
      %ne3A_1574 = arith.cmpi ne, %rem3A_1572, %ne3A_1573 : i32
      %and3A_1575 = arith.andi %ne3A_1571, %ne3A_1574 : i1
      %sub3A_1576 = arith.constant 1 : i32
      %sub3A_1577 = arith.subi %div3A_1556, %sub3A_1576 : i32
      %select_n3A_1578 = arith.select %and3A_1575, %sub3A_1577, %div3A_1556 : i32
      %jit3A_1579 = arith.constant 67 : i32
      %eq3A_1580 = arith.constant 0 : i32
      %eq3A_1581 = arith.cmpi eq, %jit3A_1579, %eq3A_1580 : i32
      %jit3A_1582 = arith.constant 1 : i32
      %select_n3A_1583 = arith.select %eq3A_1581, %jit3A_1582, %jit3A_1579 : i32
      %rem3A_1584 = arith.remsi %select_n3A_1538, %select_n3A_1583 : i32
      %ne3A_1585 = arith.constant 0 : i32
      %ne3A_1586 = arith.cmpi ne, %rem3A_1584, %ne3A_1585 : i32
      %lt3A_1587 = arith.constant 0 : i32
      %lt3A_1588 = arith.cmpi slt, %rem3A_1584, %lt3A_1587 : i32
      %lt3A_1589 = arith.constant 0 : i32
      %lt3A_1590 = arith.cmpi slt, %select_n3A_1583, %lt3A_1589 : i32
      %ne3A_1591 = arith.xori %lt3A_1588, %lt3A_1590 : i1
      %and3A_1592 = arith.andi %ne3A_1591, %ne3A_1586 : i1
      %add3A_1593 = arith.addi %rem3A_1584, %select_n3A_1583 : i32
      %select_n3A_1594 = arith.select %and3A_1592, %add3A_1593, %rem3A_1584 : i32
      %mul3A_1595 = arith.constant 8 : i32
      %mul3A_1596 = arith.muli %mul3A_1595, %select_n3A_1594 : i32
      %mul3A_1597 = arith.constant 2048 : i32
      %mul3A_1598 = arith.muli %mul3A_1597, %select_n3A_1554 : i32
      %dma_wait3A = arith.constant 0 : i32
      %dma_wait3A_1599 = arith.constant 0 : i32
      %dma_wait3A_1600 = tpu.memref_slice %arg4[%rem3A_1513, %dma_wait3A, %dma_wait3A_1599] : memref<4x8x2048xf32, #tpu.memory_space<vmem>> -> memref<1x8x2048xf32, #tpu.memory_space<vmem>>
      %dma_wait3A_1601 = tpu.memref_squeeze %dma_wait3A_1600 : memref<1x8x2048xf32, #tpu.memory_space<vmem>> -> memref<8x2048xf32, #tpu.memory_space<vmem>>
      %dma_wait3A_1602 = tpu.memref_slice %arg2[%select_n3A_1578, %mul3A_1596, %mul3A_1598] : memref<3x543x16384xf32, #tpu.memory_space<hbm>> -> memref<1x8x2048xf32, #tpu.memory_space<hbm>>
      %dma_wait3A_1603 = tpu.memref_squeeze %dma_wait3A_1602 : memref<1x8x2048xf32, #tpu.memory_space<hbm>> -> memref<8x2048xf32, #tpu.memory_space<hbm>>
      %dma_wait3A_1604 = tpu.memref_slice %arg7[%rem3A_1513] : memref<4x!tpu.dma_semaphore, #tpu.memory_space<semaphore_mem>> -> memref<1x!tpu.dma_semaphore, #tpu.memory_space<semaphore_mem>>
      %dma_wait3A_1605 = tpu.memref_squeeze %dma_wait3A_1604 : memref<1x!tpu.dma_semaphore, #tpu.memory_space<semaphore_mem>> -> memref<!tpu.dma_semaphore, #tpu.memory_space<semaphore_mem>>
      %dma_wait3A_1606 = arith.constant 0 : i32
      %dma_wait3A_1607 = arith.constant 0 : i32
      %dma_wait3A_1608 = tpu.memref_slice %arg4[%rem3A_1513, %dma_wait3A_1606, %dma_wait3A_1607] : memref<4x8x2048xf32, #tpu.memory_space<vmem>> -> memref<1x8x2048xf32, #tpu.memory_space<vmem>>
      %dma_wait3A_1609 = tpu.memref_squeeze %dma_wait3A_1608 : memref<1x8x2048xf32, #tpu.memory_space<vmem>> -> memref<8x2048xf32, #tpu.memory_space<vmem>>
      %dma_wait3A_1610 = tpu.memref_slice %arg2[%select_n3A_1578, %mul3A_1596, %mul3A_1598] : memref<3x543x16384xf32, #tpu.memory_space<hbm>> -> memref<1x8x2048xf32, #tpu.memory_space<hbm>>
      %dma_wait3A_1611 = tpu.memref_squeeze %dma_wait3A_1610 : memref<1x8x2048xf32, #tpu.memory_space<hbm>> -> memref<8x2048xf32, #tpu.memory_space<hbm>>
      tpu.wait_dma2 semaphore(%dma_wait3A_1605 : memref<!tpu.dma_semaphore, #tpu.memory_space<semaphore_mem>>) src(%dma_wait3A_1611 : memref<8x2048xf32, #tpu.memory_space<hbm>>) dst(%dma_wait3A_1609 : memref<8x2048xf32, #tpu.memory_space<vmem>>)
      %scan3A = arith.constant 0 : i32
      %scan3A_1612 = arith.constant 64 : i32
      %scan3A_1613 = arith.addi %scan3A, %scan3A_1612 : i32
      %scan3A_1614 = arith.constant 1 : i32
      %scan3A_1615:16 = scf.for %scan3A_1870 = %scan3A to %scan3A_1613 step %scan3A_1614 iter_args(%scan3A_1871 = %broadcast_in_dim3A_72, %scan3A_1872 = %broadcast_in_dim3A_72, %scan3A_1873 = %broadcast_in_dim3A_72, %scan3A_1874 = %broadcast_in_dim3A_72, %scan3A_1875 = %broadcast_in_dim3A_72, %scan3A_1876 = %broadcast_in_dim3A_72, %scan3A_1877 = %broadcast_in_dim3A_72, %scan3A_1878 = %broadcast_in_dim3A_72, %scan3A_1879 = %broadcast_in_dim3A_72, %scan3A_1880 = %broadcast_in_dim3A_72, %scan3A_1881 = %broadcast_in_dim3A_72, %scan3A_1882 = %broadcast_in_dim3A_72, %scan3A_1883 = %broadcast_in_dim3A_72, %scan3A_1884 = %broadcast_in_dim3A_72, %scan3A_1885 = %broadcast_in_dim3A_72, %scan3A_1886 = %broadcast_in_dim3A_72) -> (vector<16xf32>, vector<16xf32>, vector<16xf32>, vector<16xf32>, vector<16xf32>, vector<16xf32>, vector<16xf32>, vector<16xf32>, vector<16xf32>, vector<16xf32>, vector<16xf32>, vector<16xf32>, vector<16xf32>, vector<16xf32>, vector<16xf32>, vector<16xf32>)  : i32 {
        %mul3A_1887 = arith.constant 2 : i32
        %mul3A_1888 = arith.muli %mul3A_1887, %scan3A_1870 : i32
        %add3A_1889 = arith.constant 0 : i32
        %add3A_1890 = arith.addi %mul3A_1888, %add3A_1889 : i32
        %mul3A_1891 = arith.constant 16 : i32
        %mul3A_1892 = arith.muli %add3A_1890, %mul3A_1891 : i32
        %get3A_1893 = arith.constant 0 : i32
        %get3A_1894 = arith.index_cast %rem3A_1513 : i32 to index
        %get3A_1895 = arith.index_cast %get3A_1893 : i32 to index
        %get3A_1896 = arith.index_cast %mul3A_1892 : i32 to index
        %get3A_1897 = tpu.vector_load %arg4[%get3A_1894, %get3A_1895, %get3A_1896] {strides = array<i32>} : memref<4x8x2048xf32, #tpu.memory_space<vmem>>, vector<1x1x16xf32>,
        %get3A_1898 = vector.shape_cast %get3A_1897 : vector<1x1x16xf32> to vector<16xf32>
        %add3A_1899 = arith.addf %scan3A_1871, %get3A_1898 : vector<16xf32>
        %mul3A_1900 = arith.mulf %get3A_1898, %get3A_1898 : vector<16xf32>
        %add3A_1901 = arith.addf %scan3A_1879, %mul3A_1900 : vector<16xf32>
        %mul3A_1902 = arith.constant 2 : i32
        %mul3A_1903 = arith.muli %mul3A_1902, %scan3A_1870 : i32
        %add3A_1904 = arith.constant 0 : i32
        %add3A_1905 = arith.addi %mul3A_1903, %add3A_1904 : i32
        %mul3A_1906 = arith.constant 16 : i32
        %mul3A_1907 = arith.muli %add3A_1905, %mul3A_1906 : i32
        %get3A_1908 = arith.constant 1 : i32
        %get3A_1909 = arith.index_cast %rem3A_1513 : i32 to index
        %get3A_1910 = arith.index_cast %get3A_1908 : i32 to index
        %get3A_1911 = arith.index_cast %mul3A_1907 : i32 to index
        %get3A_1912 = tpu.vector_load %arg4[%get3A_1909, %get3A_1910, %get3A_1911] {strides = array<i32>} : memref<4x8x2048xf32, #tpu.memory_space<vmem>>, vector<1x1x16xf32>,
        %get3A_1913 = vector.shape_cast %get3A_1912 : vector<1x1x16xf32> to vector<16xf32>
        %add3A_1914 = arith.addf %scan3A_1872, %get3A_1913 : vector<16xf32>
        %mul3A_1915 = arith.mulf %get3A_1913, %get3A_1913 : vector<16xf32>
        %add3A_1916 = arith.addf %scan3A_1880, %mul3A_1915 : vector<16xf32>
        %mul3A_1917 = arith.constant 2 : i32
        %mul3A_1918 = arith.muli %mul3A_1917, %scan3A_1870 : i32
        %add3A_1919 = arith.constant 0 : i32
        %add3A_1920 = arith.addi %mul3A_1918, %add3A_1919 : i32
        %mul3A_1921 = arith.constant 16 : i32
        %mul3A_1922 = arith.muli %add3A_1920, %mul3A_1921 : i32
        %get3A_1923 = arith.constant 2 : i32
        %get3A_1924 = arith.index_cast %rem3A_1513 : i32 to index
        %get3A_1925 = arith.index_cast %get3A_1923 : i32 to index
        %get3A_1926 = arith.index_cast %mul3A_1922 : i32 to index
        %get3A_1927 = tpu.vector_load %arg4[%get3A_1924, %get3A_1925, %get3A_1926] {strides = array<i32>} : memref<4x8x2048xf32, #tpu.memory_space<vmem>>, vector<1x1x16xf32>,
        %get3A_1928 = vector.shape_cast %get3A_1927 : vector<1x1x16xf32> to vector<16xf32>
        %add3A_1929 = arith.addf %scan3A_1873, %get3A_1928 : vector<16xf32>
        %mul3A_1930 = arith.mulf %get3A_1928, %get3A_1928 : vector<16xf32>
        %add3A_1931 = arith.addf %scan3A_1881, %mul3A_1930 : vector<16xf32>
        %mul3A_1932 = arith.constant 2 : i32
        %mul3A_1933 = arith.muli %mul3A_1932, %scan3A_1870 : i32
        %add3A_1934 = arith.constant 0 : i32
        %add3A_1935 = arith.addi %mul3A_1933, %add3A_1934 : i32
        %mul3A_1936 = arith.constant 16 : i32
        %mul3A_1937 = arith.muli %add3A_1935, %mul3A_1936 : i32
        %get3A_1938 = arith.constant 3 : i32
        %get3A_1939 = arith.index_cast %rem3A_1513 : i32 to index
        %get3A_1940 = arith.index_cast %get3A_1938 : i32 to index
        %get3A_1941 = arith.index_cast %mul3A_1937 : i32 to index
        %get3A_1942 = tpu.vector_load %arg4[%get3A_1939, %get3A_1940, %get3A_1941] {strides = array<i32>} : memref<4x8x2048xf32, #tpu.memory_space<vmem>>, vector<1x1x16xf32>,
        %get3A_1943 = vector.shape_cast %get3A_1942 : vector<1x1x16xf32> to vector<16xf32>
        %add3A_1944 = arith.addf %scan3A_1874, %get3A_1943 : vector<16xf32>
        %mul3A_1945 = arith.mulf %get3A_1943, %get3A_1943 : vector<16xf32>
        %add3A_1946 = arith.addf %scan3A_1882, %mul3A_1945 : vector<16xf32>
        %mul3A_1947 = arith.constant 2 : i32
        %mul3A_1948 = arith.muli %mul3A_1947, %scan3A_1870 : i32
        %add3A_1949 = arith.constant 0 : i32
        %add3A_1950 = arith.addi %mul3A_1948, %add3A_1949 : i32
        %mul3A_1951 = arith.constant 16 : i32
        %mul3A_1952 = arith.muli %add3A_1950, %mul3A_1951 : i32
        %get3A_1953 = arith.constant 4 : i32
        %get3A_1954 = arith.index_cast %rem3A_1513 : i32 to index
        %get3A_1955 = arith.index_cast %get3A_1953 : i32 to index
        %get3A_1956 = arith.index_cast %mul3A_1952 : i32 to index
        %get3A_1957 = tpu.vector_load %arg4[%get3A_1954, %get3A_1955, %get3A_1956] {strides = array<i32>} : memref<4x8x2048xf32, #tpu.memory_space<vmem>>, vector<1x1x16xf32>,
        %get3A_1958 = vector.shape_cast %get3A_1957 : vector<1x1x16xf32> to vector<16xf32>
        %add3A_1959 = arith.addf %scan3A_1875, %get3A_1958 : vector<16xf32>
        %mul3A_1960 = arith.mulf %get3A_1958, %get3A_1958 : vector<16xf32>
        %add3A_1961 = arith.addf %scan3A_1883, %mul3A_1960 : vector<16xf32>
        %mul3A_1962 = arith.constant 2 : i32
        %mul3A_1963 = arith.muli %mul3A_1962, %scan3A_1870 : i32
        %add3A_1964 = arith.constant 0 : i32
        %add3A_1965 = arith.addi %mul3A_1963, %add3A_1964 : i32
        %mul3A_1966 = arith.constant 16 : i32
        %mul3A_1967 = arith.muli %add3A_1965, %mul3A_1966 : i32
        %get3A_1968 = arith.constant 5 : i32
        %get3A_1969 = arith.index_cast %rem3A_1513 : i32 to index
        %get3A_1970 = arith.index_cast %get3A_1968 : i32 to index
        %get3A_1971 = arith.index_cast %mul3A_1967 : i32 to index
        %get3A_1972 = tpu.vector_load %arg4[%get3A_1969, %get3A_1970, %get3A_1971] {strides = array<i32>} : memref<4x8x2048xf32, #tpu.memory_space<vmem>>, vector<1x1x16xf32>,
        %get3A_1973 = vector.shape_cast %get3A_1972 : vector<1x1x16xf32> to vector<16xf32>
        %add3A_1974 = arith.addf %scan3A_1876, %get3A_1973 : vector<16xf32>
        %mul3A_1975 = arith.mulf %get3A_1973, %get3A_1973 : vector<16xf32>
        %add3A_1976 = arith.addf %scan3A_1884, %mul3A_1975 : vector<16xf32>
        %mul3A_1977 = arith.constant 2 : i32
        %mul3A_1978 = arith.muli %mul3A_1977, %scan3A_1870 : i32
        %add3A_1979 = arith.constant 0 : i32
        %add3A_1980 = arith.addi %mul3A_1978, %add3A_1979 : i32
        %mul3A_1981 = arith.constant 16 : i32
        %mul3A_1982 = arith.muli %add3A_1980, %mul3A_1981 : i32
        %get3A_1983 = arith.constant 6 : i32
        %get3A_1984 = arith.index_cast %rem3A_1513 : i32 to index
        %get3A_1985 = arith.index_cast %get3A_1983 : i32 to index
        %get3A_1986 = arith.index_cast %mul3A_1982 : i32 to index
        %get3A_1987 = tpu.vector_load %arg4[%get3A_1984, %get3A_1985, %get3A_1986] {strides = array<i32>} : memref<4x8x2048xf32, #tpu.memory_space<vmem>>, vector<1x1x16xf32>,
        %get3A_1988 = vector.shape_cast %get3A_1987 : vector<1x1x16xf32> to vector<16xf32>
        %add3A_1989 = arith.addf %scan3A_1877, %get3A_1988 : vector<16xf32>
        %mul3A_1990 = arith.mulf %get3A_1988, %get3A_1988 : vector<16xf32>
        %add3A_1991 = arith.addf %scan3A_1885, %mul3A_1990 : vector<16xf32>
        %mul3A_1992 = arith.constant 2 : i32
        %mul3A_1993 = arith.muli %mul3A_1992, %scan3A_1870 : i32
        %add3A_1994 = arith.constant 0 : i32
        %add3A_1995 = arith.addi %mul3A_1993, %add3A_1994 : i32
        %mul3A_1996 = arith.constant 16 : i32
        %mul3A_1997 = arith.muli %add3A_1995, %mul3A_1996 : i32
        %get3A_1998 = arith.constant 7 : i32
        %get3A_1999 = arith.index_cast %rem3A_1513 : i32 to index
        %get3A_2000 = arith.index_cast %get3A_1998 : i32 to index
        %get3A_2001 = arith.index_cast %mul3A_1997 : i32 to index
        %get3A_2002 = tpu.vector_load %arg4[%get3A_1999, %get3A_2000, %get3A_2001] {strides = array<i32>} : memref<4x8x2048xf32, #tpu.memory_space<vmem>>, vector<1x1x16xf32>,
        %get3A_2003 = vector.shape_cast %get3A_2002 : vector<1x1x16xf32> to vector<16xf32>
        %add3A_2004 = arith.addf %scan3A_1878, %get3A_2003 : vector<16xf32>
        %mul3A_2005 = arith.mulf %get3A_2003, %get3A_2003 : vector<16xf32>
        %add3A_2006 = arith.addf %scan3A_1886, %mul3A_2005 : vector<16xf32>
        %mul3A_2007 = arith.constant 2 : i32
        %mul3A_2008 = arith.muli %mul3A_2007, %scan3A_1870 : i32
        %add3A_2009 = arith.constant 1 : i32
        %add3A_2010 = arith.addi %mul3A_2008, %add3A_2009 : i32
        %mul3A_2011 = arith.constant 16 : i32
        %mul3A_2012 = arith.muli %add3A_2010, %mul3A_2011 : i32
        %get3A_2013 = arith.constant 0 : i32
        %get3A_2014 = arith.index_cast %rem3A_1513 : i32 to index
        %get3A_2015 = arith.index_cast %get3A_2013 : i32 to index
        %get3A_2016 = arith.index_cast %mul3A_2012 : i32 to index
        %get3A_2017 = tpu.vector_load %arg4[%get3A_2014, %get3A_2015, %get3A_2016] {strides = array<i32>} : memref<4x8x2048xf32, #tpu.memory_space<vmem>>, vector<1x1x16xf32>,
        %get3A_2018 = vector.shape_cast %get3A_2017 : vector<1x1x16xf32> to vector<16xf32>
        %add3A_2019 = arith.addf %add3A_1899, %get3A_2018 : vector<16xf32>
        %mul3A_2020 = arith.mulf %get3A_2018, %get3A_2018 : vector<16xf32>
        %add3A_2021 = arith.addf %add3A_1901, %mul3A_2020 : vector<16xf32>
        %mul3A_2022 = arith.constant 2 : i32
        %mul3A_2023 = arith.muli %mul3A_2022, %scan3A_1870 : i32
        %add3A_2024 = arith.constant 1 : i32
        %add3A_2025 = arith.addi %mul3A_2023, %add3A_2024 : i32
        %mul3A_2026 = arith.constant 16 : i32
        %mul3A_2027 = arith.muli %add3A_2025, %mul3A_2026 : i32
        %get3A_2028 = arith.constant 1 : i32
        %get3A_2029 = arith.index_cast %rem3A_1513 : i32 to index
        %get3A_2030 = arith.index_cast %get3A_2028 : i32 to index
        %get3A_2031 = arith.index_cast %mul3A_2027 : i32 to index
        %get3A_2032 = tpu.vector_load %arg4[%get3A_2029, %get3A_2030, %get3A_2031] {strides = array<i32>} : memref<4x8x2048xf32, #tpu.memory_space<vmem>>, vector<1x1x16xf32>,
        %get3A_2033 = vector.shape_cast %get3A_2032 : vector<1x1x16xf32> to vector<16xf32>
        %add3A_2034 = arith.addf %add3A_1914, %get3A_2033 : vector<16xf32>
        %mul3A_2035 = arith.mulf %get3A_2033, %get3A_2033 : vector<16xf32>
        %add3A_2036 = arith.addf %add3A_1916, %mul3A_2035 : vector<16xf32>
        %mul3A_2037 = arith.constant 2 : i32
        %mul3A_2038 = arith.muli %mul3A_2037, %scan3A_1870 : i32
        %add3A_2039 = arith.constant 1 : i32
        %add3A_2040 = arith.addi %mul3A_2038, %add3A_2039 : i32
        %mul3A_2041 = arith.constant 16 : i32
        %mul3A_2042 = arith.muli %add3A_2040, %mul3A_2041 : i32
        %get3A_2043 = arith.constant 2 : i32
        %get3A_2044 = arith.index_cast %rem3A_1513 : i32 to index
        %get3A_2045 = arith.index_cast %get3A_2043 : i32 to index
        %get3A_2046 = arith.index_cast %mul3A_2042 : i32 to index
        %get3A_2047 = tpu.vector_load %arg4[%get3A_2044, %get3A_2045, %get3A_2046] {strides = array<i32>} : memref<4x8x2048xf32, #tpu.memory_space<vmem>>, vector<1x1x16xf32>,
        %get3A_2048 = vector.shape_cast %get3A_2047 : vector<1x1x16xf32> to vector<16xf32>
        %add3A_2049 = arith.addf %add3A_1929, %get3A_2048 : vector<16xf32>
        %mul3A_2050 = arith.mulf %get3A_2048, %get3A_2048 : vector<16xf32>
        %add3A_2051 = arith.addf %add3A_1931, %mul3A_2050 : vector<16xf32>
        %mul3A_2052 = arith.constant 2 : i32
        %mul3A_2053 = arith.muli %mul3A_2052, %scan3A_1870 : i32
        %add3A_2054 = arith.constant 1 : i32
        %add3A_2055 = arith.addi %mul3A_2053, %add3A_2054 : i32
        %mul3A_2056 = arith.constant 16 : i32
        %mul3A_2057 = arith.muli %add3A_2055, %mul3A_2056 : i32
        %get3A_2058 = arith.constant 3 : i32
        %get3A_2059 = arith.index_cast %rem3A_1513 : i32 to index
        %get3A_2060 = arith.index_cast %get3A_2058 : i32 to index
        %get3A_2061 = arith.index_cast %mul3A_2057 : i32 to index
        %get3A_2062 = tpu.vector_load %arg4[%get3A_2059, %get3A_2060, %get3A_2061] {strides = array<i32>} : memref<4x8x2048xf32, #tpu.memory_space<vmem>>, vector<1x1x16xf32>,
        %get3A_2063 = vector.shape_cast %get3A_2062 : vector<1x1x16xf32> to vector<16xf32>
        %add3A_2064 = arith.addf %add3A_1944, %get3A_2063 : vector<16xf32>
        %mul3A_2065 = arith.mulf %get3A_2063, %get3A_2063 : vector<16xf32>
        %add3A_2066 = arith.addf %add3A_1946, %mul3A_2065 : vector<16xf32>
        %mul3A_2067 = arith.constant 2 : i32
        %mul3A_2068 = arith.muli %mul3A_2067, %scan3A_1870 : i32
        %add3A_2069 = arith.constant 1 : i32
        %add3A_2070 = arith.addi %mul3A_2068, %add3A_2069 : i32
        %mul3A_2071 = arith.constant 16 : i32
        %mul3A_2072 = arith.muli %add3A_2070, %mul3A_2071 : i32
        %get3A_2073 = arith.constant 4 : i32
        %get3A_2074 = arith.index_cast %rem3A_1513 : i32 to index
        %get3A_2075 = arith.index_cast %get3A_2073 : i32 to index
        %get3A_2076 = arith.index_cast %mul3A_2072 : i32 to index
        %get3A_2077 = tpu.vector_load %arg4[%get3A_2074, %get3A_2075, %get3A_2076] {strides = array<i32>} : memref<4x8x2048xf32, #tpu.memory_space<vmem>>, vector<1x1x16xf32>,
        %get3A_2078 = vector.shape_cast %get3A_2077 : vector<1x1x16xf32> to vector<16xf32>
        %add3A_2079 = arith.addf %add3A_1959, %get3A_2078 : vector<16xf32>
        %mul3A_2080 = arith.mulf %get3A_2078, %get3A_2078 : vector<16xf32>
        %add3A_2081 = arith.addf %add3A_1961, %mul3A_2080 : vector<16xf32>
        %mul3A_2082 = arith.constant 2 : i32
        %mul3A_2083 = arith.muli %mul3A_2082, %scan3A_1870 : i32
        %add3A_2084 = arith.constant 1 : i32
        %add3A_2085 = arith.addi %mul3A_2083, %add3A_2084 : i32
        %mul3A_2086 = arith.constant 16 : i32
        %mul3A_2087 = arith.muli %add3A_2085, %mul3A_2086 : i32
        %get3A_2088 = arith.constant 5 : i32
        %get3A_2089 = arith.index_cast %rem3A_1513 : i32 to index
        %get3A_2090 = arith.index_cast %get3A_2088 : i32 to index
        %get3A_2091 = arith.index_cast %mul3A_2087 : i32 to index
        %get3A_2092 = tpu.vector_load %arg4[%get3A_2089, %get3A_2090, %get3A_2091] {strides = array<i32>} : memref<4x8x2048xf32, #tpu.memory_space<vmem>>, vector<1x1x16xf32>,
        %get3A_2093 = vector.shape_cast %get3A_2092 : vector<1x1x16xf32> to vector<16xf32>
        %add3A_2094 = arith.addf %add3A_1974, %get3A_2093 : vector<16xf32>
        %mul3A_2095 = arith.mulf %get3A_2093, %get3A_2093 : vector<16xf32>
        %add3A_2096 = arith.addf %add3A_1976, %mul3A_2095 : vector<16xf32>
        %mul3A_2097 = arith.constant 2 : i32
        %mul3A_2098 = arith.muli %mul3A_2097, %scan3A_1870 : i32
        %add3A_2099 = arith.constant 1 : i32
        %add3A_2100 = arith.addi %mul3A_2098, %add3A_2099 : i32
        %mul3A_2101 = arith.constant 16 : i32
        %mul3A_2102 = arith.muli %add3A_2100, %mul3A_2101 : i32
        %get3A_2103 = arith.constant 6 : i32
        %get3A_2104 = arith.index_cast %rem3A_1513 : i32 to index
        %get3A_2105 = arith.index_cast %get3A_2103 : i32 to index
        %get3A_2106 = arith.index_cast %mul3A_2102 : i32 to index
        %get3A_2107 = tpu.vector_load %arg4[%get3A_2104, %get3A_2105, %get3A_2106] {strides = array<i32>} : memref<4x8x2048xf32, #tpu.memory_space<vmem>>, vector<1x1x16xf32>,
        %get3A_2108 = vector.shape_cast %get3A_2107 : vector<1x1x16xf32> to vector<16xf32>
        %add3A_2109 = arith.addf %add3A_1989, %get3A_2108 : vector<16xf32>
        %mul3A_2110 = arith.mulf %get3A_2108, %get3A_2108 : vector<16xf32>
        %add3A_2111 = arith.addf %add3A_1991, %mul3A_2110 : vector<16xf32>
        %mul3A_2112 = arith.constant 2 : i32
        %mul3A_2113 = arith.muli %mul3A_2112, %scan3A_1870 : i32
        %add3A_2114 = arith.constant 1 : i32
        %add3A_2115 = arith.addi %mul3A_2113, %add3A_2114 : i32
        %mul3A_2116 = arith.constant 16 : i32
        %mul3A_2117 = arith.muli %add3A_2115, %mul3A_2116 : i32
        %get3A_2118 = arith.constant 7 : i32
        %get3A_2119 = arith.index_cast %rem3A_1513 : i32 to index
        %get3A_2120 = arith.index_cast %get3A_2118 : i32 to index
        %get3A_2121 = arith.index_cast %mul3A_2117 : i32 to index
        %get3A_2122 = tpu.vector_load %arg4[%get3A_2119, %get3A_2120, %get3A_2121] {strides = array<i32>} : memref<4x8x2048xf32, #tpu.memory_space<vmem>>, vector<1x1x16xf32>,
        %get3A_2123 = vector.shape_cast %get3A_2122 : vector<1x1x16xf32> to vector<16xf32>
        %add3A_2124 = arith.addf %add3A_2004, %get3A_2123 : vector<16xf32>
        %mul3A_2125 = arith.mulf %get3A_2123, %get3A_2123 : vector<16xf32>
        %add3A_2126 = arith.addf %add3A_2006, %mul3A_2125 : vector<16xf32>
        scf.yield %add3A_2019, %add3A_2034, %add3A_2049, %add3A_2064, %add3A_2079, %add3A_2094, %add3A_2109, %add3A_2124, %add3A_2021, %add3A_2036, %add3A_2051, %add3A_2066, %add3A_2081, %add3A_2096, %add3A_2111, %add3A_2126 : vector<16xf32>, vector<16xf32>, vector<16xf32>, vector<16xf32>, vector<16xf32>, vector<16xf32>, vector<16xf32>, vector<16xf32>, vector<16xf32>, vector<16xf32>, vector<16xf32>, vector<16xf32>, vector<16xf32>, vector<16xf32>, vector<16xf32>, vector<16xf32>
      }
      %scan3A_1616 = arith.constant 64 : i32
      %add3A_1617 = arith.addi %select_n3A, %while3A_1511 : i32
      %jit3A_1618 = arith.constant 6 : i32
      %div3A_1619 = arith.divsi %add3A_1617, %jit3A_1618 : i32
      %sign3A_1620 = arith.constant 0 : i32
      %sign3A_1621 = arith.cmpi sgt, %add3A_1617, %sign3A_1620 : i32
      %sign3A_1622 = arith.extui %sign3A_1621 : i1 to i32
      %sign3A_1623 = arith.constant 0 : i32
      %sign3A_1624 = arith.cmpi slt, %add3A_1617, %sign3A_1623 : i32
      %sign3A_1625 = arith.extui %sign3A_1624 : i1 to i32
      %sign3A_1626 = arith.subi %sign3A_1622, %sign3A_1625 : i32
      %sign3A_1627 = arith.constant 0 : i32
      %sign3A_1628 = arith.cmpi sgt, %jit3A_1618, %sign3A_1627 : i32
      %sign3A_1629 = arith.extui %sign3A_1628 : i1 to i32
      %sign3A_1630 = arith.constant 0 : i32
      %sign3A_1631 = arith.cmpi slt, %jit3A_1618, %sign3A_1630 : i32
      %sign3A_1632 = arith.extui %sign3A_1631 : i1 to i32
      %sign3A_1633 = arith.subi %sign3A_1629, %sign3A_1632 : i32
      %ne3A_1634 = arith.cmpi ne, %sign3A_1626, %sign3A_1633 : i32
      %rem3A_1635 = arith.remsi %add3A_1617, %jit3A_1618 : i32
      %ne3A_1636 = arith.constant 0 : i32
      %ne3A_1637 = arith.cmpi ne, %rem3A_1635, %ne3A_1636 : i32
      %and3A_1638 = arith.andi %ne3A_1634, %ne3A_1637 : i1
      %sub3A_1639 = arith.constant 1 : i32
      %sub3A_1640 = arith.subi %div3A_1619, %sub3A_1639 : i32
      %select_n3A_1641 = arith.select %and3A_1638, %sub3A_1640, %div3A_1619 : i32
      %sub3A_1642 = arith.subi %select_n3A_1641, %select_n3A_71 : i32
      %get3A = arith.constant 0 : i32
      %get3A_1643 = arith.index_cast %sub3A_1642 : i32 to index
      %get3A_1644 = arith.index_cast %get3A : i32 to index
      %get3A_1645 = arith.constant 0 : index
      %get3A_1646 = tpu.vector_load %arg5[%get3A_1643, %get3A_1644, %get3A_1645] {strides = array<i32>} : memref<8x8x16xf32, #tpu.memory_space<vmem>>, vector<1x1x16xf32>,
      %get3A_1647 = vector.shape_cast %get3A_1646 : vector<1x1x16xf32> to vector<16xf32>
      %add3A_1648 = arith.addf %get3A_1647, %scan3A_1615#0 : vector<16xf32>
      %swap3A_1649 = arith.constant 0 : i32
      %swap3A_1650 = arith.index_cast %sub3A_1642 : i32 to index
      %swap3A_1651 = arith.index_cast %swap3A_1649 : i32 to index
      %swap3A_1652 = arith.constant 0 : index
      %swap3A_1653 = tpu.vector_load %arg5[%swap3A_1650, %swap3A_1651, %swap3A_1652] {strides = array<i32>} : memref<8x8x16xf32, #tpu.memory_space<vmem>>, vector<1x1x16xf32>,
      %swap3A_1654 = vector.shape_cast %swap3A_1653 : vector<1x1x16xf32> to vector<16xf32>
      %swap3A_1655 = vector.shape_cast %add3A_1648 : vector<16xf32> to vector<1x1x16xf32>
      tpu.vector_store %arg5[%swap3A_1650, %swap3A_1651, %swap3A_1652], %swap3A_1655 {strides = array<i32>} : memref<8x8x16xf32, #tpu.memory_space<vmem>>, vector<1x1x16xf32>,
      %get3A_1656 = arith.constant 0 : i32
      %get3A_1657 = arith.index_cast %sub3A_1642 : i32 to index
      %get3A_1658 = arith.index_cast %get3A_1656 : i32 to index
      %get3A_1659 = arith.constant 0 : index
      %get3A_1660 = tpu.vector_load %arg6[%get3A_1657, %get3A_1658, %get3A_1659] {strides = array<i32>} : memref<8x8x16xf32, #tpu.memory_space<vmem>>, vector<1x1x16xf32>,
      %get3A_1661 = vector.shape_cast %get3A_1660 : vector<1x1x16xf32> to vector<16xf32>
      %add3A_1662 = arith.addf %get3A_1661, %scan3A_1615#8 : vector<16xf32>
      %swap3A_1663 = arith.constant 0 : i32
      %swap3A_1664 = arith.index_cast %sub3A_1642 : i32 to index
      %swap3A_1665 = arith.index_cast %swap3A_1663 : i32 to index
      %swap3A_1666 = arith.constant 0 : index
      %swap3A_1667 = tpu.vector_load %arg6[%swap3A_1664, %swap3A_1665, %swap3A_1666] {strides = array<i32>} : memref<8x8x16xf32, #tpu.memory_space<vmem>>, vector<1x1x16xf32>,
      %swap3A_1668 = vector.shape_cast %swap3A_1667 : vector<1x1x16xf32> to vector<16xf32>
      %swap3A_1669 = vector.shape_cast %add3A_1662 : vector<16xf32> to vector<1x1x16xf32>
      tpu.vector_store %arg6[%swap3A_1664, %swap3A_1665, %swap3A_1666], %swap3A_1669 {strides = array<i32>} : memref<8x8x16xf32, #tpu.memory_space<vmem>>, vector<1x1x16xf32>,
      %get3A_1670 = arith.constant 1 : i32
      %get3A_1671 = arith.index_cast %sub3A_1642 : i32 to index
      %get3A_1672 = arith.index_cast %get3A_1670 : i32 to index
      %get3A_1673 = arith.constant 0 : index
      %get3A_1674 = tpu.vector_load %arg5[%get3A_1671, %get3A_1672, %get3A_1673] {strides = array<i32>} : memref<8x8x16xf32, #tpu.memory_space<vmem>>, vector<1x1x16xf32>,
      %get3A_1675 = vector.shape_cast %get3A_1674 : vector<1x1x16xf32> to vector<16xf32>
      %add3A_1676 = arith.addf %get3A_1675, %scan3A_1615#1 : vector<16xf32>
      %swap3A_1677 = arith.constant 1 : i32
      %swap3A_1678 = arith.index_cast %sub3A_1642 : i32 to index
      %swap3A_1679 = arith.index_cast %swap3A_1677 : i32 to index
      %swap3A_1680 = arith.constant 0 : index
      %swap3A_1681 = tpu.vector_load %arg5[%swap3A_1678, %swap3A_1679, %swap3A_1680] {strides = array<i32>} : memref<8x8x16xf32, #tpu.memory_space<vmem>>, vector<1x1x16xf32>,
      %swap3A_1682 = vector.shape_cast %swap3A_1681 : vector<1x1x16xf32> to vector<16xf32>
      %swap3A_1683 = vector.shape_cast %add3A_1676 : vector<16xf32> to vector<1x1x16xf32>
      tpu.vector_store %arg5[%swap3A_1678, %swap3A_1679, %swap3A_1680], %swap3A_1683 {strides = array<i32>} : memref<8x8x16xf32, #tpu.memory_space<vmem>>, vector<1x1x16xf32>,
      %get3A_1684 = arith.constant 1 : i32
      %get3A_1685 = arith.index_cast %sub3A_1642 : i32 to index
      %get3A_1686 = arith.index_cast %get3A_1684 : i32 to index
      %get3A_1687 = arith.constant 0 : index
      %get3A_1688 = tpu.vector_load %arg6[%get3A_1685, %get3A_1686, %get3A_1687] {strides = array<i32>} : memref<8x8x16xf32, #tpu.memory_space<vmem>>, vector<1x1x16xf32>,
      %get3A_1689 = vector.shape_cast %get3A_1688 : vector<1x1x16xf32> to vector<16xf32>
      %add3A_1690 = arith.addf %get3A_1689, %scan3A_1615#9 : vector<16xf32>
      %swap3A_1691 = arith.constant 1 : i32
      %swap3A_1692 = arith.index_cast %sub3A_1642 : i32 to index
      %swap3A_1693 = arith.index_cast %swap3A_1691 : i32 to index
      %swap3A_1694 = arith.constant 0 : index
      %swap3A_1695 = tpu.vector_load %arg6[%swap3A_1692, %swap3A_1693, %swap3A_1694] {strides = array<i32>} : memref<8x8x16xf32, #tpu.memory_space<vmem>>, vector<1x1x16xf32>,
      %swap3A_1696 = vector.shape_cast %swap3A_1695 : vector<1x1x16xf32> to vector<16xf32>
      %swap3A_1697 = vector.shape_cast %add3A_1690 : vector<16xf32> to vector<1x1x16xf32>
      tpu.vector_store %arg6[%swap3A_1692, %swap3A_1693, %swap3A_1694], %swap3A_1697 {strides = array<i32>} : memref<8x8x16xf32, #tpu.memory_space<vmem>>, vector<1x1x16xf32>,
      %get3A_1698 = arith.constant 2 : i32
      %get3A_1699 = arith.index_cast %sub3A_1642 : i32 to index
      %get3A_1700 = arith.index_cast %get3A_1698 : i32 to index
      %get3A_1701 = arith.constant 0 : index
      %get3A_1702 = tpu.vector_load %arg5[%get3A_1699, %get3A_1700, %get3A_1701] {strides = array<i32>} : memref<8x8x16xf32, #tpu.memory_space<vmem>>, vector<1x1x16xf32>,
      %get3A_1703 = vector.shape_cast %get3A_1702 : vector<1x1x16xf32> to vector<16xf32>
      %add3A_1704 = arith.addf %get3A_1703, %scan3A_1615#2 : vector<16xf32>
      %swap3A_1705 = arith.constant 2 : i32
      %swap3A_1706 = arith.index_cast %sub3A_1642 : i32 to index
      %swap3A_1707 = arith.index_cast %swap3A_1705 : i32 to index
      %swap3A_1708 = arith.constant 0 : index
      %swap3A_1709 = tpu.vector_load %arg5[%swap3A_1706, %swap3A_1707, %swap3A_1708] {strides = array<i32>} : memref<8x8x16xf32, #tpu.memory_space<vmem>>, vector<1x1x16xf32>,
      %swap3A_1710 = vector.shape_cast %swap3A_1709 : vector<1x1x16xf32> to vector<16xf32>
      %swap3A_1711 = vector.shape_cast %add3A_1704 : vector<16xf32> to vector<1x1x16xf32>
      tpu.vector_store %arg5[%swap3A_1706, %swap3A_1707, %swap3A_1708], %swap3A_1711 {strides = array<i32>} : memref<8x8x16xf32, #tpu.memory_space<vmem>>, vector<1x1x16xf32>,
      %get3A_1712 = arith.constant 2 : i32
      %get3A_1713 = arith.index_cast %sub3A_1642 : i32 to index
      %get3A_1714 = arith.index_cast %get3A_1712 : i32 to index
      %get3A_1715 = arith.constant 0 : index
      %get3A_1716 = tpu.vector_load %arg6[%get3A_1713, %get3A_1714, %get3A_1715] {strides = array<i32>} : memref<8x8x16xf32, #tpu.memory_space<vmem>>, vector<1x1x16xf32>,
      %get3A_1717 = vector.shape_cast %get3A_1716 : vector<1x1x16xf32> to vector<16xf32>
      %add3A_1718 = arith.addf %get3A_1717, %scan3A_1615#10 : vector<16xf32>
      %swap3A_1719 = arith.constant 2 : i32
      %swap3A_1720 = arith.index_cast %sub3A_1642 : i32 to index
      %swap3A_1721 = arith.index_cast %swap3A_1719 : i32 to index
      %swap3A_1722 = arith.constant 0 : index
      %swap3A_1723 = tpu.vector_load %arg6[%swap3A_1720, %swap3A_1721, %swap3A_1722] {strides = array<i32>} : memref<8x8x16xf32, #tpu.memory_space<vmem>>, vector<1x1x16xf32>,
      %swap3A_1724 = vector.shape_cast %swap3A_1723 : vector<1x1x16xf32> to vector<16xf32>
      %swap3A_1725 = vector.shape_cast %add3A_1718 : vector<16xf32> to vector<1x1x16xf32>
      tpu.vector_store %arg6[%swap3A_1720, %swap3A_1721, %swap3A_1722], %swap3A_1725 {strides = array<i32>} : memref<8x8x16xf32, #tpu.memory_space<vmem>>, vector<1x1x16xf32>,
      %get3A_1726 = arith.constant 3 : i32
      %get3A_1727 = arith.index_cast %sub3A_1642 : i32 to index
      %get3A_1728 = arith.index_cast %get3A_1726 : i32 to index
      %get3A_1729 = arith.constant 0 : index
      %get3A_1730 = tpu.vector_load %arg5[%get3A_1727, %get3A_1728, %get3A_1729] {strides = array<i32>} : memref<8x8x16xf32, #tpu.memory_space<vmem>>, vector<1x1x16xf32>,
      %get3A_1731 = vector.shape_cast %get3A_1730 : vector<1x1x16xf32> to vector<16xf32>
      %add3A_1732 = arith.addf %get3A_1731, %scan3A_1615#3 : vector<16xf32>
      %swap3A_1733 = arith.constant 3 : i32
      %swap3A_1734 = arith.index_cast %sub3A_1642 : i32 to index
      %swap3A_1735 = arith.index_cast %swap3A_1733 : i32 to index
      %swap3A_1736 = arith.constant 0 : index
      %swap3A_1737 = tpu.vector_load %arg5[%swap3A_1734, %swap3A_1735, %swap3A_1736] {strides = array<i32>} : memref<8x8x16xf32, #tpu.memory_space<vmem>>, vector<1x1x16xf32>,
      %swap3A_1738 = vector.shape_cast %swap3A_1737 : vector<1x1x16xf32> to vector<16xf32>
      %swap3A_1739 = vector.shape_cast %add3A_1732 : vector<16xf32> to vector<1x1x16xf32>
      tpu.vector_store %arg5[%swap3A_1734, %swap3A_1735, %swap3A_1736], %swap3A_1739 {strides = array<i32>} : memref<8x8x16xf32, #tpu.memory_space<vmem>>, vector<1x1x16xf32>,
      %get3A_1740 = arith.constant 3 : i32
      %get3A_1741 = arith.index_cast %sub3A_1642 : i32 to index
      %get3A_1742 = arith.index_cast %get3A_1740 : i32 to index
      %get3A_1743 = arith.constant 0 : index
      %get3A_1744 = tpu.vector_load %arg6[%get3A_1741, %get3A_1742, %get3A_1743] {strides = array<i32>} : memref<8x8x16xf32, #tpu.memory_space<vmem>>, vector<1x1x16xf32>,
      %get3A_1745 = vector.shape_cast %get3A_1744 : vector<1x1x16xf32> to vector<16xf32>
      %add3A_1746 = arith.addf %get3A_1745, %scan3A_1615#11 : vector<16xf32>
      %swap3A_1747 = arith.constant 3 : i32
      %swap3A_1748 = arith.index_cast %sub3A_1642 : i32 to index
      %swap3A_1749 = arith.index_cast %swap3A_1747 : i32 to index
      %swap3A_1750 = arith.constant 0 : index
      %swap3A_1751 = tpu.vector_load %arg6[%swap3A_1748, %swap3A_1749, %swap3A_1750] {strides = array<i32>} : memref<8x8x16xf32, #tpu.memory_space<vmem>>, vector<1x1x16xf32>,
      %swap3A_1752 = vector.shape_cast %swap3A_1751 : vector<1x1x16xf32> to vector<16xf32>
      %swap3A_1753 = vector.shape_cast %add3A_1746 : vector<16xf32> to vector<1x1x16xf32>
      tpu.vector_store %arg6[%swap3A_1748, %swap3A_1749, %swap3A_1750], %swap3A_1753 {strides = array<i32>} : memref<8x8x16xf32, #tpu.memory_space<vmem>>, vector<1x1x16xf32>,
      %get3A_1754 = arith.constant 4 : i32
      %get3A_1755 = arith.index_cast %sub3A_1642 : i32 to index
      %get3A_1756 = arith.index_cast %get3A_1754 : i32 to index
      %get3A_1757 = arith.constant 0 : index
      %get3A_1758 = tpu.vector_load %arg5[%get3A_1755, %get3A_1756, %get3A_1757] {strides = array<i32>} : memref<8x8x16xf32, #tpu.memory_space<vmem>>, vector<1x1x16xf32>,
      %get3A_1759 = vector.shape_cast %get3A_1758 : vector<1x1x16xf32> to vector<16xf32>
      %add3A_1760 = arith.addf %get3A_1759, %scan3A_1615#4 : vector<16xf32>
      %swap3A_1761 = arith.constant 4 : i32
      %swap3A_1762 = arith.index_cast %sub3A_1642 : i32 to index
      %swap3A_1763 = arith.index_cast %swap3A_1761 : i32 to index
      %swap3A_1764 = arith.constant 0 : index
      %swap3A_1765 = tpu.vector_load %arg5[%swap3A_1762, %swap3A_1763, %swap3A_1764] {strides = array<i32>} : memref<8x8x16xf32, #tpu.memory_space<vmem>>, vector<1x1x16xf32>,
      %swap3A_1766 = vector.shape_cast %swap3A_1765 : vector<1x1x16xf32> to vector<16xf32>
      %swap3A_1767 = vector.shape_cast %add3A_1760 : vector<16xf32> to vector<1x1x16xf32>
      tpu.vector_store %arg5[%swap3A_1762, %swap3A_1763, %swap3A_1764], %swap3A_1767 {strides = array<i32>} : memref<8x8x16xf32, #tpu.memory_space<vmem>>, vector<1x1x16xf32>,
      %get3A_1768 = arith.constant 4 : i32
      %get3A_1769 = arith.index_cast %sub3A_1642 : i32 to index
      %get3A_1770 = arith.index_cast %get3A_1768 : i32 to index
      %get3A_1771 = arith.constant 0 : index
      %get3A_1772 = tpu.vector_load %arg6[%get3A_1769, %get3A_1770, %get3A_1771] {strides = array<i32>} : memref<8x8x16xf32, #tpu.memory_space<vmem>>, vector<1x1x16xf32>,
      %get3A_1773 = vector.shape_cast %get3A_1772 : vector<1x1x16xf32> to vector<16xf32>
      %add3A_1774 = arith.addf %get3A_1773, %scan3A_1615#12 : vector<16xf32>
      %swap3A_1775 = arith.constant 4 : i32
      %swap3A_1776 = arith.index_cast %sub3A_1642 : i32 to index
      %swap3A_1777 = arith.index_cast %swap3A_1775 : i32 to index
      %swap3A_1778 = arith.constant 0 : index
      %swap3A_1779 = tpu.vector_load %arg6[%swap3A_1776, %swap3A_1777, %swap3A_1778] {strides = array<i32>} : memref<8x8x16xf32, #tpu.memory_space<vmem>>, vector<1x1x16xf32>,
      %swap3A_1780 = vector.shape_cast %swap3A_1779 : vector<1x1x16xf32> to vector<16xf32>
      %swap3A_1781 = vector.shape_cast %add3A_1774 : vector<16xf32> to vector<1x1x16xf32>
      tpu.vector_store %arg6[%swap3A_1776, %swap3A_1777, %swap3A_1778], %swap3A_1781 {strides = array<i32>} : memref<8x8x16xf32, #tpu.memory_space<vmem>>, vector<1x1x16xf32>,
      %get3A_1782 = arith.constant 5 : i32
      %get3A_1783 = arith.index_cast %sub3A_1642 : i32 to index
      %get3A_1784 = arith.index_cast %get3A_1782 : i32 to index
      %get3A_1785 = arith.constant 0 : index
      %get3A_1786 = tpu.vector_load %arg5[%get3A_1783, %get3A_1784, %get3A_1785] {strides = array<i32>} : memref<8x8x16xf32, #tpu.memory_space<vmem>>, vector<1x1x16xf32>,
      %get3A_1787 = vector.shape_cast %get3A_1786 : vector<1x1x16xf32> to vector<16xf32>
      %add3A_1788 = arith.addf %get3A_1787, %scan3A_1615#5 : vector<16xf32>
      %swap3A_1789 = arith.constant 5 : i32
      %swap3A_1790 = arith.index_cast %sub3A_1642 : i32 to index
      %swap3A_1791 = arith.index_cast %swap3A_1789 : i32 to index
      %swap3A_1792 = arith.constant 0 : index
      %swap3A_1793 = tpu.vector_load %arg5[%swap3A_1790, %swap3A_1791, %swap3A_1792] {strides = array<i32>} : memref<8x8x16xf32, #tpu.memory_space<vmem>>, vector<1x1x16xf32>,
      %swap3A_1794 = vector.shape_cast %swap3A_1793 : vector<1x1x16xf32> to vector<16xf32>
      %swap3A_1795 = vector.shape_cast %add3A_1788 : vector<16xf32> to vector<1x1x16xf32>
      tpu.vector_store %arg5[%swap3A_1790, %swap3A_1791, %swap3A_1792], %swap3A_1795 {strides = array<i32>} : memref<8x8x16xf32, #tpu.memory_space<vmem>>, vector<1x1x16xf32>,
      %get3A_1796 = arith.constant 5 : i32
      %get3A_1797 = arith.index_cast %sub3A_1642 : i32 to index
      %get3A_1798 = arith.index_cast %get3A_1796 : i32 to index
      %get3A_1799 = arith.constant 0 : index
      %get3A_1800 = tpu.vector_load %arg6[%get3A_1797, %get3A_1798, %get3A_1799] {strides = array<i32>} : memref<8x8x16xf32, #tpu.memory_space<vmem>>, vector<1x1x16xf32>,
      %get3A_1801 = vector.shape_cast %get3A_1800 : vector<1x1x16xf32> to vector<16xf32>
      %add3A_1802 = arith.addf %get3A_1801, %scan3A_1615#13 : vector<16xf32>
      %swap3A_1803 = arith.constant 5 : i32
      %swap3A_1804 = arith.index_cast %sub3A_1642 : i32 to index
      %swap3A_1805 = arith.index_cast %swap3A_1803 : i32 to index
      %swap3A_1806 = arith.constant 0 : index
      %swap3A_1807 = tpu.vector_load %arg6[%swap3A_1804, %swap3A_1805, %swap3A_1806] {strides = array<i32>} : memref<8x8x16xf32, #tpu.memory_space<vmem>>, vector<1x1x16xf32>,
      %swap3A_1808 = vector.shape_cast %swap3A_1807 : vector<1x1x16xf32> to vector<16xf32>
      %swap3A_1809 = vector.shape_cast %add3A_1802 : vector<16xf32> to vector<1x1x16xf32>
      tpu.vector_store %arg6[%swap3A_1804, %swap3A_1805, %swap3A_1806], %swap3A_1809 {strides = array<i32>} : memref<8x8x16xf32, #tpu.memory_space<vmem>>, vector<1x1x16xf32>,
      %get3A_1810 = arith.constant 6 : i32
      %get3A_1811 = arith.index_cast %sub3A_1642 : i32 to index
      %get3A_1812 = arith.index_cast %get3A_1810 : i32 to index
      %get3A_1813 = arith.constant 0 : index
      %get3A_1814 = tpu.vector_load %arg5[%get3A_1811, %get3A_1812, %get3A_1813] {strides = array<i32>} : memref<8x8x16xf32, #tpu.memory_space<vmem>>, vector<1x1x16xf32>,
      %get3A_1815 = vector.shape_cast %get3A_1814 : vector<1x1x16xf32> to vector<16xf32>
      %add3A_1816 = arith.addf %get3A_1815, %scan3A_1615#6 : vector<16xf32>
      %swap3A_1817 = arith.constant 6 : i32
      %swap3A_1818 = arith.index_cast %sub3A_1642 : i32 to index
      %swap3A_1819 = arith.index_cast %swap3A_1817 : i32 to index
      %swap3A_1820 = arith.constant 0 : index
      %swap3A_1821 = tpu.vector_load %arg5[%swap3A_1818, %swap3A_1819, %swap3A_1820] {strides = array<i32>} : memref<8x8x16xf32, #tpu.memory_space<vmem>>, vector<1x1x16xf32>,
      %swap3A_1822 = vector.shape_cast %swap3A_1821 : vector<1x1x16xf32> to vector<16xf32>
      %swap3A_1823 = vector.shape_cast %add3A_1816 : vector<16xf32> to vector<1x1x16xf32>
      tpu.vector_store %arg5[%swap3A_1818, %swap3A_1819, %swap3A_1820], %swap3A_1823 {strides = array<i32>} : memref<8x8x16xf32, #tpu.memory_space<vmem>>, vector<1x1x16xf32>,
      %get3A_1824 = arith.constant 6 : i32
      %get3A_1825 = arith.index_cast %sub3A_1642 : i32 to index
      %get3A_1826 = arith.index_cast %get3A_1824 : i32 to index
      %get3A_1827 = arith.constant 0 : index
      %get3A_1828 = tpu.vector_load %arg6[%get3A_1825, %get3A_1826, %get3A_1827] {strides = array<i32>} : memref<8x8x16xf32, #tpu.memory_space<vmem>>, vector<1x1x16xf32>,
      %get3A_1829 = vector.shape_cast %get3A_1828 : vector<1x1x16xf32> to vector<16xf32>
      %add3A_1830 = arith.addf %get3A_1829, %scan3A_1615#14 : vector<16xf32>
      %swap3A_1831 = arith.constant 6 : i32
      %swap3A_1832 = arith.index_cast %sub3A_1642 : i32 to index
      %swap3A_1833 = arith.index_cast %swap3A_1831 : i32 to index
      %swap3A_1834 = arith.constant 0 : index
      %swap3A_1835 = tpu.vector_load %arg6[%swap3A_1832, %swap3A_1833, %swap3A_1834] {strides = array<i32>} : memref<8x8x16xf32, #tpu.memory_space<vmem>>, vector<1x1x16xf32>,
      %swap3A_1836 = vector.shape_cast %swap3A_1835 : vector<1x1x16xf32> to vector<16xf32>
      %swap3A_1837 = vector.shape_cast %add3A_1830 : vector<16xf32> to vector<1x1x16xf32>
      tpu.vector_store %arg6[%swap3A_1832, %swap3A_1833, %swap3A_1834], %swap3A_1837 {strides = array<i32>} : memref<8x8x16xf32, #tpu.memory_space<vmem>>, vector<1x1x16xf32>,
      %get3A_1838 = arith.constant 7 : i32
      %get3A_1839 = arith.index_cast %sub3A_1642 : i32 to index
      %get3A_1840 = arith.index_cast %get3A_1838 : i32 to index
      %get3A_1841 = arith.constant 0 : index
      %get3A_1842 = tpu.vector_load %arg5[%get3A_1839, %get3A_1840, %get3A_1841] {strides = array<i32>} : memref<8x8x16xf32, #tpu.memory_space<vmem>>, vector<1x1x16xf32>,
      %get3A_1843 = vector.shape_cast %get3A_1842 : vector<1x1x16xf32> to vector<16xf32>
      %add3A_1844 = arith.addf %get3A_1843, %scan3A_1615#7 : vector<16xf32>
      %swap3A_1845 = arith.constant 7 : i32
      %swap3A_1846 = arith.index_cast %sub3A_1642 : i32 to index
      %swap3A_1847 = arith.index_cast %swap3A_1845 : i32 to index
      %swap3A_1848 = arith.constant 0 : index
      %swap3A_1849 = tpu.vector_load %arg5[%swap3A_1846, %swap3A_1847, %swap3A_1848] {strides = array<i32>} : memref<8x8x16xf32, #tpu.memory_space<vmem>>, vector<1x1x16xf32>,
      %swap3A_1850 = vector.shape_cast %swap3A_1849 : vector<1x1x16xf32> to vector<16xf32>
      %swap3A_1851 = vector.shape_cast %add3A_1844 : vector<16xf32> to vector<1x1x16xf32>
      tpu.vector_store %arg5[%swap3A_1846, %swap3A_1847, %swap3A_1848], %swap3A_1851 {strides = array<i32>} : memref<8x8x16xf32, #tpu.memory_space<vmem>>, vector<1x1x16xf32>,
      %get3A_1852 = arith.constant 7 : i32
      %get3A_1853 = arith.index_cast %sub3A_1642 : i32 to index
      %get3A_1854 = arith.index_cast %get3A_1852 : i32 to index
      %get3A_1855 = arith.constant 0 : index
      %get3A_1856 = tpu.vector_load %arg6[%get3A_1853, %get3A_1854, %get3A_1855] {strides = array<i32>} : memref<8x8x16xf32, #tpu.memory_space<vmem>>, vector<1x1x16xf32>,
      %get3A_1857 = vector.shape_cast %get3A_1856 : vector<1x1x16xf32> to vector<16xf32>
      %add3A_1858 = arith.addf %get3A_1857, %scan3A_1615#15 : vector<16xf32>
      %swap3A_1859 = arith.constant 7 : i32
      %swap3A_1860 = arith.index_cast %sub3A_1642 : i32 to index
      %swap3A_1861 = arith.index_cast %swap3A_1859 : i32 to index
      %swap3A_1862 = arith.constant 0 : index
      %swap3A_1863 = tpu.vector_load %arg6[%swap3A_1860, %swap3A_1861, %swap3A_1862] {strides = array<i32>} : memref<8x8x16xf32, #tpu.memory_space<vmem>>, vector<1x1x16xf32>,
      %swap3A_1864 = vector.shape_cast %swap3A_1863 : vector<1x1x16xf32> to vector<16xf32>
      %swap3A_1865 = vector.shape_cast %add3A_1858 : vector<16xf32> to vector<1x1x16xf32>
      tpu.vector_store %arg6[%swap3A_1860, %swap3A_1861, %swap3A_1862], %swap3A_1865 {strides = array<i32>} : memref<8x8x16xf32, #tpu.memory_space<vmem>>, vector<1x1x16xf32>,
      %add3A_1866 = arith.constant 4 : i32
      %add3A_1867 = arith.addi %while3A_1511, %add3A_1866 : i32
      %lt3A_1868 = arith.cmpi slt, %add3A_1867, %sub3A_47 : i32
      %convert_element_type3A = arith.extui %lt3A_1868 : i1 to i32
      %cond3A = arith.constant 0 : i32
      %cond3A_1869 = arith.cmpi ne, %convert_element_type3A, %cond3A : i32
      scf.if %cond3A_1869 {
        %add3A_1870 = arith.constant 4 : i32
        %add3A_1871 = arith.addi %while3A_1511, %add3A_1870 : i32
        %add3A_1872 = arith.addi %select_n3A, %add3A_1871 : i32
        %jit3A_1873 = arith.constant 6 : i32
        %div3A_1874 = arith.divsi %add3A_1872, %jit3A_1873 : i32
        %sign3A_1875 = arith.constant 0 : i32
        %sign3A_1876 = arith.cmpi sgt, %add3A_1872, %sign3A_1875 : i32
        %sign3A_1877 = arith.extui %sign3A_1876 : i1 to i32
        %sign3A_1878 = arith.constant 0 : i32
        %sign3A_1879 = arith.cmpi slt, %add3A_1872, %sign3A_1878 : i32
        %sign3A_1880 = arith.extui %sign3A_1879 : i1 to i32
        %sign3A_1881 = arith.subi %sign3A_1877, %sign3A_1880 : i32
        %sign3A_1882 = arith.constant 0 : i32
        %sign3A_1883 = arith.cmpi sgt, %jit3A_1873, %sign3A_1882 : i32
        %sign3A_1884 = arith.extui %sign3A_1883 : i1 to i32
        %sign3A_1885 = arith.constant 0 : i32
        %sign3A_1886 = arith.cmpi slt, %jit3A_1873, %sign3A_1885 : i32
        %sign3A_1887 = arith.extui %sign3A_1886 : i1 to i32
        %sign3A_1888 = arith.subi %sign3A_1884, %sign3A_1887 : i32
        %ne3A_1889 = arith.cmpi ne, %sign3A_1881, %sign3A_1888 : i32
        %rem3A_1890 = arith.remsi %add3A_1872, %jit3A_1873 : i32
        %ne3A_1891 = arith.constant 0 : i32
        %ne3A_1892 = arith.cmpi ne, %rem3A_1890, %ne3A_1891 : i32
        %and3A_1893 = arith.andi %ne3A_1889, %ne3A_1892 : i1
        %sub3A_1894 = arith.constant 1 : i32
        %sub3A_1895 = arith.subi %div3A_1874, %sub3A_1894 : i32
        %select_n3A_1896 = arith.select %and3A_1893, %sub3A_1895, %div3A_1874 : i32
        %jit3A_1897 = arith.constant 6 : i32
        %eq3A_1898 = arith.constant 0 : i32
        %eq3A_1899 = arith.cmpi eq, %jit3A_1897, %eq3A_1898 : i32
        %jit3A_1900 = arith.constant 1 : i32
        %select_n3A_1901 = arith.select %eq3A_1899, %jit3A_1900, %jit3A_1897 : i32
        %rem3A_1902 = arith.remsi %add3A_1872, %select_n3A_1901 : i32
        %ne3A_1903 = arith.constant 0 : i32
        %ne3A_1904 = arith.cmpi ne, %rem3A_1902, %ne3A_1903 : i32
        %lt3A_1905 = arith.constant 0 : i32
        %lt3A_1906 = arith.cmpi slt, %rem3A_1902, %lt3A_1905 : i32
        %lt3A_1907 = arith.constant 0 : i32
        %lt3A_1908 = arith.cmpi slt, %select_n3A_1901, %lt3A_1907 : i32
        %ne3A_1909 = arith.xori %lt3A_1906, %lt3A_1908 : i1
        %and3A_1910 = arith.andi %ne3A_1909, %ne3A_1904 : i1
        %add3A_1911 = arith.addi %rem3A_1902, %select_n3A_1901 : i32
        %select_n3A_1912 = arith.select %and3A_1910, %add3A_1911, %rem3A_1902 : i32
        %jit3A_1913 = arith.constant 67 : i32
        %div3A_1914 = arith.divsi %select_n3A_1896, %jit3A_1913 : i32
        %sign3A_1915 = arith.constant 0 : i32
        %sign3A_1916 = arith.cmpi sgt, %select_n3A_1896, %sign3A_1915 : i32
        %sign3A_1917 = arith.extui %sign3A_1916 : i1 to i32
        %sign3A_1918 = arith.constant 0 : i32
        %sign3A_1919 = arith.cmpi slt, %select_n3A_1896, %sign3A_1918 : i32
        %sign3A_1920 = arith.extui %sign3A_1919 : i1 to i32
        %sign3A_1921 = arith.subi %sign3A_1917, %sign3A_1920 : i32
        %sign3A_1922 = arith.constant 0 : i32
        %sign3A_1923 = arith.cmpi sgt, %jit3A_1913, %sign3A_1922 : i32
        %sign3A_1924 = arith.extui %sign3A_1923 : i1 to i32
        %sign3A_1925 = arith.constant 0 : i32
        %sign3A_1926 = arith.cmpi slt, %jit3A_1913, %sign3A_1925 : i32
        %sign3A_1927 = arith.extui %sign3A_1926 : i1 to i32
        %sign3A_1928 = arith.subi %sign3A_1924, %sign3A_1927 : i32
        %ne3A_1929 = arith.cmpi ne, %sign3A_1921, %sign3A_1928 : i32
        %rem3A_1930 = arith.remsi %select_n3A_1896, %jit3A_1913 : i32
        %ne3A_1931 = arith.constant 0 : i32
        %ne3A_1932 = arith.cmpi ne, %rem3A_1930, %ne3A_1931 : i32
        %and3A_1933 = arith.andi %ne3A_1929, %ne3A_1932 : i1
        %sub3A_1934 = arith.constant 1 : i32
        %sub3A_1935 = arith.subi %div3A_1914, %sub3A_1934 : i32
        %select_n3A_1936 = arith.select %and3A_1933, %sub3A_1935, %div3A_1914 : i32
        %jit3A_1937 = arith.constant 67 : i32
        %eq3A_1938 = arith.constant 0 : i32
        %eq3A_1939 = arith.cmpi eq, %jit3A_1937, %eq3A_1938 : i32
        %jit3A_1940 = arith.constant 1 : i32
        %select_n3A_1941 = arith.select %eq3A_1939, %jit3A_1940, %jit3A_1937 : i32
        %rem3A_1942 = arith.remsi %select_n3A_1896, %select_n3A_1941 : i32
        %ne3A_1943 = arith.constant 0 : i32
        %ne3A_1944 = arith.cmpi ne, %rem3A_1942, %ne3A_1943 : i32
        %lt3A_1945 = arith.constant 0 : i32
        %lt3A_1946 = arith.cmpi slt, %rem3A_1942, %lt3A_1945 : i32
        %lt3A_1947 = arith.constant 0 : i32
        %lt3A_1948 = arith.cmpi slt, %select_n3A_1941, %lt3A_1947 : i32
        %ne3A_1949 = arith.xori %lt3A_1946, %lt3A_1948 : i1
        %and3A_1950 = arith.andi %ne3A_1949, %ne3A_1944 : i1
        %add3A_1951 = arith.addi %rem3A_1942, %select_n3A_1941 : i32
        %select_n3A_1952 = arith.select %and3A_1950, %add3A_1951, %rem3A_1942 : i32
        %mul3A_1953 = arith.constant 8 : i32
        %mul3A_1954 = arith.muli %mul3A_1953, %select_n3A_1952 : i32
        %mul3A_1955 = arith.constant 2048 : i32
        %mul3A_1956 = arith.muli %mul3A_1955, %select_n3A_1912 : i32
        %dma_start3A_1957 = arith.constant 0 : i32
        %dma_start3A_1958 = arith.constant 0 : i32
        %dma_start3A_1959 = tpu.memref_slice %arg4[%rem3A_1513, %dma_start3A_1957, %dma_start3A_1958] : memref<4x8x2048xf32, #tpu.memory_space<vmem>> -> memref<1x8x2048xf32, #tpu.memory_space<vmem>>
        %dma_start3A_1960 = tpu.memref_squeeze %dma_start3A_1959 : memref<1x8x2048xf32, #tpu.memory_space<vmem>> -> memref<8x2048xf32, #tpu.memory_space<vmem>>
        %dma_start3A_1961 = tpu.memref_slice %arg2[%select_n3A_1936, %mul3A_1954, %mul3A_1956] : memref<3x543x16384xf32, #tpu.memory_space<hbm>> -> memref<1x8x2048xf32, #tpu.memory_space<hbm>>
        %dma_start3A_1962 = tpu.memref_squeeze %dma_start3A_1961 : memref<1x8x2048xf32, #tpu.memory_space<hbm>> -> memref<8x2048xf32, #tpu.memory_space<hbm>>
        %dma_start3A_1963 = tpu.memref_slice %arg7[%rem3A_1513] : memref<4x!tpu.dma_semaphore, #tpu.memory_space<semaphore_mem>> -> memref<1x!tpu.dma_semaphore, #tpu.memory_space<semaphore_mem>>
        %dma_start3A_1964 = tpu.memref_squeeze %dma_start3A_1963 : memref<1x!tpu.dma_semaphore, #tpu.memory_space<semaphore_mem>> -> memref<!tpu.dma_semaphore, #tpu.memory_space<semaphore_mem>>
        %dma_start3A_1965 = arith.constant 0 : i32
        %dma_start3A_1966 = arith.constant 0 : i32
        %dma_start3A_1967 = tpu.memref_slice %arg4[%rem3A_1513, %dma_start3A_1965, %dma_start3A_1966] : memref<4x8x2048xf32, #tpu.memory_space<vmem>> -> memref<1x8x2048xf32, #tpu.memory_space<vmem>>
        %dma_start3A_1968 = tpu.memref_squeeze %dma_start3A_1967 : memref<1x8x2048xf32, #tpu.memory_space<vmem>> -> memref<8x2048xf32, #tpu.memory_space<vmem>>
        %dma_start3A_1969 = tpu.memref_slice %arg2[%select_n3A_1936, %mul3A_1954, %mul3A_1956] : memref<3x543x16384xf32, #tpu.memory_space<hbm>> -> memref<1x8x2048xf32, #tpu.memory_space<hbm>>
        %dma_start3A_1970 = tpu.memref_squeeze %dma_start3A_1969 : memref<1x8x2048xf32, #tpu.memory_space<hbm>> -> memref<8x2048xf32, #tpu.memory_space<hbm>>
        tpu.enqueue_dma source(%dma_start3A_1970 : memref<8x2048xf32, #tpu.memory_space<hbm>>) target(%dma_start3A_1968 : memref<8x2048xf32, #tpu.memory_space<vmem>>) target_semaphore(%dma_start3A_1964 : memref<!tpu.dma_semaphore, #tpu.memory_space<semaphore_mem>>)
      } else {
      }
    }
    %while3A_1509 = arith.constant 1 : i32
    scf.for %while3A_1511 = %while3A_1507 to %while3A_1503 step %while3A_1509  : i32 {
      %rem3A_1512 = arith.constant 4 : i32
      %rem3A_1513 = arith.remsi %while3A_1511, %rem3A_1512 : i32
      %add3A_1514 = arith.addi %select_n3A, %while3A_1511 : i32
      %jit3A_1515 = arith.constant 6 : i32
      %div3A_1516 = arith.divsi %add3A_1514, %jit3A_1515 : i32
      %sign3A_1517 = arith.constant 0 : i32
      %sign3A_1518 = arith.cmpi sgt, %add3A_1514, %sign3A_1517 : i32
      %sign3A_1519 = arith.extui %sign3A_1518 : i1 to i32
      %sign3A_1520 = arith.constant 0 : i32
      %sign3A_1521 = arith.cmpi slt, %add3A_1514, %sign3A_1520 : i32
      %sign3A_1522 = arith.extui %sign3A_1521 : i1 to i32
      %sign3A_1523 = arith.subi %sign3A_1519, %sign3A_1522 : i32
      %sign3A_1524 = arith.constant 0 : i32
      %sign3A_1525 = arith.cmpi sgt, %jit3A_1515, %sign3A_1524 : i32
      %sign3A_1526 = arith.extui %sign3A_1525 : i1 to i32
      %sign3A_1527 = arith.constant 0 : i32
      %sign3A_1528 = arith.cmpi slt, %jit3A_1515, %sign3A_1527 : i32
      %sign3A_1529 = arith.extui %sign3A_1528 : i1 to i32
      %sign3A_1530 = arith.subi %sign3A_1526, %sign3A_1529 : i32
      %ne3A_1531 = arith.cmpi ne, %sign3A_1523, %sign3A_1530 : i32
      %rem3A_1532 = arith.remsi %add3A_1514, %jit3A_1515 : i32
      %ne3A_1533 = arith.constant 0 : i32
      %ne3A_1534 = arith.cmpi ne, %rem3A_1532, %ne3A_1533 : i32
      %and3A_1535 = arith.andi %ne3A_1531, %ne3A_1534 : i1
      %sub3A_1536 = arith.constant 1 : i32
      %sub3A_1537 = arith.subi %div3A_1516, %sub3A_1536 : i32
      %select_n3A_1538 = arith.select %and3A_1535, %sub3A_1537, %div3A_1516 : i32
      %jit3A_1539 = arith.constant 6 : i32
      %eq3A_1540 = arith.constant 0 : i32
      %eq3A_1541 = arith.cmpi eq, %jit3A_1539, %eq3A_1540 : i32
      %jit3A_1542 = arith.constant 1 : i32
      %select_n3A_1543 = arith.select %eq3A_1541, %jit3A_1542, %jit3A_1539 : i32
      %rem3A_1544 = arith.remsi %add3A_1514, %select_n3A_1543 : i32
      %ne3A_1545 = arith.constant 0 : i32
      %ne3A_1546 = arith.cmpi ne, %rem3A_1544, %ne3A_1545 : i32
      %lt3A_1547 = arith.constant 0 : i32
      %lt3A_1548 = arith.cmpi slt, %rem3A_1544, %lt3A_1547 : i32
      %lt3A_1549 = arith.constant 0 : i32
      %lt3A_1550 = arith.cmpi slt, %select_n3A_1543, %lt3A_1549 : i32
      %ne3A_1551 = arith.xori %lt3A_1548, %lt3A_1550 : i1
      %and3A_1552 = arith.andi %ne3A_1551, %ne3A_1546 : i1
      %add3A_1553 = arith.addi %rem3A_1544, %select_n3A_1543 : i32
      %select_n3A_1554 = arith.select %and3A_1552, %add3A_1553, %rem3A_1544 : i32
      %jit3A_1555 = arith.constant 67 : i32
      %div3A_1556 = arith.divsi %select_n3A_1538, %jit3A_1555 : i32
      %sign3A_1557 = arith.constant 0 : i32
      %sign3A_1558 = arith.cmpi sgt, %select_n3A_1538, %sign3A_1557 : i32
      %sign3A_1559 = arith.extui %sign3A_1558 : i1 to i32
      %sign3A_1560 = arith.constant 0 : i32
      %sign3A_1561 = arith.cmpi slt, %select_n3A_1538, %sign3A_1560 : i32
      %sign3A_1562 = arith.extui %sign3A_1561 : i1 to i32
      %sign3A_1563 = arith.subi %sign3A_1559, %sign3A_1562 : i32
      %sign3A_1564 = arith.constant 0 : i32
      %sign3A_1565 = arith.cmpi sgt, %jit3A_1555, %sign3A_1564 : i32
      %sign3A_1566 = arith.extui %sign3A_1565 : i1 to i32
      %sign3A_1567 = arith.constant 0 : i32
      %sign3A_1568 = arith.cmpi slt, %jit3A_1555, %sign3A_1567 : i32
      %sign3A_1569 = arith.extui %sign3A_1568 : i1 to i32
      %sign3A_1570 = arith.subi %sign3A_1566, %sign3A_1569 : i32
      %ne3A_1571 = arith.cmpi ne, %sign3A_1563, %sign3A_1570 : i32
      %rem3A_1572 = arith.remsi %select_n3A_1538, %jit3A_1555 : i32
      %ne3A_1573 = arith.constant 0 : i32
      %ne3A_1574 = arith.cmpi ne, %rem3A_1572, %ne3A_1573 : i32
      %and3A_1575 = arith.andi %ne3A_1571, %ne3A_1574 : i1
      %sub3A_1576 = arith.constant 1 : i32
      %sub3A_1577 = arith.subi %div3A_1556, %sub3A_1576 : i32
      %select_n3A_1578 = arith.select %and3A_1575, %sub3A_1577, %div3A_1556 : i32
      %jit3A_1579 = arith.constant 67 : i32
      %eq3A_1580 = arith.constant 0 : i32
      %eq3A_1581 = arith.cmpi eq, %jit3A_1579, %eq3A_1580 : i32
      %jit3A_1582 = arith.constant 1 : i32
      %select_n3A_1583 = arith.select %eq3A_1581, %jit3A_1582, %jit3A_1579 : i32
      %rem3A_1584 = arith.remsi %select_n3A_1538, %select_n3A_1583 : i32
      %ne3A_1585 = arith.constant 0 : i32
      %ne3A_1586 = arith.cmpi ne, %rem3A_1584, %ne3A_1585 : i32
      %lt3A_1587 = arith.constant 0 : i32
      %lt3A_1588 = arith.cmpi slt, %rem3A_1584, %lt3A_1587 : i32
      %lt3A_1589 = arith.constant 0 : i32
      %lt3A_1590 = arith.cmpi slt, %select_n3A_1583, %lt3A_1589 : i32
      %ne3A_1591 = arith.xori %lt3A_1588, %lt3A_1590 : i1
      %and3A_1592 = arith.andi %ne3A_1591, %ne3A_1586 : i1
      %add3A_1593 = arith.addi %rem3A_1584, %select_n3A_1583 : i32
      %select_n3A_1594 = arith.select %and3A_1592, %add3A_1593, %rem3A_1584 : i32
      %mul3A_1595 = arith.constant 8 : i32
      %mul3A_1596 = arith.muli %mul3A_1595, %select_n3A_1594 : i32
      %mul3A_1597 = arith.constant 2048 : i32
      %mul3A_1598 = arith.muli %mul3A_1597, %select_n3A_1554 : i32
      %dma_wait3A = arith.constant 0 : i32
      %dma_wait3A_1599 = arith.constant 0 : i32
      %dma_wait3A_1600 = tpu.memref_slice %arg4[%rem3A_1513, %dma_wait3A, %dma_wait3A_1599] : memref<4x8x2048xf32, #tpu.memory_space<vmem>> -> memref<1x8x2048xf32, #tpu.memory_space<vmem>>
      %dma_wait3A_1601 = tpu.memref_squeeze %dma_wait3A_1600 : memref<1x8x2048xf32, #tpu.memory_space<vmem>> -> memref<8x2048xf32, #tpu.memory_space<vmem>>
      %dma_wait3A_1602 = tpu.memref_slice %arg2[%select_n3A_1578, %mul3A_1596, %mul3A_1598] : memref<3x543x16384xf32, #tpu.memory_space<hbm>> -> memref<1x8x2048xf32, #tpu.memory_space<hbm>>
      %dma_wait3A_1603 = tpu.memref_squeeze %dma_wait3A_1602 : memref<1x8x2048xf32, #tpu.memory_space<hbm>> -> memref<8x2048xf32, #tpu.memory_space<hbm>>
      %dma_wait3A_1604 = tpu.memref_slice %arg7[%rem3A_1513] : memref<4x!tpu.dma_semaphore, #tpu.memory_space<semaphore_mem>> -> memref<1x!tpu.dma_semaphore, #tpu.memory_space<semaphore_mem>>
      %dma_wait3A_1605 = tpu.memref_squeeze %dma_wait3A_1604 : memref<1x!tpu.dma_semaphore, #tpu.memory_space<semaphore_mem>> -> memref<!tpu.dma_semaphore, #tpu.memory_space<semaphore_mem>>
      %dma_wait3A_1606 = arith.constant 0 : i32
      %dma_wait3A_1607 = arith.constant 0 : i32
      %dma_wait3A_1608 = tpu.memref_slice %arg4[%rem3A_1513, %dma_wait3A_1606, %dma_wait3A_1607] : memref<4x8x2048xf32, #tpu.memory_space<vmem>> -> memref<1x8x2048xf32, #tpu.memory_space<vmem>>
      %dma_wait3A_1609 = tpu.memref_squeeze %dma_wait3A_1608 : memref<1x8x2048xf32, #tpu.memory_space<vmem>> -> memref<8x2048xf32, #tpu.memory_space<vmem>>
      %dma_wait3A_1610 = tpu.memref_slice %arg2[%select_n3A_1578, %mul3A_1596, %mul3A_1598] : memref<3x543x16384xf32, #tpu.memory_space<hbm>> -> memref<1x8x2048xf32, #tpu.memory_space<hbm>>
      %dma_wait3A_1611 = tpu.memref_squeeze %dma_wait3A_1610 : memref<1x8x2048xf32, #tpu.memory_space<hbm>> -> memref<8x2048xf32, #tpu.memory_space<hbm>>
      tpu.wait_dma2 semaphore(%dma_wait3A_1605 : memref<!tpu.dma_semaphore, #tpu.memory_space<semaphore_mem>>) src(%dma_wait3A_1611 : memref<8x2048xf32, #tpu.memory_space<hbm>>) dst(%dma_wait3A_1609 : memref<8x2048xf32, #tpu.memory_space<vmem>>)
      %scan3A = arith.constant 0 : i32
      %scan3A_1612 = arith.constant 64 : i32
      %scan3A_1613 = arith.addi %scan3A, %scan3A_1612 : i32
      %scan3A_1614 = arith.constant 1 : i32
      %scan3A_1615:16 = scf.for %scan3A_1870 = %scan3A to %scan3A_1613 step %scan3A_1614 iter_args(%scan3A_1871 = %broadcast_in_dim3A_72, %scan3A_1872 = %broadcast_in_dim3A_72, %scan3A_1873 = %broadcast_in_dim3A_72, %scan3A_1874 = %broadcast_in_dim3A_72, %scan3A_1875 = %broadcast_in_dim3A_72, %scan3A_1876 = %broadcast_in_dim3A_72, %scan3A_1877 = %broadcast_in_dim3A_72, %scan3A_1878 = %broadcast_in_dim3A_72, %scan3A_1879 = %broadcast_in_dim3A_72, %scan3A_1880 = %broadcast_in_dim3A_72, %scan3A_1881 = %broadcast_in_dim3A_72, %scan3A_1882 = %broadcast_in_dim3A_72, %scan3A_1883 = %broadcast_in_dim3A_72, %scan3A_1884 = %broadcast_in_dim3A_72, %scan3A_1885 = %broadcast_in_dim3A_72, %scan3A_1886 = %broadcast_in_dim3A_72) -> (vector<16xf32>, vector<16xf32>, vector<16xf32>, vector<16xf32>, vector<16xf32>, vector<16xf32>, vector<16xf32>, vector<16xf32>, vector<16xf32>, vector<16xf32>, vector<16xf32>, vector<16xf32>, vector<16xf32>, vector<16xf32>, vector<16xf32>, vector<16xf32>)  : i32 {
        %mul3A_1887 = arith.constant 2 : i32
        %mul3A_1888 = arith.muli %mul3A_1887, %scan3A_1870 : i32
        %add3A_1889 = arith.constant 0 : i32
        %add3A_1890 = arith.addi %mul3A_1888, %add3A_1889 : i32
        %mul3A_1891 = arith.constant 16 : i32
        %mul3A_1892 = arith.muli %add3A_1890, %mul3A_1891 : i32
        %get3A_1893 = arith.constant 0 : i32
        %get3A_1894 = arith.index_cast %rem3A_1513 : i32 to index
        %get3A_1895 = arith.index_cast %get3A_1893 : i32 to index
        %get3A_1896 = arith.index_cast %mul3A_1892 : i32 to index
        %get3A_1897 = tpu.vector_load %arg4[%get3A_1894, %get3A_1895, %get3A_1896] {strides = array<i32>} : memref<4x8x2048xf32, #tpu.memory_space<vmem>>, vector<1x1x16xf32>,
        %get3A_1898 = vector.shape_cast %get3A_1897 : vector<1x1x16xf32> to vector<16xf32>
        %add3A_1899 = arith.addf %scan3A_1871, %get3A_1898 : vector<16xf32>
        %mul3A_1900 = arith.mulf %get3A_1898, %get3A_1898 : vector<16xf32>
        %add3A_1901 = arith.addf %scan3A_1879, %mul3A_1900 : vector<16xf32>
        %mul3A_1902 = arith.constant 2 : i32
        %mul3A_1903 = arith.muli %mul3A_1902, %scan3A_1870 : i32
        %add3A_1904 = arith.constant 0 : i32
        %add3A_1905 = arith.addi %mul3A_1903, %add3A_1904 : i32
        %mul3A_1906 = arith.constant 16 : i32
        %mul3A_1907 = arith.muli %add3A_1905, %mul3A_1906 : i32
        %get3A_1908 = arith.constant 1 : i32
        %get3A_1909 = arith.index_cast %rem3A_1513 : i32 to index
        %get3A_1910 = arith.index_cast %get3A_1908 : i32 to index
        %get3A_1911 = arith.index_cast %mul3A_1907 : i32 to index
        %get3A_1912 = tpu.vector_load %arg4[%get3A_1909, %get3A_1910, %get3A_1911] {strides = array<i32>} : memref<4x8x2048xf32, #tpu.memory_space<vmem>>, vector<1x1x16xf32>,
        %get3A_1913 = vector.shape_cast %get3A_1912 : vector<1x1x16xf32> to vector<16xf32>
        %add3A_1914 = arith.addf %scan3A_1872, %get3A_1913 : vector<16xf32>
        %mul3A_1915 = arith.mulf %get3A_1913, %get3A_1913 : vector<16xf32>
        %add3A_1916 = arith.addf %scan3A_1880, %mul3A_1915 : vector<16xf32>
        %mul3A_1917 = arith.constant 2 : i32
        %mul3A_1918 = arith.muli %mul3A_1917, %scan3A_1870 : i32
        %add3A_1919 = arith.constant 0 : i32
        %add3A_1920 = arith.addi %mul3A_1918, %add3A_1919 : i32
        %mul3A_1921 = arith.constant 16 : i32
        %mul3A_1922 = arith.muli %add3A_1920, %mul3A_1921 : i32
        %get3A_1923 = arith.constant 2 : i32
        %get3A_1924 = arith.index_cast %rem3A_1513 : i32 to index
        %get3A_1925 = arith.index_cast %get3A_1923 : i32 to index
        %get3A_1926 = arith.index_cast %mul3A_1922 : i32 to index
        %get3A_1927 = tpu.vector_load %arg4[%get3A_1924, %get3A_1925, %get3A_1926] {strides = array<i32>} : memref<4x8x2048xf32, #tpu.memory_space<vmem>>, vector<1x1x16xf32>,
        %get3A_1928 = vector.shape_cast %get3A_1927 : vector<1x1x16xf32> to vector<16xf32>
        %add3A_1929 = arith.addf %scan3A_1873, %get3A_1928 : vector<16xf32>
        %mul3A_1930 = arith.mulf %get3A_1928, %get3A_1928 : vector<16xf32>
        %add3A_1931 = arith.addf %scan3A_1881, %mul3A_1930 : vector<16xf32>
        %mul3A_1932 = arith.constant 2 : i32
        %mul3A_1933 = arith.muli %mul3A_1932, %scan3A_1870 : i32
        %add3A_1934 = arith.constant 0 : i32
        %add3A_1935 = arith.addi %mul3A_1933, %add3A_1934 : i32
        %mul3A_1936 = arith.constant 16 : i32
        %mul3A_1937 = arith.muli %add3A_1935, %mul3A_1936 : i32
        %get3A_1938 = arith.constant 3 : i32
        %get3A_1939 = arith.index_cast %rem3A_1513 : i32 to index
        %get3A_1940 = arith.index_cast %get3A_1938 : i32 to index
        %get3A_1941 = arith.index_cast %mul3A_1937 : i32 to index
        %get3A_1942 = tpu.vector_load %arg4[%get3A_1939, %get3A_1940, %get3A_1941] {strides = array<i32>} : memref<4x8x2048xf32, #tpu.memory_space<vmem>>, vector<1x1x16xf32>,
        %get3A_1943 = vector.shape_cast %get3A_1942 : vector<1x1x16xf32> to vector<16xf32>
        %add3A_1944 = arith.addf %scan3A_1874, %get3A_1943 : vector<16xf32>
        %mul3A_1945 = arith.mulf %get3A_1943, %get3A_1943 : vector<16xf32>
        %add3A_1946 = arith.addf %scan3A_1882, %mul3A_1945 : vector<16xf32>
        %mul3A_1947 = arith.constant 2 : i32
        %mul3A_1948 = arith.muli %mul3A_1947, %scan3A_1870 : i32
        %add3A_1949 = arith.constant 0 : i32
        %add3A_1950 = arith.addi %mul3A_1948, %add3A_1949 : i32
        %mul3A_1951 = arith.constant 16 : i32
        %mul3A_1952 = arith.muli %add3A_1950, %mul3A_1951 : i32
        %get3A_1953 = arith.constant 4 : i32
        %get3A_1954 = arith.index_cast %rem3A_1513 : i32 to index
        %get3A_1955 = arith.index_cast %get3A_1953 : i32 to index
        %get3A_1956 = arith.index_cast %mul3A_1952 : i32 to index
        %get3A_1957 = tpu.vector_load %arg4[%get3A_1954, %get3A_1955, %get3A_1956] {strides = array<i32>} : memref<4x8x2048xf32, #tpu.memory_space<vmem>>, vector<1x1x16xf32>,
        %get3A_1958 = vector.shape_cast %get3A_1957 : vector<1x1x16xf32> to vector<16xf32>
        %add3A_1959 = arith.addf %scan3A_1875, %get3A_1958 : vector<16xf32>
        %mul3A_1960 = arith.mulf %get3A_1958, %get3A_1958 : vector<16xf32>
        %add3A_1961 = arith.addf %scan3A_1883, %mul3A_1960 : vector<16xf32>
        %mul3A_1962 = arith.constant 2 : i32
        %mul3A_1963 = arith.muli %mul3A_1962, %scan3A_1870 : i32
        %add3A_1964 = arith.constant 0 : i32
        %add3A_1965 = arith.addi %mul3A_1963, %add3A_1964 : i32
        %mul3A_1966 = arith.constant 16 : i32
        %mul3A_1967 = arith.muli %add3A_1965, %mul3A_1966 : i32
        %get3A_1968 = arith.constant 5 : i32
        %get3A_1969 = arith.index_cast %rem3A_1513 : i32 to index
        %get3A_1970 = arith.index_cast %get3A_1968 : i32 to index
        %get3A_1971 = arith.index_cast %mul3A_1967 : i32 to index
        %get3A_1972 = tpu.vector_load %arg4[%get3A_1969, %get3A_1970, %get3A_1971] {strides = array<i32>} : memref<4x8x2048xf32, #tpu.memory_space<vmem>>, vector<1x1x16xf32>,
        %get3A_1973 = vector.shape_cast %get3A_1972 : vector<1x1x16xf32> to vector<16xf32>
        %add3A_1974 = arith.addf %scan3A_1876, %get3A_1973 : vector<16xf32>
        %mul3A_1975 = arith.mulf %get3A_1973, %get3A_1973 : vector<16xf32>
        %add3A_1976 = arith.addf %scan3A_1884, %mul3A_1975 : vector<16xf32>
        %mul3A_1977 = arith.constant 2 : i32
        %mul3A_1978 = arith.muli %mul3A_1977, %scan3A_1870 : i32
        %add3A_1979 = arith.constant 0 : i32
        %add3A_1980 = arith.addi %mul3A_1978, %add3A_1979 : i32
        %mul3A_1981 = arith.constant 16 : i32
        %mul3A_1982 = arith.muli %add3A_1980, %mul3A_1981 : i32
        %get3A_1983 = arith.constant 6 : i32
        %get3A_1984 = arith.index_cast %rem3A_1513 : i32 to index
        %get3A_1985 = arith.index_cast %get3A_1983 : i32 to index
        %get3A_1986 = arith.index_cast %mul3A_1982 : i32 to index
        %get3A_1987 = tpu.vector_load %arg4[%get3A_1984, %get3A_1985, %get3A_1986] {strides = array<i32>} : memref<4x8x2048xf32, #tpu.memory_space<vmem>>, vector<1x1x16xf32>,
        %get3A_1988 = vector.shape_cast %get3A_1987 : vector<1x1x16xf32> to vector<16xf32>
        %add3A_1989 = arith.addf %scan3A_1877, %get3A_1988 : vector<16xf32>
        %mul3A_1990 = arith.mulf %get3A_1988, %get3A_1988 : vector<16xf32>
        %add3A_1991 = arith.addf %scan3A_1885, %mul3A_1990 : vector<16xf32>
        %mul3A_1992 = arith.constant 2 : i32
        %mul3A_1993 = arith.muli %mul3A_1992, %scan3A_1870 : i32
        %add3A_1994 = arith.constant 0 : i32
        %add3A_1995 = arith.addi %mul3A_1993, %add3A_1994 : i32
        %mul3A_1996 = arith.constant 16 : i32
        %mul3A_1997 = arith.muli %add3A_1995, %mul3A_1996 : i32
        %get3A_1998 = arith.constant 7 : i32
        %get3A_1999 = arith.index_cast %rem3A_1513 : i32 to index
        %get3A_2000 = arith.index_cast %get3A_1998 : i32 to index
        %get3A_2001 = arith.index_cast %mul3A_1997 : i32 to index
        %get3A_2002 = tpu.vector_load %arg4[%get3A_1999, %get3A_2000, %get3A_2001] {strides = array<i32>} : memref<4x8x2048xf32, #tpu.memory_space<vmem>>, vector<1x1x16xf32>,
        %get3A_2003 = vector.shape_cast %get3A_2002 : vector<1x1x16xf32> to vector<16xf32>
        %add3A_2004 = arith.addf %scan3A_1878, %get3A_2003 : vector<16xf32>
        %mul3A_2005 = arith.mulf %get3A_2003, %get3A_2003 : vector<16xf32>
        %add3A_2006 = arith.addf %scan3A_1886, %mul3A_2005 : vector<16xf32>
        %mul3A_2007 = arith.constant 2 : i32
        %mul3A_2008 = arith.muli %mul3A_2007, %scan3A_1870 : i32
        %add3A_2009 = arith.constant 1 : i32
        %add3A_2010 = arith.addi %mul3A_2008, %add3A_2009 : i32
        %mul3A_2011 = arith.constant 16 : i32
        %mul3A_2012 = arith.muli %add3A_2010, %mul3A_2011 : i32
        %get3A_2013 = arith.constant 0 : i32
        %get3A_2014 = arith.index_cast %rem3A_1513 : i32 to index
        %get3A_2015 = arith.index_cast %get3A_2013 : i32 to index
        %get3A_2016 = arith.index_cast %mul3A_2012 : i32 to index
        %get3A_2017 = tpu.vector_load %arg4[%get3A_2014, %get3A_2015, %get3A_2016] {strides = array<i32>} : memref<4x8x2048xf32, #tpu.memory_space<vmem>>, vector<1x1x16xf32>,
        %get3A_2018 = vector.shape_cast %get3A_2017 : vector<1x1x16xf32> to vector<16xf32>
        %add3A_2019 = arith.addf %add3A_1899, %get3A_2018 : vector<16xf32>
        %mul3A_2020 = arith.mulf %get3A_2018, %get3A_2018 : vector<16xf32>
        %add3A_2021 = arith.addf %add3A_1901, %mul3A_2020 : vector<16xf32>
        %mul3A_2022 = arith.constant 2 : i32
        %mul3A_2023 = arith.muli %mul3A_2022, %scan3A_1870 : i32
        %add3A_2024 = arith.constant 1 : i32
        %add3A_2025 = arith.addi %mul3A_2023, %add3A_2024 : i32
        %mul3A_2026 = arith.constant 16 : i32
        %mul3A_2027 = arith.muli %add3A_2025, %mul3A_2026 : i32
        %get3A_2028 = arith.constant 1 : i32
        %get3A_2029 = arith.index_cast %rem3A_1513 : i32 to index
        %get3A_2030 = arith.index_cast %get3A_2028 : i32 to index
        %get3A_2031 = arith.index_cast %mul3A_2027 : i32 to index
        %get3A_2032 = tpu.vector_load %arg4[%get3A_2029, %get3A_2030, %get3A_2031] {strides = array<i32>} : memref<4x8x2048xf32, #tpu.memory_space<vmem>>, vector<1x1x16xf32>,
        %get3A_2033 = vector.shape_cast %get3A_2032 : vector<1x1x16xf32> to vector<16xf32>
        %add3A_2034 = arith.addf %add3A_1914, %get3A_2033 : vector<16xf32>
        %mul3A_2035 = arith.mulf %get3A_2033, %get3A_2033 : vector<16xf32>
        %add3A_2036 = arith.addf %add3A_1916, %mul3A_2035 : vector<16xf32>
        %mul3A_2037 = arith.constant 2 : i32
        %mul3A_2038 = arith.muli %mul3A_2037, %scan3A_1870 : i32
        %add3A_2039 = arith.constant 1 : i32
        %add3A_2040 = arith.addi %mul3A_2038, %add3A_2039 : i32
        %mul3A_2041 = arith.constant 16 : i32
        %mul3A_2042 = arith.muli %add3A_2040, %mul3A_2041 : i32
        %get3A_2043 = arith.constant 2 : i32
        %get3A_2044 = arith.index_cast %rem3A_1513 : i32 to index
        %get3A_2045 = arith.index_cast %get3A_2043 : i32 to index
        %get3A_2046 = arith.index_cast %mul3A_2042 : i32 to index
        %get3A_2047 = tpu.vector_load %arg4[%get3A_2044, %get3A_2045, %get3A_2046] {strides = array<i32>} : memref<4x8x2048xf32, #tpu.memory_space<vmem>>, vector<1x1x16xf32>,
        %get3A_2048 = vector.shape_cast %get3A_2047 : vector<1x1x16xf32> to vector<16xf32>
        %add3A_2049 = arith.addf %add3A_1929, %get3A_2048 : vector<16xf32>
        %mul3A_2050 = arith.mulf %get3A_2048, %get3A_2048 : vector<16xf32>
        %add3A_2051 = arith.addf %add3A_1931, %mul3A_2050 : vector<16xf32>
        %mul3A_2052 = arith.constant 2 : i32
        %mul3A_2053 = arith.muli %mul3A_2052, %scan3A_1870 : i32
        %add3A_2054 = arith.constant 1 : i32
        %add3A_2055 = arith.addi %mul3A_2053, %add3A_2054 : i32
        %mul3A_2056 = arith.constant 16 : i32
        %mul3A_2057 = arith.muli %add3A_2055, %mul3A_2056 : i32
        %get3A_2058 = arith.constant 3 : i32
        %get3A_2059 = arith.index_cast %rem3A_1513 : i32 to index
        %get3A_2060 = arith.index_cast %get3A_2058 : i32 to index
        %get3A_2061 = arith.index_cast %mul3A_2057 : i32 to index
        %get3A_2062 = tpu.vector_load %arg4[%get3A_2059, %get3A_2060, %get3A_2061] {strides = array<i32>} : memref<4x8x2048xf32, #tpu.memory_space<vmem>>, vector<1x1x16xf32>,
        %get3A_2063 = vector.shape_cast %get3A_2062 : vector<1x1x16xf32> to vector<16xf32>
        %add3A_2064 = arith.addf %add3A_1944, %get3A_2063 : vector<16xf32>
        %mul3A_2065 = arith.mulf %get3A_2063, %get3A_2063 : vector<16xf32>
        %add3A_2066 = arith.addf %add3A_1946, %mul3A_2065 : vector<16xf32>
        %mul3A_2067 = arith.constant 2 : i32
        %mul3A_2068 = arith.muli %mul3A_2067, %scan3A_1870 : i32
        %add3A_2069 = arith.constant 1 : i32
        %add3A_2070 = arith.addi %mul3A_2068, %add3A_2069 : i32
        %mul3A_2071 = arith.constant 16 : i32
        %mul3A_2072 = arith.muli %add3A_2070, %mul3A_2071 : i32
        %get3A_2073 = arith.constant 4 : i32
        %get3A_2074 = arith.index_cast %rem3A_1513 : i32 to index
        %get3A_2075 = arith.index_cast %get3A_2073 : i32 to index
        %get3A_2076 = arith.index_cast %mul3A_2072 : i32 to index
        %get3A_2077 = tpu.vector_load %arg4[%get3A_2074, %get3A_2075, %get3A_2076] {strides = array<i32>} : memref<4x8x2048xf32, #tpu.memory_space<vmem>>, vector<1x1x16xf32>,
        %get3A_2078 = vector.shape_cast %get3A_2077 : vector<1x1x16xf32> to vector<16xf32>
        %add3A_2079 = arith.addf %add3A_1959, %get3A_2078 : vector<16xf32>
        %mul3A_2080 = arith.mulf %get3A_2078, %get3A_2078 : vector<16xf32>
        %add3A_2081 = arith.addf %add3A_1961, %mul3A_2080 : vector<16xf32>
        %mul3A_2082 = arith.constant 2 : i32
        %mul3A_2083 = arith.muli %mul3A_2082, %scan3A_1870 : i32
        %add3A_2084 = arith.constant 1 : i32
        %add3A_2085 = arith.addi %mul3A_2083, %add3A_2084 : i32
        %mul3A_2086 = arith.constant 16 : i32
        %mul3A_2087 = arith.muli %add3A_2085, %mul3A_2086 : i32
        %get3A_2088 = arith.constant 5 : i32
        %get3A_2089 = arith.index_cast %rem3A_1513 : i32 to index
        %get3A_2090 = arith.index_cast %get3A_2088 : i32 to index
        %get3A_2091 = arith.index_cast %mul3A_2087 : i32 to index
        %get3A_2092 = tpu.vector_load %arg4[%get3A_2089, %get3A_2090, %get3A_2091] {strides = array<i32>} : memref<4x8x2048xf32, #tpu.memory_space<vmem>>, vector<1x1x16xf32>,
        %get3A_2093 = vector.shape_cast %get3A_2092 : vector<1x1x16xf32> to vector<16xf32>
        %add3A_2094 = arith.addf %add3A_1974, %get3A_2093 : vector<16xf32>
        %mul3A_2095 = arith.mulf %get3A_2093, %get3A_2093 : vector<16xf32>
        %add3A_2096 = arith.addf %add3A_1976, %mul3A_2095 : vector<16xf32>
        %mul3A_2097 = arith.constant 2 : i32
        %mul3A_2098 = arith.muli %mul3A_2097, %scan3A_1870 : i32
        %add3A_2099 = arith.constant 1 : i32
        %add3A_2100 = arith.addi %mul3A_2098, %add3A_2099 : i32
        %mul3A_2101 = arith.constant 16 : i32
        %mul3A_2102 = arith.muli %add3A_2100, %mul3A_2101 : i32
        %get3A_2103 = arith.constant 6 : i32
        %get3A_2104 = arith.index_cast %rem3A_1513 : i32 to index
        %get3A_2105 = arith.index_cast %get3A_2103 : i32 to index
        %get3A_2106 = arith.index_cast %mul3A_2102 : i32 to index
        %get3A_2107 = tpu.vector_load %arg4[%get3A_2104, %get3A_2105, %get3A_2106] {strides = array<i32>} : memref<4x8x2048xf32, #tpu.memory_space<vmem>>, vector<1x1x16xf32>,
        %get3A_2108 = vector.shape_cast %get3A_2107 : vector<1x1x16xf32> to vector<16xf32>
        %add3A_2109 = arith.addf %add3A_1989, %get3A_2108 : vector<16xf32>
        %mul3A_2110 = arith.mulf %get3A_2108, %get3A_2108 : vector<16xf32>
        %add3A_2111 = arith.addf %add3A_1991, %mul3A_2110 : vector<16xf32>
        %mul3A_2112 = arith.constant 2 : i32
        %mul3A_2113 = arith.muli %mul3A_2112, %scan3A_1870 : i32
        %add3A_2114 = arith.constant 1 : i32
        %add3A_2115 = arith.addi %mul3A_2113, %add3A_2114 : i32
        %mul3A_2116 = arith.constant 16 : i32
        %mul3A_2117 = arith.muli %add3A_2115, %mul3A_2116 : i32
        %get3A_2118 = arith.constant 7 : i32
        %get3A_2119 = arith.index_cast %rem3A_1513 : i32 to index
        %get3A_2120 = arith.index_cast %get3A_2118 : i32 to index
        %get3A_2121 = arith.index_cast %mul3A_2117 : i32 to index
        %get3A_2122 = tpu.vector_load %arg4[%get3A_2119, %get3A_2120, %get3A_2121] {strides = array<i32>} : memref<4x8x2048xf32, #tpu.memory_space<vmem>>, vector<1x1x16xf32>,
        %get3A_2123 = vector.shape_cast %get3A_2122 : vector<1x1x16xf32> to vector<16xf32>
        %add3A_2124 = arith.addf %add3A_2004, %get3A_2123 : vector<16xf32>
        %mul3A_2125 = arith.mulf %get3A_2123, %get3A_2123 : vector<16xf32>
        %add3A_2126 = arith.addf %add3A_2006, %mul3A_2125 : vector<16xf32>
        scf.yield %add3A_2019, %add3A_2034, %add3A_2049, %add3A_2064, %add3A_2079, %add3A_2094, %add3A_2109, %add3A_2124, %add3A_2021, %add3A_2036, %add3A_2051, %add3A_2066, %add3A_2081, %add3A_2096, %add3A_2111, %add3A_2126 : vector<16xf32>, vector<16xf32>, vector<16xf32>, vector<16xf32>, vector<16xf32>, vector<16xf32>, vector<16xf32>, vector<16xf32>, vector<16xf32>, vector<16xf32>, vector<16xf32>, vector<16xf32>, vector<16xf32>, vector<16xf32>, vector<16xf32>, vector<16xf32>
      }
      %scan3A_1616 = arith.constant 64 : i32
      %add3A_1617 = arith.addi %select_n3A, %while3A_1511 : i32
      %jit3A_1618 = arith.constant 6 : i32
      %div3A_1619 = arith.divsi %add3A_1617, %jit3A_1618 : i32
      %sign3A_1620 = arith.constant 0 : i32
      %sign3A_1621 = arith.cmpi sgt, %add3A_1617, %sign3A_1620 : i32
      %sign3A_1622 = arith.extui %sign3A_1621 : i1 to i32
      %sign3A_1623 = arith.constant 0 : i32
      %sign3A_1624 = arith.cmpi slt, %add3A_1617, %sign3A_1623 : i32
      %sign3A_1625 = arith.extui %sign3A_1624 : i1 to i32
      %sign3A_1626 = arith.subi %sign3A_1622, %sign3A_1625 : i32
      %sign3A_1627 = arith.constant 0 : i32
      %sign3A_1628 = arith.cmpi sgt, %jit3A_1618, %sign3A_1627 : i32
      %sign3A_1629 = arith.extui %sign3A_1628 : i1 to i32
      %sign3A_1630 = arith.constant 0 : i32
      %sign3A_1631 = arith.cmpi slt, %jit3A_1618, %sign3A_1630 : i32
      %sign3A_1632 = arith.extui %sign3A_1631 : i1 to i32
      %sign3A_1633 = arith.subi %sign3A_1629, %sign3A_1632 : i32
      %ne3A_1634 = arith.cmpi ne, %sign3A_1626, %sign3A_1633 : i32
      %rem3A_1635 = arith.remsi %add3A_1617, %jit3A_1618 : i32
      %ne3A_1636 = arith.constant 0 : i32
      %ne3A_1637 = arith.cmpi ne, %rem3A_1635, %ne3A_1636 : i32
      %and3A_1638 = arith.andi %ne3A_1634, %ne3A_1637 : i1
      %sub3A_1639 = arith.constant 1 : i32
      %sub3A_1640 = arith.subi %div3A_1619, %sub3A_1639 : i32
      %select_n3A_1641 = arith.select %and3A_1638, %sub3A_1640, %div3A_1619 : i32
      %sub3A_1642 = arith.subi %select_n3A_1641, %select_n3A_71 : i32
      %get3A = arith.constant 0 : i32
      %get3A_1643 = arith.index_cast %sub3A_1642 : i32 to index
      %get3A_1644 = arith.index_cast %get3A : i32 to index
      %get3A_1645 = arith.constant 0 : index
      %get3A_1646 = tpu.vector_load %arg5[%get3A_1643, %get3A_1644, %get3A_1645] {strides = array<i32>} : memref<8x8x16xf32, #tpu.memory_space<vmem>>, vector<1x1x16xf32>,
      %get3A_1647 = vector.shape_cast %get3A_1646 : vector<1x1x16xf32> to vector<16xf32>
      %add3A_1648 = arith.addf %get3A_1647, %scan3A_1615#0 : vector<16xf32>
      %swap3A_1649 = arith.constant 0 : i32
      %swap3A_1650 = arith.index_cast %sub3A_1642 : i32 to index
      %swap3A_1651 = arith.index_cast %swap3A_1649 : i32 to index
      %swap3A_1652 = arith.constant 0 : index
      %swap3A_1653 = tpu.vector_load %arg5[%swap3A_1650, %swap3A_1651, %swap3A_1652] {strides = array<i32>} : memref<8x8x16xf32, #tpu.memory_space<vmem>>, vector<1x1x16xf32>,
      %swap3A_1654 = vector.shape_cast %swap3A_1653 : vector<1x1x16xf32> to vector<16xf32>
      %swap3A_1655 = vector.shape_cast %add3A_1648 : vector<16xf32> to vector<1x1x16xf32>
      tpu.vector_store %arg5[%swap3A_1650, %swap3A_1651, %swap3A_1652], %swap3A_1655 {strides = array<i32>} : memref<8x8x16xf32, #tpu.memory_space<vmem>>, vector<1x1x16xf32>,
      %get3A_1656 = arith.constant 0 : i32
      %get3A_1657 = arith.index_cast %sub3A_1642 : i32 to index
      %get3A_1658 = arith.index_cast %get3A_1656 : i32 to index
      %get3A_1659 = arith.constant 0 : index
      %get3A_1660 = tpu.vector_load %arg6[%get3A_1657, %get3A_1658, %get3A_1659] {strides = array<i32>} : memref<8x8x16xf32, #tpu.memory_space<vmem>>, vector<1x1x16xf32>,
      %get3A_1661 = vector.shape_cast %get3A_1660 : vector<1x1x16xf32> to vector<16xf32>
      %add3A_1662 = arith.addf %get3A_1661, %scan3A_1615#8 : vector<16xf32>
      %swap3A_1663 = arith.constant 0 : i32
      %swap3A_1664 = arith.index_cast %sub3A_1642 : i32 to index
      %swap3A_1665 = arith.index_cast %swap3A_1663 : i32 to index
      %swap3A_1666 = arith.constant 0 : index
      %swap3A_1667 = tpu.vector_load %arg6[%swap3A_1664, %swap3A_1665, %swap3A_1666] {strides = array<i32>} : memref<8x8x16xf32, #tpu.memory_space<vmem>>, vector<1x1x16xf32>,
      %swap3A_1668 = vector.shape_cast %swap3A_1667 : vector<1x1x16xf32> to vector<16xf32>
      %swap3A_1669 = vector.shape_cast %add3A_1662 : vector<16xf32> to vector<1x1x16xf32>
      tpu.vector_store %arg6[%swap3A_1664, %swap3A_1665, %swap3A_1666], %swap3A_1669 {strides = array<i32>} : memref<8x8x16xf32, #tpu.memory_space<vmem>>, vector<1x1x16xf32>,
      %get3A_1670 = arith.constant 1 : i32
      %get3A_1671 = arith.index_cast %sub3A_1642 : i32 to index
      %get3A_1672 = arith.index_cast %get3A_1670 : i32 to index
      %get3A_1673 = arith.constant 0 : index
      %get3A_1674 = tpu.vector_load %arg5[%get3A_1671, %get3A_1672, %get3A_1673] {strides = array<i32>} : memref<8x8x16xf32, #tpu.memory_space<vmem>>, vector<1x1x16xf32>,
      %get3A_1675 = vector.shape_cast %get3A_1674 : vector<1x1x16xf32> to vector<16xf32>
      %add3A_1676 = arith.addf %get3A_1675, %scan3A_1615#1 : vector<16xf32>
      %swap3A_1677 = arith.constant 1 : i32
      %swap3A_1678 = arith.index_cast %sub3A_1642 : i32 to index
      %swap3A_1679 = arith.index_cast %swap3A_1677 : i32 to index
      %swap3A_1680 = arith.constant 0 : index
      %swap3A_1681 = tpu.vector_load %arg5[%swap3A_1678, %swap3A_1679, %swap3A_1680] {strides = array<i32>} : memref<8x8x16xf32, #tpu.memory_space<vmem>>, vector<1x1x16xf32>,
      %swap3A_1682 = vector.shape_cast %swap3A_1681 : vector<1x1x16xf32> to vector<16xf32>
      %swap3A_1683 = vector.shape_cast %add3A_1676 : vector<16xf32> to vector<1x1x16xf32>
      tpu.vector_store %arg5[%swap3A_1678, %swap3A_1679, %swap3A_1680], %swap3A_1683 {strides = array<i32>} : memref<8x8x16xf32, #tpu.memory_space<vmem>>, vector<1x1x16xf32>,
      %get3A_1684 = arith.constant 1 : i32
      %get3A_1685 = arith.index_cast %sub3A_1642 : i32 to index
      %get3A_1686 = arith.index_cast %get3A_1684 : i32 to index
      %get3A_1687 = arith.constant 0 : index
      %get3A_1688 = tpu.vector_load %arg6[%get3A_1685, %get3A_1686, %get3A_1687] {strides = array<i32>} : memref<8x8x16xf32, #tpu.memory_space<vmem>>, vector<1x1x16xf32>,
      %get3A_1689 = vector.shape_cast %get3A_1688 : vector<1x1x16xf32> to vector<16xf32>
      %add3A_1690 = arith.addf %get3A_1689, %scan3A_1615#9 : vector<16xf32>
      %swap3A_1691 = arith.constant 1 : i32
      %swap3A_1692 = arith.index_cast %sub3A_1642 : i32 to index
      %swap3A_1693 = arith.index_cast %swap3A_1691 : i32 to index
      %swap3A_1694 = arith.constant 0 : index
      %swap3A_1695 = tpu.vector_load %arg6[%swap3A_1692, %swap3A_1693, %swap3A_1694] {strides = array<i32>} : memref<8x8x16xf32, #tpu.memory_space<vmem>>, vector<1x1x16xf32>,
      %swap3A_1696 = vector.shape_cast %swap3A_1695 : vector<1x1x16xf32> to vector<16xf32>
      %swap3A_1697 = vector.shape_cast %add3A_1690 : vector<16xf32> to vector<1x1x16xf32>
      tpu.vector_store %arg6[%swap3A_1692, %swap3A_1693, %swap3A_1694], %swap3A_1697 {strides = array<i32>} : memref<8x8x16xf32, #tpu.memory_space<vmem>>, vector<1x1x16xf32>,
      %get3A_1698 = arith.constant 2 : i32
      %get3A_1699 = arith.index_cast %sub3A_1642 : i32 to index
      %get3A_1700 = arith.index_cast %get3A_1698 : i32 to index
      %get3A_1701 = arith.constant 0 : index
      %get3A_1702 = tpu.vector_load %arg5[%get3A_1699, %get3A_1700, %get3A_1701] {strides = array<i32>} : memref<8x8x16xf32, #tpu.memory_space<vmem>>, vector<1x1x16xf32>,
      %get3A_1703 = vector.shape_cast %get3A_1702 : vector<1x1x16xf32> to vector<16xf32>
      %add3A_1704 = arith.addf %get3A_1703, %scan3A_1615#2 : vector<16xf32>
      %swap3A_1705 = arith.constant 2 : i32
      %swap3A_1706 = arith.index_cast %sub3A_1642 : i32 to index
      %swap3A_1707 = arith.index_cast %swap3A_1705 : i32 to index
      %swap3A_1708 = arith.constant 0 : index
      %swap3A_1709 = tpu.vector_load %arg5[%swap3A_1706, %swap3A_1707, %swap3A_1708] {strides = array<i32>} : memref<8x8x16xf32, #tpu.memory_space<vmem>>, vector<1x1x16xf32>,
      %swap3A_1710 = vector.shape_cast %swap3A_1709 : vector<1x1x16xf32> to vector<16xf32>
      %swap3A_1711 = vector.shape_cast %add3A_1704 : vector<16xf32> to vector<1x1x16xf32>
      tpu.vector_store %arg5[%swap3A_1706, %swap3A_1707, %swap3A_1708], %swap3A_1711 {strides = array<i32>} : memref<8x8x16xf32, #tpu.memory_space<vmem>>, vector<1x1x16xf32>,
      %get3A_1712 = arith.constant 2 : i32
      %get3A_1713 = arith.index_cast %sub3A_1642 : i32 to index
      %get3A_1714 = arith.index_cast %get3A_1712 : i32 to index
      %get3A_1715 = arith.constant 0 : index
      %get3A_1716 = tpu.vector_load %arg6[%get3A_1713, %get3A_1714, %get3A_1715] {strides = array<i32>} : memref<8x8x16xf32, #tpu.memory_space<vmem>>, vector<1x1x16xf32>,
      %get3A_1717 = vector.shape_cast %get3A_1716 : vector<1x1x16xf32> to vector<16xf32>
      %add3A_1718 = arith.addf %get3A_1717, %scan3A_1615#10 : vector<16xf32>
      %swap3A_1719 = arith.constant 2 : i32
      %swap3A_1720 = arith.index_cast %sub3A_1642 : i32 to index
      %swap3A_1721 = arith.index_cast %swap3A_1719 : i32 to index
      %swap3A_1722 = arith.constant 0 : index
      %swap3A_1723 = tpu.vector_load %arg6[%swap3A_1720, %swap3A_1721, %swap3A_1722] {strides = array<i32>} : memref<8x8x16xf32, #tpu.memory_space<vmem>>, vector<1x1x16xf32>,
      %swap3A_1724 = vector.shape_cast %swap3A_1723 : vector<1x1x16xf32> to vector<16xf32>
      %swap3A_1725 = vector.shape_cast %add3A_1718 : vector<16xf32> to vector<1x1x16xf32>
      tpu.vector_store %arg6[%swap3A_1720, %swap3A_1721, %swap3A_1722], %swap3A_1725 {strides = array<i32>} : memref<8x8x16xf32, #tpu.memory_space<vmem>>, vector<1x1x16xf32>,
      %get3A_1726 = arith.constant 3 : i32
      %get3A_1727 = arith.index_cast %sub3A_1642 : i32 to index
      %get3A_1728 = arith.index_cast %get3A_1726 : i32 to index
      %get3A_1729 = arith.constant 0 : index
      %get3A_1730 = tpu.vector_load %arg5[%get3A_1727, %get3A_1728, %get3A_1729] {strides = array<i32>} : memref<8x8x16xf32, #tpu.memory_space<vmem>>, vector<1x1x16xf32>,
      %get3A_1731 = vector.shape_cast %get3A_1730 : vector<1x1x16xf32> to vector<16xf32>
      %add3A_1732 = arith.addf %get3A_1731, %scan3A_1615#3 : vector<16xf32>
      %swap3A_1733 = arith.constant 3 : i32
      %swap3A_1734 = arith.index_cast %sub3A_1642 : i32 to index
      %swap3A_1735 = arith.index_cast %swap3A_1733 : i32 to index
      %swap3A_1736 = arith.constant 0 : index
      %swap3A_1737 = tpu.vector_load %arg5[%swap3A_1734, %swap3A_1735, %swap3A_1736] {strides = array<i32>} : memref<8x8x16xf32, #tpu.memory_space<vmem>>, vector<1x1x16xf32>,
      %swap3A_1738 = vector.shape_cast %swap3A_1737 : vector<1x1x16xf32> to vector<16xf32>
      %swap3A_1739 = vector.shape_cast %add3A_1732 : vector<16xf32> to vector<1x1x16xf32>
      tpu.vector_store %arg5[%swap3A_1734, %swap3A_1735, %swap3A_1736], %swap3A_1739 {strides = array<i32>} : memref<8x8x16xf32, #tpu.memory_space<vmem>>, vector<1x1x16xf32>,
      %get3A_1740 = arith.constant 3 : i32
      %get3A_1741 = arith.index_cast %sub3A_1642 : i32 to index
      %get3A_1742 = arith.index_cast %get3A_1740 : i32 to index
      %get3A_1743 = arith.constant 0 : index
      %get3A_1744 = tpu.vector_load %arg6[%get3A_1741, %get3A_1742, %get3A_1743] {strides = array<i32>} : memref<8x8x16xf32, #tpu.memory_space<vmem>>, vector<1x1x16xf32>,
      %get3A_1745 = vector.shape_cast %get3A_1744 : vector<1x1x16xf32> to vector<16xf32>
      %add3A_1746 = arith.addf %get3A_1745, %scan3A_1615#11 : vector<16xf32>
      %swap3A_1747 = arith.constant 3 : i32
      %swap3A_1748 = arith.index_cast %sub3A_1642 : i32 to index
      %swap3A_1749 = arith.index_cast %swap3A_1747 : i32 to index
      %swap3A_1750 = arith.constant 0 : index
      %swap3A_1751 = tpu.vector_load %arg6[%swap3A_1748, %swap3A_1749, %swap3A_1750] {strides = array<i32>} : memref<8x8x16xf32, #tpu.memory_space<vmem>>, vector<1x1x16xf32>,
      %swap3A_1752 = vector.shape_cast %swap3A_1751 : vector<1x1x16xf32> to vector<16xf32>
      %swap3A_1753 = vector.shape_cast %add3A_1746 : vector<16xf32> to vector<1x1x16xf32>
      tpu.vector_store %arg6[%swap3A_1748, %swap3A_1749, %swap3A_1750], %swap3A_1753 {strides = array<i32>} : memref<8x8x16xf32, #tpu.memory_space<vmem>>, vector<1x1x16xf32>,
      %get3A_1754 = arith.constant 4 : i32
      %get3A_1755 = arith.index_cast %sub3A_1642 : i32 to index
      %get3A_1756 = arith.index_cast %get3A_1754 : i32 to index
      %get3A_1757 = arith.constant 0 : index
      %get3A_1758 = tpu.vector_load %arg5[%get3A_1755, %get3A_1756, %get3A_1757] {strides = array<i32>} : memref<8x8x16xf32, #tpu.memory_space<vmem>>, vector<1x1x16xf32>,
      %get3A_1759 = vector.shape_cast %get3A_1758 : vector<1x1x16xf32> to vector<16xf32>
      %add3A_1760 = arith.addf %get3A_1759, %scan3A_1615#4 : vector<16xf32>
      %swap3A_1761 = arith.constant 4 : i32
      %swap3A_1762 = arith.index_cast %sub3A_1642 : i32 to index
      %swap3A_1763 = arith.index_cast %swap3A_1761 : i32 to index
      %swap3A_1764 = arith.constant 0 : index
      %swap3A_1765 = tpu.vector_load %arg5[%swap3A_1762, %swap3A_1763, %swap3A_1764] {strides = array<i32>} : memref<8x8x16xf32, #tpu.memory_space<vmem>>, vector<1x1x16xf32>,
      %swap3A_1766 = vector.shape_cast %swap3A_1765 : vector<1x1x16xf32> to vector<16xf32>
      %swap3A_1767 = vector.shape_cast %add3A_1760 : vector<16xf32> to vector<1x1x16xf32>
      tpu.vector_store %arg5[%swap3A_1762, %swap3A_1763, %swap3A_1764], %swap3A_1767 {strides = array<i32>} : memref<8x8x16xf32, #tpu.memory_space<vmem>>, vector<1x1x16xf32>,
      %get3A_1768 = arith.constant 4 : i32
      %get3A_1769 = arith.index_cast %sub3A_1642 : i32 to index
      %get3A_1770 = arith.index_cast %get3A_1768 : i32 to index
      %get3A_1771 = arith.constant 0 : index
      %get3A_1772 = tpu.vector_load %arg6[%get3A_1769, %get3A_1770, %get3A_1771] {strides = array<i32>} : memref<8x8x16xf32, #tpu.memory_space<vmem>>, vector<1x1x16xf32>,
      %get3A_1773 = vector.shape_cast %get3A_1772 : vector<1x1x16xf32> to vector<16xf32>
      %add3A_1774 = arith.addf %get3A_1773, %scan3A_1615#12 : vector<16xf32>
      %swap3A_1775 = arith.constant 4 : i32
      %swap3A_1776 = arith.index_cast %sub3A_1642 : i32 to index
      %swap3A_1777 = arith.index_cast %swap3A_1775 : i32 to index
      %swap3A_1778 = arith.constant 0 : index
      %swap3A_1779 = tpu.vector_load %arg6[%swap3A_1776, %swap3A_1777, %swap3A_1778] {strides = array<i32>} : memref<8x8x16xf32, #tpu.memory_space<vmem>>, vector<1x1x16xf32>,
      %swap3A_1780 = vector.shape_cast %swap3A_1779 : vector<1x1x16xf32> to vector<16xf32>
      %swap3A_1781 = vector.shape_cast %add3A_1774 : vector<16xf32> to vector<1x1x16xf32>
      tpu.vector_store %arg6[%swap3A_1776, %swap3A_1777, %swap3A_1778], %swap3A_1781 {strides = array<i32>} : memref<8x8x16xf32, #tpu.memory_space<vmem>>, vector<1x1x16xf32>,
      %get3A_1782 = arith.constant 5 : i32
      %get3A_1783 = arith.index_cast %sub3A_1642 : i32 to index
      %get3A_1784 = arith.index_cast %get3A_1782 : i32 to index
      %get3A_1785 = arith.constant 0 : index
      %get3A_1786 = tpu.vector_load %arg5[%get3A_1783, %get3A_1784, %get3A_1785] {strides = array<i32>} : memref<8x8x16xf32, #tpu.memory_space<vmem>>, vector<1x1x16xf32>,
      %get3A_1787 = vector.shape_cast %get3A_1786 : vector<1x1x16xf32> to vector<16xf32>
      %add3A_1788 = arith.addf %get3A_1787, %scan3A_1615#5 : vector<16xf32>
      %swap3A_1789 = arith.constant 5 : i32
      %swap3A_1790 = arith.index_cast %sub3A_1642 : i32 to index
      %swap3A_1791 = arith.index_cast %swap3A_1789 : i32 to index
      %swap3A_1792 = arith.constant 0 : index
      %swap3A_1793 = tpu.vector_load %arg5[%swap3A_1790, %swap3A_1791, %swap3A_1792] {strides = array<i32>} : memref<8x8x16xf32, #tpu.memory_space<vmem>>, vector<1x1x16xf32>,
      %swap3A_1794 = vector.shape_cast %swap3A_1793 : vector<1x1x16xf32> to vector<16xf32>
      %swap3A_1795 = vector.shape_cast %add3A_1788 : vector<16xf32> to vector<1x1x16xf32>
      tpu.vector_store %arg5[%swap3A_1790, %swap3A_1791, %swap3A_1792], %swap3A_1795 {strides = array<i32>} : memref<8x8x16xf32, #tpu.memory_space<vmem>>, vector<1x1x16xf32>,
      %get3A_1796 = arith.constant 5 : i32
      %get3A_1797 = arith.index_cast %sub3A_1642 : i32 to index
      %get3A_1798 = arith.index_cast %get3A_1796 : i32 to index
      %get3A_1799 = arith.constant 0 : index
      %get3A_1800 = tpu.vector_load %arg6[%get3A_1797, %get3A_1798, %get3A_1799] {strides = array<i32>} : memref<8x8x16xf32, #tpu.memory_space<vmem>>, vector<1x1x16xf32>,
      %get3A_1801 = vector.shape_cast %get3A_1800 : vector<1x1x16xf32> to vector<16xf32>
      %add3A_1802 = arith.addf %get3A_1801, %scan3A_1615#13 : vector<16xf32>
      %swap3A_1803 = arith.constant 5 : i32
      %swap3A_1804 = arith.index_cast %sub3A_1642 : i32 to index
      %swap3A_1805 = arith.index_cast %swap3A_1803 : i32 to index
      %swap3A_1806 = arith.constant 0 : index
      %swap3A_1807 = tpu.vector_load %arg6[%swap3A_1804, %swap3A_1805, %swap3A_1806] {strides = array<i32>} : memref<8x8x16xf32, #tpu.memory_space<vmem>>, vector<1x1x16xf32>,
      %swap3A_1808 = vector.shape_cast %swap3A_1807 : vector<1x1x16xf32> to vector<16xf32>
      %swap3A_1809 = vector.shape_cast %add3A_1802 : vector<16xf32> to vector<1x1x16xf32>
      tpu.vector_store %arg6[%swap3A_1804, %swap3A_1805, %swap3A_1806], %swap3A_1809 {strides = array<i32>} : memref<8x8x16xf32, #tpu.memory_space<vmem>>, vector<1x1x16xf32>,
      %get3A_1810 = arith.constant 6 : i32
      %get3A_1811 = arith.index_cast %sub3A_1642 : i32 to index
      %get3A_1812 = arith.index_cast %get3A_1810 : i32 to index
      %get3A_1813 = arith.constant 0 : index
      %get3A_1814 = tpu.vector_load %arg5[%get3A_1811, %get3A_1812, %get3A_1813] {strides = array<i32>} : memref<8x8x16xf32, #tpu.memory_space<vmem>>, vector<1x1x16xf32>,
      %get3A_1815 = vector.shape_cast %get3A_1814 : vector<1x1x16xf32> to vector<16xf32>
      %add3A_1816 = arith.addf %get3A_1815, %scan3A_1615#6 : vector<16xf32>
      %swap3A_1817 = arith.constant 6 : i32
      %swap3A_1818 = arith.index_cast %sub3A_1642 : i32 to index
      %swap3A_1819 = arith.index_cast %swap3A_1817 : i32 to index
      %swap3A_1820 = arith.constant 0 : index
      %swap3A_1821 = tpu.vector_load %arg5[%swap3A_1818, %swap3A_1819, %swap3A_1820] {strides = array<i32>} : memref<8x8x16xf32, #tpu.memory_space<vmem>>, vector<1x1x16xf32>,
      %swap3A_1822 = vector.shape_cast %swap3A_1821 : vector<1x1x16xf32> to vector<16xf32>
      %swap3A_1823 = vector.shape_cast %add3A_1816 : vector<16xf32> to vector<1x1x16xf32>
      tpu.vector_store %arg5[%swap3A_1818, %swap3A_1819, %swap3A_1820], %swap3A_1823 {strides = array<i32>} : memref<8x8x16xf32, #tpu.memory_space<vmem>>, vector<1x1x16xf32>,
      %get3A_1824 = arith.constant 6 : i32
      %get3A_1825 = arith.index_cast %sub3A_1642 : i32 to index
      %get3A_1826 = arith.index_cast %get3A_1824 : i32 to index
      %get3A_1827 = arith.constant 0 : index
      %get3A_1828 = tpu.vector_load %arg6[%get3A_1825, %get3A_1826, %get3A_1827] {strides = array<i32>} : memref<8x8x16xf32, #tpu.memory_space<vmem>>, vector<1x1x16xf32>,
      %get3A_1829 = vector.shape_cast %get3A_1828 : vector<1x1x16xf32> to vector<16xf32>
      %add3A_1830 = arith.addf %get3A_1829, %scan3A_1615#14 : vector<16xf32>
      %swap3A_1831 = arith.constant 6 : i32
      %swap3A_1832 = arith.index_cast %sub3A_1642 : i32 to index
      %swap3A_1833 = arith.index_cast %swap3A_1831 : i32 to index
      %swap3A_1834 = arith.constant 0 : index
      %swap3A_1835 = tpu.vector_load %arg6[%swap3A_1832, %swap3A_1833, %swap3A_1834] {strides = array<i32>} : memref<8x8x16xf32, #tpu.memory_space<vmem>>, vector<1x1x16xf32>,
      %swap3A_1836 = vector.shape_cast %swap3A_1835 : vector<1x1x16xf32> to vector<16xf32>
      %swap3A_1837 = vector.shape_cast %add3A_1830 : vector<16xf32> to vector<1x1x16xf32>
      tpu.vector_store %arg6[%swap3A_1832, %swap3A_1833, %swap3A_1834], %swap3A_1837 {strides = array<i32>} : memref<8x8x16xf32, #tpu.memory_space<vmem>>, vector<1x1x16xf32>,
      %get3A_1838 = arith.constant 7 : i32
      %get3A_1839 = arith.index_cast %sub3A_1642 : i32 to index
      %get3A_1840 = arith.index_cast %get3A_1838 : i32 to index
      %get3A_1841 = arith.constant 0 : index
      %get3A_1842 = tpu.vector_load %arg5[%get3A_1839, %get3A_1840, %get3A_1841] {strides = array<i32>} : memref<8x8x16xf32, #tpu.memory_space<vmem>>, vector<1x1x16xf32>,
      %get3A_1843 = vector.shape_cast %get3A_1842 : vector<1x1x16xf32> to vector<16xf32>
      %add3A_1844 = arith.addf %get3A_1843, %scan3A_1615#7 : vector<16xf32>
      %swap3A_1845 = arith.constant 7 : i32
      %swap3A_1846 = arith.index_cast %sub3A_1642 : i32 to index
      %swap3A_1847 = arith.index_cast %swap3A_1845 : i32 to index
      %swap3A_1848 = arith.constant 0 : index
      %swap3A_1849 = tpu.vector_load %arg5[%swap3A_1846, %swap3A_1847, %swap3A_1848] {strides = array<i32>} : memref<8x8x16xf32, #tpu.memory_space<vmem>>, vector<1x1x16xf32>,
      %swap3A_1850 = vector.shape_cast %swap3A_1849 : vector<1x1x16xf32> to vector<16xf32>
      %swap3A_1851 = vector.shape_cast %add3A_1844 : vector<16xf32> to vector<1x1x16xf32>
      tpu.vector_store %arg5[%swap3A_1846, %swap3A_1847, %swap3A_1848], %swap3A_1851 {strides = array<i32>} : memref<8x8x16xf32, #tpu.memory_space<vmem>>, vector<1x1x16xf32>,
      %get3A_1852 = arith.constant 7 : i32
      %get3A_1853 = arith.index_cast %sub3A_1642 : i32 to index
      %get3A_1854 = arith.index_cast %get3A_1852 : i32 to index
      %get3A_1855 = arith.constant 0 : index
      %get3A_1856 = tpu.vector_load %arg6[%get3A_1853, %get3A_1854, %get3A_1855] {strides = array<i32>} : memref<8x8x16xf32, #tpu.memory_space<vmem>>, vector<1x1x16xf32>,
      %get3A_1857 = vector.shape_cast %get3A_1856 : vector<1x1x16xf32> to vector<16xf32>
      %add3A_1858 = arith.addf %get3A_1857, %scan3A_1615#15 : vector<16xf32>
      %swap3A_1859 = arith.constant 7 : i32
      %swap3A_1860 = arith.index_cast %sub3A_1642 : i32 to index
      %swap3A_1861 = arith.index_cast %swap3A_1859 : i32 to index
      %swap3A_1862 = arith.constant 0 : index
      %swap3A_1863 = tpu.vector_load %arg6[%swap3A_1860, %swap3A_1861, %swap3A_1862] {strides = array<i32>} : memref<8x8x16xf32, #tpu.memory_space<vmem>>, vector<1x1x16xf32>,
      %swap3A_1864 = vector.shape_cast %swap3A_1863 : vector<1x1x16xf32> to vector<16xf32>
      %swap3A_1865 = vector.shape_cast %add3A_1858 : vector<16xf32> to vector<1x1x16xf32>
      tpu.vector_store %arg6[%swap3A_1860, %swap3A_1861, %swap3A_1862], %swap3A_1865 {strides = array<i32>} : memref<8x8x16xf32, #tpu.memory_space<vmem>>, vector<1x1x16xf32>,
      %add3A_1866 = arith.constant 4 : i32
      %add3A_1867 = arith.addi %while3A_1511, %add3A_1866 : i32
      %lt3A_1868 = arith.cmpi slt, %add3A_1867, %sub3A_47 : i32
      %convert_element_type3A = arith.extui %lt3A_1868 : i1 to i32
      %cond3A = arith.constant 0 : i32
      %cond3A_1869 = arith.cmpi ne, %convert_element_type3A, %cond3A : i32
      scf.if %cond3A_1869 {
        %add3A_1870 = arith.constant 4 : i32
        %add3A_1871 = arith.addi %while3A_1511, %add3A_1870 : i32
        %add3A_1872 = arith.addi %select_n3A, %add3A_1871 : i32
        %jit3A_1873 = arith.constant 6 : i32
        %div3A_1874 = arith.divsi %add3A_1872, %jit3A_1873 : i32
        %sign3A_1875 = arith.constant 0 : i32
        %sign3A_1876 = arith.cmpi sgt, %add3A_1872, %sign3A_1875 : i32
        %sign3A_1877 = arith.extui %sign3A_1876 : i1 to i32
        %sign3A_1878 = arith.constant 0 : i32
        %sign3A_1879 = arith.cmpi slt, %add3A_1872, %sign3A_1878 : i32
        %sign3A_1880 = arith.extui %sign3A_1879 : i1 to i32
        %sign3A_1881 = arith.subi %sign3A_1877, %sign3A_1880 : i32
        %sign3A_1882 = arith.constant 0 : i32
        %sign3A_1883 = arith.cmpi sgt, %jit3A_1873, %sign3A_1882 : i32
        %sign3A_1884 = arith.extui %sign3A_1883 : i1 to i32
        %sign3A_1885 = arith.constant 0 : i32
        %sign3A_1886 = arith.cmpi slt, %jit3A_1873, %sign3A_1885 : i32
        %sign3A_1887 = arith.extui %sign3A_1886 : i1 to i32
        %sign3A_1888 = arith.subi %sign3A_1884, %sign3A_1887 : i32
        %ne3A_1889 = arith.cmpi ne, %sign3A_1881, %sign3A_1888 : i32
        %rem3A_1890 = arith.remsi %add3A_1872, %jit3A_1873 : i32
        %ne3A_1891 = arith.constant 0 : i32
        %ne3A_1892 = arith.cmpi ne, %rem3A_1890, %ne3A_1891 : i32
        %and3A_1893 = arith.andi %ne3A_1889, %ne3A_1892 : i1
        %sub3A_1894 = arith.constant 1 : i32
        %sub3A_1895 = arith.subi %div3A_1874, %sub3A_1894 : i32
        %select_n3A_1896 = arith.select %and3A_1893, %sub3A_1895, %div3A_1874 : i32
        %jit3A_1897 = arith.constant 6 : i32
        %eq3A_1898 = arith.constant 0 : i32
        %eq3A_1899 = arith.cmpi eq, %jit3A_1897, %eq3A_1898 : i32
        %jit3A_1900 = arith.constant 1 : i32
        %select_n3A_1901 = arith.select %eq3A_1899, %jit3A_1900, %jit3A_1897 : i32
        %rem3A_1902 = arith.remsi %add3A_1872, %select_n3A_1901 : i32
        %ne3A_1903 = arith.constant 0 : i32
        %ne3A_1904 = arith.cmpi ne, %rem3A_1902, %ne3A_1903 : i32
        %lt3A_1905 = arith.constant 0 : i32
        %lt3A_1906 = arith.cmpi slt, %rem3A_1902, %lt3A_1905 : i32
        %lt3A_1907 = arith.constant 0 : i32
        %lt3A_1908 = arith.cmpi slt, %select_n3A_1901, %lt3A_1907 : i32
        %ne3A_1909 = arith.xori %lt3A_1906, %lt3A_1908 : i1
        %and3A_1910 = arith.andi %ne3A_1909, %ne3A_1904 : i1
        %add3A_1911 = arith.addi %rem3A_1902, %select_n3A_1901 : i32
        %select_n3A_1912 = arith.select %and3A_1910, %add3A_1911, %rem3A_1902 : i32
        %jit3A_1913 = arith.constant 67 : i32
        %div3A_1914 = arith.divsi %select_n3A_1896, %jit3A_1913 : i32
        %sign3A_1915 = arith.constant 0 : i32
        %sign3A_1916 = arith.cmpi sgt, %select_n3A_1896, %sign3A_1915 : i32
        %sign3A_1917 = arith.extui %sign3A_1916 : i1 to i32
        %sign3A_1918 = arith.constant 0 : i32
        %sign3A_1919 = arith.cmpi slt, %select_n3A_1896, %sign3A_1918 : i32
        %sign3A_1920 = arith.extui %sign3A_1919 : i1 to i32
        %sign3A_1921 = arith.subi %sign3A_1917, %sign3A_1920 : i32
        %sign3A_1922 = arith.constant 0 : i32
        %sign3A_1923 = arith.cmpi sgt, %jit3A_1913, %sign3A_1922 : i32
        %sign3A_1924 = arith.extui %sign3A_1923 : i1 to i32
        %sign3A_1925 = arith.constant 0 : i32
        %sign3A_1926 = arith.cmpi slt, %jit3A_1913, %sign3A_1925 : i32
        %sign3A_1927 = arith.extui %sign3A_1926 : i1 to i32
        %sign3A_1928 = arith.subi %sign3A_1924, %sign3A_1927 : i32
        %ne3A_1929 = arith.cmpi ne, %sign3A_1921, %sign3A_1928 : i32
        %rem3A_1930 = arith.remsi %select_n3A_1896, %jit3A_1913 : i32
        %ne3A_1931 = arith.constant 0 : i32
        %ne3A_1932 = arith.cmpi ne, %rem3A_1930, %ne3A_1931 : i32
        %and3A_1933 = arith.andi %ne3A_1929, %ne3A_1932 : i1
        %sub3A_1934 = arith.constant 1 : i32
        %sub3A_1935 = arith.subi %div3A_1914, %sub3A_1934 : i32
        %select_n3A_1936 = arith.select %and3A_1933, %sub3A_1935, %div3A_1914 : i32
        %jit3A_1937 = arith.constant 67 : i32
        %eq3A_1938 = arith.constant 0 : i32
        %eq3A_1939 = arith.cmpi eq, %jit3A_1937, %eq3A_1938 : i32
        %jit3A_1940 = arith.constant 1 : i32
        %select_n3A_1941 = arith.select %eq3A_1939, %jit3A_1940, %jit3A_1937 : i32
        %rem3A_1942 = arith.remsi %select_n3A_1896, %select_n3A_1941 : i32
        %ne3A_1943 = arith.constant 0 : i32
        %ne3A_1944 = arith.cmpi ne, %rem3A_1942, %ne3A_1943 : i32
        %lt3A_1945 = arith.constant 0 : i32
        %lt3A_1946 = arith.cmpi slt, %rem3A_1942, %lt3A_1945 : i32
        %lt3A_1947 = arith.constant 0 : i32
        %lt3A_1948 = arith.cmpi slt, %select_n3A_1941, %lt3A_1947 : i32
        %ne3A_1949 = arith.xori %lt3A_1946, %lt3A_1948 : i1
        %and3A_1950 = arith.andi %ne3A_1949, %ne3A_1944 : i1
        %add3A_1951 = arith.addi %rem3A_1942, %select_n3A_1941 : i32
        %select_n3A_1952 = arith.select %and3A_1950, %add3A_1951, %rem3A_1942 : i32
        %mul3A_1953 = arith.constant 8 : i32
        %mul3A_1954 = arith.muli %mul3A_1953, %select_n3A_1952 : i32
        %mul3A_1955 = arith.constant 2048 : i32
        %mul3A_1956 = arith.muli %mul3A_1955, %select_n3A_1912 : i32
        %dma_start3A_1957 = arith.constant 0 : i32
        %dma_start3A_1958 = arith.constant 0 : i32
        %dma_start3A_1959 = tpu.memref_slice %arg4[%rem3A_1513, %dma_start3A_1957, %dma_start3A_1958] : memref<4x8x2048xf32, #tpu.memory_space<vmem>> -> memref<1x8x2048xf32, #tpu.memory_space<vmem>>
        %dma_start3A_1960 = tpu.memref_squeeze %dma_start3A_1959 : memref<1x8x2048xf32, #tpu.memory_space<vmem>> -> memref<8x2048xf32, #tpu.memory_space<vmem>>
        %dma_start3A_1961 = tpu.memref_slice %arg2[%select_n3A_1936, %mul3A_1954, %mul3A_1956] : memref<3x543x16384xf32, #tpu.memory_space<hbm>> -> memref<1x8x2048xf32, #tpu.memory_space<hbm>>
        %dma_start3A_1962 = tpu.memref_squeeze %dma_start3A_1961 : memref<1x8x2048xf32, #tpu.memory_space<hbm>> -> memref<8x2048xf32, #tpu.memory_space<hbm>>
        %dma_start3A_1963 = tpu.memref_slice %arg7[%rem3A_1513] : memref<4x!tpu.dma_semaphore, #tpu.memory_space<semaphore_mem>> -> memref<1x!tpu.dma_semaphore, #tpu.memory_space<semaphore_mem>>
        %dma_start3A_1964 = tpu.memref_squeeze %dma_start3A_1963 : memref<1x!tpu.dma_semaphore, #tpu.memory_space<semaphore_mem>> -> memref<!tpu.dma_semaphore, #tpu.memory_space<semaphore_mem>>
        %dma_start3A_1965 = arith.constant 0 : i32
        %dma_start3A_1966 = arith.constant 0 : i32
        %dma_start3A_1967 = tpu.memref_slice %arg4[%rem3A_1513, %dma_start3A_1965, %dma_start3A_1966] : memref<4x8x2048xf32, #tpu.memory_space<vmem>> -> memref<1x8x2048xf32, #tpu.memory_space<vmem>>
        %dma_start3A_1968 = tpu.memref_squeeze %dma_start3A_1967 : memref<1x8x2048xf32, #tpu.memory_space<vmem>> -> memref<8x2048xf32, #tpu.memory_space<vmem>>
        %dma_start3A_1969 = tpu.memref_slice %arg2[%select_n3A_1936, %mul3A_1954, %mul3A_1956] : memref<3x543x16384xf32, #tpu.memory_space<hbm>> -> memref<1x8x2048xf32, #tpu.memory_space<hbm>>
        %dma_start3A_1970 = tpu.memref_squeeze %dma_start3A_1969 : memref<1x8x2048xf32, #tpu.memory_space<hbm>> -> memref<8x2048xf32, #tpu.memory_space<hbm>>
        tpu.enqueue_dma source(%dma_start3A_1970 : memref<8x2048xf32, #tpu.memory_space<hbm>>) target(%dma_start3A_1968 : memref<8x2048xf32, #tpu.memory_space<vmem>>) target_semaphore(%dma_start3A_1964 : memref<!tpu.dma_semaphore, #tpu.memory_space<semaphore_mem>>)
      } else {
      }
    }
    %run_scoped3A = arith.constant 0 : i32
    "tpu.region"() ({
      %run_scoped3A_1511 = tpu.sem_alloc : memref<!tpu.dma_semaphore, #tpu.memory_space<semaphore_mem>>
      %dma_start3A_1512 = arith.constant 0 : i32
      %dma_start3A_1513 = arith.constant 0 : i32
      %dma_start3A_1514 = arith.constant 0 : i32
      %dma_start3A_1515 = tpu.memref_slice %arg3[%add3A, %dma_start3A_1512, %run_scoped3A, %dma_start3A_1513, %dma_start3A_1514] : memref<32x8x2x8x16xf32, #tpu.memory_space<hbm>> -> memref<1x8x1x8x16xf32, #tpu.memory_space<hbm>>
      %dma_start3A_1516 = tpu.memref_squeeze %dma_start3A_1515 : memref<1x8x1x8x16xf32, #tpu.memory_space<hbm>> -> memref<8x8x16xf32, #tpu.memory_space<hbm>>
      %dma_start3A_1517 = arith.constant 0 : i32
      %dma_start3A_1518 = arith.constant 0 : i32
      %dma_start3A_1519 = arith.constant 0 : i32
      %dma_start3A_1520 = tpu.memref_slice %arg3[%add3A, %dma_start3A_1517, %run_scoped3A, %dma_start3A_1518, %dma_start3A_1519] : memref<32x8x2x8x16xf32, #tpu.memory_space<hbm>> -> memref<1x8x1x8x16xf32, #tpu.memory_space<hbm>>
      %dma_start3A_1521 = tpu.memref_squeeze %dma_start3A_1520 : memref<1x8x1x8x16xf32, #tpu.memory_space<hbm>> -> memref<8x8x16xf32, #tpu.memory_space<hbm>>
      tpu.enqueue_dma source(%arg5 : memref<8x8x16xf32, #tpu.memory_space<vmem>>) target(%dma_start3A_1521 : memref<8x8x16xf32, #tpu.memory_space<hbm>>) target_semaphore(%run_scoped3A_1511 : memref<!tpu.dma_semaphore, #tpu.memory_space<semaphore_mem>>)
      %dma_wait3A = arith.constant 0 : i32
      %dma_wait3A_1522 = arith.constant 0 : i32
      %dma_wait3A_1523 = arith.constant 0 : i32
      %dma_wait3A_1524 = tpu.memref_slice %arg3[%add3A, %dma_wait3A, %run_scoped3A, %dma_wait3A_1522, %dma_wait3A_1523] : memref<32x8x2x8x16xf32, #tpu.memory_space<hbm>> -> memref<1x8x1x8x16xf32, #tpu.memory_space<hbm>>
      %dma_wait3A_1525 = tpu.memref_squeeze %dma_wait3A_1524 : memref<1x8x1x8x16xf32, #tpu.memory_space<hbm>> -> memref<8x8x16xf32, #tpu.memory_space<hbm>>
      %dma_wait3A_1526 = arith.constant 0 : i32
      %dma_wait3A_1527 = arith.constant 0 : i32
      %dma_wait3A_1528 = arith.constant 0 : i32
      %dma_wait3A_1529 = tpu.memref_slice %arg3[%add3A, %dma_wait3A_1526, %run_scoped3A, %dma_wait3A_1527, %dma_wait3A_1528] : memref<32x8x2x8x16xf32, #tpu.memory_space<hbm>> -> memref<1x8x1x8x16xf32, #tpu.memory_space<hbm>>
      %dma_wait3A_1530 = tpu.memref_squeeze %dma_wait3A_1529 : memref<1x8x1x8x16xf32, #tpu.memory_space<hbm>> -> memref<8x8x16xf32, #tpu.memory_space<hbm>>
      tpu.wait_dma2 semaphore(%run_scoped3A_1511 : memref<!tpu.dma_semaphore, #tpu.memory_space<semaphore_mem>>) src(%arg5 : memref<8x8x16xf32, #tpu.memory_space<vmem>>) dst(%dma_wait3A_1530 : memref<8x8x16xf32, #tpu.memory_space<hbm>>)
      tpu.yield
    }) : () -> ()
    %run_scoped3A_1510 = arith.constant 1 : i32
    "tpu.region"() ({
      %run_scoped3A_1511 = tpu.sem_alloc : memref<!tpu.dma_semaphore, #tpu.memory_space<semaphore_mem>>
      %dma_start3A_1512 = arith.constant 0 : i32
      %dma_start3A_1513 = arith.constant 0 : i32
      %dma_start3A_1514 = arith.constant 0 : i32
      %dma_start3A_1515 = tpu.memref_slice %arg3[%add3A, %dma_start3A_1512, %run_scoped3A_1510, %dma_start3A_1513, %dma_start3A_1514] : memref<32x8x2x8x16xf32, #tpu.memory_space<hbm>> -> memref<1x8x1x8x16xf32, #tpu.memory_space<hbm>>
      %dma_start3A_1516 = tpu.memref_squeeze %dma_start3A_1515 : memref<1x8x1x8x16xf32, #tpu.memory_space<hbm>> -> memref<8x8x16xf32, #tpu.memory_space<hbm>>
      %dma_start3A_1517 = arith.constant 0 : i32
      %dma_start3A_1518 = arith.constant 0 : i32
      %dma_start3A_1519 = arith.constant 0 : i32
      %dma_start3A_1520 = tpu.memref_slice %arg3[%add3A, %dma_start3A_1517, %run_scoped3A_1510, %dma_start3A_1518, %dma_start3A_1519] : memref<32x8x2x8x16xf32, #tpu.memory_space<hbm>> -> memref<1x8x1x8x16xf32, #tpu.memory_space<hbm>>
      %dma_start3A_1521 = tpu.memref_squeeze %dma_start3A_1520 : memref<1x8x1x8x16xf32, #tpu.memory_space<hbm>> -> memref<8x8x16xf32, #tpu.memory_space<hbm>>
      tpu.enqueue_dma source(%arg6 : memref<8x8x16xf32, #tpu.memory_space<vmem>>) target(%dma_start3A_1521 : memref<8x8x16xf32, #tpu.memory_space<hbm>>) target_semaphore(%run_scoped3A_1511 : memref<!tpu.dma_semaphore, #tpu.memory_space<semaphore_mem>>)
      %dma_wait3A = arith.constant 0 : i32
      %dma_wait3A_1522 = arith.constant 0 : i32
      %dma_wait3A_1523 = arith.constant 0 : i32
      %dma_wait3A_1524 = tpu.memref_slice %arg3[%add3A, %dma_wait3A, %run_scoped3A_1510, %dma_wait3A_1522, %dma_wait3A_1523] : memref<32x8x2x8x16xf32, #tpu.memory_space<hbm>> -> memref<1x8x1x8x16xf32, #tpu.memory_space<hbm>>
      %dma_wait3A_1525 = tpu.memref_squeeze %dma_wait3A_1524 : memref<1x8x1x8x16xf32, #tpu.memory_space<hbm>> -> memref<8x8x16xf32, #tpu.memory_space<hbm>>
      %dma_wait3A_1526 = arith.constant 0 : i32
      %dma_wait3A_1527 = arith.constant 0 : i32
      %dma_wait3A_1528 = arith.constant 0 : i32
      %dma_wait3A_1529 = tpu.memref_slice %arg3[%add3A, %dma_wait3A_1526, %run_scoped3A_1510, %dma_wait3A_1527, %dma_wait3A_1528] : memref<32x8x2x8x16xf32, #tpu.memory_space<hbm>> -> memref<1x8x1x8x16xf32, #tpu.memory_space<hbm>>
      %dma_wait3A_1530 = tpu.memref_squeeze %dma_wait3A_1529 : memref<1x8x1x8x16xf32, #tpu.memory_space<hbm>> -> memref<8x8x16xf32, #tpu.memory_space<hbm>>
      tpu.wait_dma2 semaphore(%run_scoped3A_1511 : memref<!tpu.dma_semaphore, #tpu.memory_space<semaphore_mem>>) src(%arg6 : memref<8x8x16xf32, #tpu.memory_space<vmem>>) dst(%dma_wait3A_1530 : memref<8x8x16xf32, #tpu.memory_space<hbm>>)
      tpu.yield
    }) : () -> ()
    return
  }
}

module attributes {stable_mosaic.version = 14 : i64} {
  func.func @body(%arg0: i32, %arg1: i32, %arg2: memref<1x543x2048xf32, #tpu.memory_space<vmem>>, %arg3: memref<1x543x128xf32, #tpu.memory_space<vmem>>, %arg4: memref<1x543x128xf32, #tpu.memory_space<vmem>>) attributes {dimension_semantics = [#tpu.dimension_semantics<arbitrary>, #tpu.dimension_semantics<arbitrary>], iteration_bounds = array<i64: 3, 2>, scalar_prefetch = 0 : i64, scratch_operands = 0 : i64, tpu.core_type = #tpu.core_type<tc>, window_params = [{transform_indices = @transform_0, window_bounds = array<i64: 1, 543, 2048>}, {transform_indices = @transform_1, window_bounds = array<i64: 1, 543, 128>}, {transform_indices = @transform_2, window_bounds = array<i64: 1, 543, 128>}]} {
    %eq3A = arith.constant 0 : i32
    %eq3A_0 = arith.cmpi eq, %arg1, %eq3A : i32
    %convert_element_type3A = arith.extui %eq3A_0 : i1 to i32
    %cond3A = arith.constant 0 : i32
    %cond3A_1 = arith.cmpi ne, %convert_element_type3A, %cond3A : i32
    scf.if %cond3A_1 {
      %broadcast_in_dim3A = arith.constant 0.000000e+00 : f32
      %broadcast_in_dim3A_148 = vector.broadcast %broadcast_in_dim3A : f32 to vector<1x543x128xf32>
      %swap3A_149 = arith.constant 0 : index
      %swap3A_150 = arith.constant 0 : index
      %swap3A_151 = arith.constant 0 : index
      %swap3A_152 = vector.load %arg3[%swap3A_149, %swap3A_150, %swap3A_151] : memref<1x543x128xf32, #tpu.memory_space<vmem>>, vector<1x543x128xf32>
      tpu.vector_store %arg3[%swap3A_149, %swap3A_150, %swap3A_151], %broadcast_in_dim3A_148 {strides = array<i32>} : memref<1x543x128xf32, #tpu.memory_space<vmem>>, vector<1x543x128xf32>,
      %broadcast_in_dim3A_153 = arith.constant 0.000000e+00 : f32
      %broadcast_in_dim3A_154 = vector.broadcast %broadcast_in_dim3A_153 : f32 to vector<1x543x128xf32>
      %swap3A_155 = arith.constant 0 : index
      %swap3A_156 = arith.constant 0 : index
      %swap3A_157 = arith.constant 0 : index
      %swap3A_158 = vector.load %arg4[%swap3A_155, %swap3A_156, %swap3A_157] : memref<1x543x128xf32, #tpu.memory_space<vmem>>, vector<1x543x128xf32>
      tpu.vector_store %arg4[%swap3A_155, %swap3A_156, %swap3A_157], %broadcast_in_dim3A_154 {strides = array<i32>} : memref<1x543x128xf32, #tpu.memory_space<vmem>>, vector<1x543x128xf32>,
    } else {
    }
    %get3A = arith.constant 0 : index
    %get3A_2 = arith.constant 0 : index
    %get3A_3 = arith.constant 0 : index
    %get3A_4 = vector.load %arg3[%get3A, %get3A_2, %get3A_3] : memref<1x543x128xf32, #tpu.memory_space<vmem>>, vector<1x543x128xf32>
    %get3A_5 = vector.shape_cast %get3A_4 : vector<1x543x128xf32> to vector<543x128xf32>
    %get3A_6 = arith.constant 0 : index
    %get3A_7 = arith.constant 0 : index
    %get3A_8 = arith.constant 0 : index
    %get3A_9 = vector.load %arg4[%get3A_6, %get3A_7, %get3A_8] : memref<1x543x128xf32, #tpu.memory_space<vmem>>, vector<1x543x128xf32>
    %get3A_10 = vector.shape_cast %get3A_9 : vector<1x543x128xf32> to vector<543x128xf32>
    %get3A_11 = arith.constant 0 : index
    %get3A_12 = arith.constant 0 : index
    %get3A_13 = arith.constant 0 : index
    %get3A_14 = vector.load %arg2[%get3A_11, %get3A_12, %get3A_13] : memref<1x543x2048xf32, #tpu.memory_space<vmem>>, vector<1x543x128xf32>
    %get3A_15 = vector.shape_cast %get3A_14 : vector<1x543x128xf32> to vector<543x128xf32>
    %add3A = arith.addf %get3A_5, %get3A_15 : vector<543x128xf32>
    %mul3A = arith.mulf %get3A_15, %get3A_15 : vector<543x128xf32>
    %add3A_16 = arith.addf %get3A_10, %mul3A : vector<543x128xf32>
    %get3A_17 = arith.constant 0 : index
    %get3A_18 = arith.constant 0 : index
    %get3A_19 = arith.constant 128 : index
    %get3A_20 = vector.load %arg2[%get3A_17, %get3A_18, %get3A_19] : memref<1x543x2048xf32, #tpu.memory_space<vmem>>, vector<1x543x128xf32>
    %get3A_21 = vector.shape_cast %get3A_20 : vector<1x543x128xf32> to vector<543x128xf32>
    %add3A_22 = arith.addf %add3A, %get3A_21 : vector<543x128xf32>
    %mul3A_23 = arith.mulf %get3A_21, %get3A_21 : vector<543x128xf32>
    %add3A_24 = arith.addf %add3A_16, %mul3A_23 : vector<543x128xf32>
    %get3A_25 = arith.constant 0 : index
    %get3A_26 = arith.constant 0 : index
    %get3A_27 = arith.constant 256 : index
    %get3A_28 = vector.load %arg2[%get3A_25, %get3A_26, %get3A_27] : memref<1x543x2048xf32, #tpu.memory_space<vmem>>, vector<1x543x128xf32>
    %get3A_29 = vector.shape_cast %get3A_28 : vector<1x543x128xf32> to vector<543x128xf32>
    %add3A_30 = arith.addf %add3A_22, %get3A_29 : vector<543x128xf32>
    %mul3A_31 = arith.mulf %get3A_29, %get3A_29 : vector<543x128xf32>
    %add3A_32 = arith.addf %add3A_24, %mul3A_31 : vector<543x128xf32>
    %get3A_33 = arith.constant 0 : index
    %get3A_34 = arith.constant 0 : index
    %get3A_35 = arith.constant 384 : index
    %get3A_36 = vector.load %arg2[%get3A_33, %get3A_34, %get3A_35] : memref<1x543x2048xf32, #tpu.memory_space<vmem>>, vector<1x543x128xf32>
    %get3A_37 = vector.shape_cast %get3A_36 : vector<1x543x128xf32> to vector<543x128xf32>
    %add3A_38 = arith.addf %add3A_30, %get3A_37 : vector<543x128xf32>
    %mul3A_39 = arith.mulf %get3A_37, %get3A_37 : vector<543x128xf32>
    %add3A_40 = arith.addf %add3A_32, %mul3A_39 : vector<543x128xf32>
    %get3A_41 = arith.constant 0 : index
    %get3A_42 = arith.constant 0 : index
    %get3A_43 = arith.constant 512 : index
    %get3A_44 = vector.load %arg2[%get3A_41, %get3A_42, %get3A_43] : memref<1x543x2048xf32, #tpu.memory_space<vmem>>, vector<1x543x128xf32>
    %get3A_45 = vector.shape_cast %get3A_44 : vector<1x543x128xf32> to vector<543x128xf32>
    %add3A_46 = arith.addf %add3A_38, %get3A_45 : vector<543x128xf32>
    %mul3A_47 = arith.mulf %get3A_45, %get3A_45 : vector<543x128xf32>
    %add3A_48 = arith.addf %add3A_40, %mul3A_47 : vector<543x128xf32>
    %get3A_49 = arith.constant 0 : index
    %get3A_50 = arith.constant 0 : index
    %get3A_51 = arith.constant 640 : index
    %get3A_52 = vector.load %arg2[%get3A_49, %get3A_50, %get3A_51] : memref<1x543x2048xf32, #tpu.memory_space<vmem>>, vector<1x543x128xf32>
    %get3A_53 = vector.shape_cast %get3A_52 : vector<1x543x128xf32> to vector<543x128xf32>
    %add3A_54 = arith.addf %add3A_46, %get3A_53 : vector<543x128xf32>
    %mul3A_55 = arith.mulf %get3A_53, %get3A_53 : vector<543x128xf32>
    %add3A_56 = arith.addf %add3A_48, %mul3A_55 : vector<543x128xf32>
    %get3A_57 = arith.constant 0 : index
    %get3A_58 = arith.constant 0 : index
    %get3A_59 = arith.constant 768 : index
    %get3A_60 = vector.load %arg2[%get3A_57, %get3A_58, %get3A_59] : memref<1x543x2048xf32, #tpu.memory_space<vmem>>, vector<1x543x128xf32>
    %get3A_61 = vector.shape_cast %get3A_60 : vector<1x543x128xf32> to vector<543x128xf32>
    %add3A_62 = arith.addf %add3A_54, %get3A_61 : vector<543x128xf32>
    %mul3A_63 = arith.mulf %get3A_61, %get3A_61 : vector<543x128xf32>
    %add3A_64 = arith.addf %add3A_56, %mul3A_63 : vector<543x128xf32>
    %get3A_65 = arith.constant 0 : index
    %get3A_66 = arith.constant 0 : index
    %get3A_67 = arith.constant 896 : index
    %get3A_68 = vector.load %arg2[%get3A_65, %get3A_66, %get3A_67] : memref<1x543x2048xf32, #tpu.memory_space<vmem>>, vector<1x543x128xf32>
    %get3A_69 = vector.shape_cast %get3A_68 : vector<1x543x128xf32> to vector<543x128xf32>
    %add3A_70 = arith.addf %add3A_62, %get3A_69 : vector<543x128xf32>
    %mul3A_71 = arith.mulf %get3A_69, %get3A_69 : vector<543x128xf32>
    %add3A_72 = arith.addf %add3A_64, %mul3A_71 : vector<543x128xf32>
    %get3A_73 = arith.constant 0 : index
    %get3A_74 = arith.constant 0 : index
    %get3A_75 = arith.constant 1024 : index
    %get3A_76 = vector.load %arg2[%get3A_73, %get3A_74, %get3A_75] : memref<1x543x2048xf32, #tpu.memory_space<vmem>>, vector<1x543x128xf32>
    %get3A_77 = vector.shape_cast %get3A_76 : vector<1x543x128xf32> to vector<543x128xf32>
    %add3A_78 = arith.addf %add3A_70, %get3A_77 : vector<543x128xf32>
    %mul3A_79 = arith.mulf %get3A_77, %get3A_77 : vector<543x128xf32>
    %add3A_80 = arith.addf %add3A_72, %mul3A_79 : vector<543x128xf32>
    %get3A_81 = arith.constant 0 : index
    %get3A_82 = arith.constant 0 : index
    %get3A_83 = arith.constant 1152 : index
    %get3A_84 = vector.load %arg2[%get3A_81, %get3A_82, %get3A_83] : memref<1x543x2048xf32, #tpu.memory_space<vmem>>, vector<1x543x128xf32>
    %get3A_85 = vector.shape_cast %get3A_84 : vector<1x543x128xf32> to vector<543x128xf32>
    %add3A_86 = arith.addf %add3A_78, %get3A_85 : vector<543x128xf32>
    %mul3A_87 = arith.mulf %get3A_85, %get3A_85 : vector<543x128xf32>
    %add3A_88 = arith.addf %add3A_80, %mul3A_87 : vector<543x128xf32>
    %get3A_89 = arith.constant 0 : index
    %get3A_90 = arith.constant 0 : index
    %get3A_91 = arith.constant 1280 : index
    %get3A_92 = vector.load %arg2[%get3A_89, %get3A_90, %get3A_91] : memref<1x543x2048xf32, #tpu.memory_space<vmem>>, vector<1x543x128xf32>
    %get3A_93 = vector.shape_cast %get3A_92 : vector<1x543x128xf32> to vector<543x128xf32>
    %add3A_94 = arith.addf %add3A_86, %get3A_93 : vector<543x128xf32>
    %mul3A_95 = arith.mulf %get3A_93, %get3A_93 : vector<543x128xf32>
    %add3A_96 = arith.addf %add3A_88, %mul3A_95 : vector<543x128xf32>
    %get3A_97 = arith.constant 0 : index
    %get3A_98 = arith.constant 0 : index
    %get3A_99 = arith.constant 1408 : index
    %get3A_100 = vector.load %arg2[%get3A_97, %get3A_98, %get3A_99] : memref<1x543x2048xf32, #tpu.memory_space<vmem>>, vector<1x543x128xf32>
    %get3A_101 = vector.shape_cast %get3A_100 : vector<1x543x128xf32> to vector<543x128xf32>
    %add3A_102 = arith.addf %add3A_94, %get3A_101 : vector<543x128xf32>
    %mul3A_103 = arith.mulf %get3A_101, %get3A_101 : vector<543x128xf32>
    %add3A_104 = arith.addf %add3A_96, %mul3A_103 : vector<543x128xf32>
    %get3A_105 = arith.constant 0 : index
    %get3A_106 = arith.constant 0 : index
    %get3A_107 = arith.constant 1536 : index
    %get3A_108 = vector.load %arg2[%get3A_105, %get3A_106, %get3A_107] : memref<1x543x2048xf32, #tpu.memory_space<vmem>>, vector<1x543x128xf32>
    %get3A_109 = vector.shape_cast %get3A_108 : vector<1x543x128xf32> to vector<543x128xf32>
    %add3A_110 = arith.addf %add3A_102, %get3A_109 : vector<543x128xf32>
    %mul3A_111 = arith.mulf %get3A_109, %get3A_109 : vector<543x128xf32>
    %add3A_112 = arith.addf %add3A_104, %mul3A_111 : vector<543x128xf32>
    %get3A_113 = arith.constant 0 : index
    %get3A_114 = arith.constant 0 : index
    %get3A_115 = arith.constant 1664 : index
    %get3A_116 = vector.load %arg2[%get3A_113, %get3A_114, %get3A_115] : memref<1x543x2048xf32, #tpu.memory_space<vmem>>, vector<1x543x128xf32>
    %get3A_117 = vector.shape_cast %get3A_116 : vector<1x543x128xf32> to vector<543x128xf32>
    %add3A_118 = arith.addf %add3A_110, %get3A_117 : vector<543x128xf32>
    %mul3A_119 = arith.mulf %get3A_117, %get3A_117 : vector<543x128xf32>
    %add3A_120 = arith.addf %add3A_112, %mul3A_119 : vector<543x128xf32>
    %get3A_121 = arith.constant 0 : index
    %get3A_122 = arith.constant 0 : index
    %get3A_123 = arith.constant 1792 : index
    %get3A_124 = vector.load %arg2[%get3A_121, %get3A_122, %get3A_123] : memref<1x543x2048xf32, #tpu.memory_space<vmem>>, vector<1x543x128xf32>
    %get3A_125 = vector.shape_cast %get3A_124 : vector<1x543x128xf32> to vector<543x128xf32>
    %add3A_126 = arith.addf %add3A_118, %get3A_125 : vector<543x128xf32>
    %mul3A_127 = arith.mulf %get3A_125, %get3A_125 : vector<543x128xf32>
    %add3A_128 = arith.addf %add3A_120, %mul3A_127 : vector<543x128xf32>
    %get3A_129 = arith.constant 0 : index
    %get3A_130 = arith.constant 0 : index
    %get3A_131 = arith.constant 1920 : index
    %get3A_132 = vector.load %arg2[%get3A_129, %get3A_130, %get3A_131] : memref<1x543x2048xf32, #tpu.memory_space<vmem>>, vector<1x543x128xf32>
    %get3A_133 = vector.shape_cast %get3A_132 : vector<1x543x128xf32> to vector<543x128xf32>
    %add3A_134 = arith.addf %add3A_126, %get3A_133 : vector<543x128xf32>
    %mul3A_135 = arith.mulf %get3A_133, %get3A_133 : vector<543x128xf32>
    %add3A_136 = arith.addf %add3A_128, %mul3A_135 : vector<543x128xf32>
    %swap3A = arith.constant 0 : index
    %swap3A_137 = arith.constant 0 : index
    %swap3A_138 = arith.constant 0 : index
    %swap3A_139 = vector.load %arg3[%swap3A, %swap3A_137, %swap3A_138] : memref<1x543x128xf32, #tpu.memory_space<vmem>>, vector<1x543x128xf32>
    %swap3A_140 = vector.shape_cast %swap3A_139 : vector<1x543x128xf32> to vector<543x128xf32>
    %swap3A_141 = vector.shape_cast %add3A_134 : vector<543x128xf32> to vector<1x543x128xf32>
    tpu.vector_store %arg3[%swap3A, %swap3A_137, %swap3A_138], %swap3A_141 {strides = array<i32>} : memref<1x543x128xf32, #tpu.memory_space<vmem>>, vector<1x543x128xf32>,
    %swap3A_142 = arith.constant 0 : index
    %swap3A_143 = arith.constant 0 : index
    %swap3A_144 = arith.constant 0 : index
    %swap3A_145 = vector.load %arg4[%swap3A_142, %swap3A_143, %swap3A_144] : memref<1x543x128xf32, #tpu.memory_space<vmem>>, vector<1x543x128xf32>
    %swap3A_146 = vector.shape_cast %swap3A_145 : vector<1x543x128xf32> to vector<543x128xf32>
    %swap3A_147 = vector.shape_cast %add3A_136 : vector<543x128xf32> to vector<1x543x128xf32>
    tpu.vector_store %arg4[%swap3A_142, %swap3A_143, %swap3A_144], %swap3A_147 {strides = array<i32>} : memref<1x543x128xf32, #tpu.memory_space<vmem>>, vector<1x543x128xf32>,
    return
  }
  func.func @transform_0(%arg0: i32, %arg1: i32) -> (i32, i32, i32) {
    %add3A = arith.constant 6 : i32
    %add3A_0 = arith.addi %add3A, %arg1 : i32
    %c0_i32 = arith.constant 0 : i32
    %c0_i32_1 = arith.constant 0 : i32
    return %arg0, %c0_i32, %add3A_0 : i32, i32, i32
  }
  func.func @transform_1(%arg0: i32, %arg1: i32) -> (i32, i32, i32) {
    %c0_i32 = arith.constant 0 : i32
    %c0_i32_0 = arith.constant 0 : i32
    %c0_i32_1 = arith.constant 0 : i32
    return %arg0, %c0_i32, %c0_i32_0 : i32, i32, i32
  }
  func.func @transform_2(%arg0: i32, %arg1: i32) -> (i32, i32, i32) {
    %c0_i32 = arith.constant 0 : i32
    %c0_i32_0 = arith.constant 0 : i32
    %c0_i32_1 = arith.constant 0 : i32
    return %arg0, %c0_i32, %c0_i32_0 : i32, i32, i32
  }
}

</mosaic_0001>

<sc_bundles>
// kernel: kernel.4.cloned.1.call-start
scs
__scs_entry_jumppad:
0x0: {  	(pc) =	sbr.rel $0x88, $3  }
0x1: {  	(tag) =	ssettag $0x0;
	lr =	simm.s32 $0x1  }
0x2: {  	[smem:$0x3FA0] =	sst lr;
	_ =	strace $0xD0000000  }
0x3: {  	_ = 	snop  }
0x4: {  	_ = 	snop  }
0x5: {  	_ = 	snop  }
0x6: {  	_ = 	snop  }
0x7: {  	_ = 	snop  }
__scs_overlays_trampoline_lowered:
0x8: {  	[smem:$0x3FAF] =	sst s0  }
0x9: {  	[smem:$0x3FB0] =	sst s1  }
0xa: {  	[smem:$0x3FB1] =	sst s2  }
0xb: {  	[smem:$0x3FB2] =	sst s3  }
0xc: {  	[smem:$0x3FB3] =	sst s4  }
0xd: {  	[smem:$0x3FB4] =	sst s5  }
0xe: {  	[smem:$0x3FB5] =	sst s6  }
0xf: {  	[smem:$0x3FB6] =	sst s7  }
0x10: {  	[smem:$0x3FB7] =	sst s8  }
0x11: {  	[smem:$0x3FB8] =	sst s9;
	s0 =	simm.s32 @!p0 $0x0  }
0x12: {  	s1 =	sld [smem:$0x3F9E];
	s0 =	simm.s32 @p0 $0x1  }
0x13: {  	[smem:$0x3FB9] =	sst s0;
	s0 =	simm.s32 @!p1 $0x0  }
0x14: {  	s2 =	sld [smem:$0x3F9D];
	s0 =	simm.s32 @p1 $0x1  }
0x15: {  	[smem:$0x3FBA] =	sst s0;
	s0 =	simm.s32 @!p2 $0x0  }
0x16: {  	s3 =	sld [smem:$0x3FDB];
	s0 =	simm.s32 @p2 $0x1  }
0x17: {  	s4 =	simm.s32 $0x1BF5;
	[smem:$0x3FBC] =	sst s0  }
0x18: {  	s0 =	sld [smem:$0x3F9F];
	_ =	swait.ge [sflag:s4], $0x0  }
0x19: {  	s7 =	sld [smem:$0x3FA0]  }
0x1a: {  	s8 =	sadd.s32 $0xFFFFE003, lr  }
0x1b: {  	s9 =	sadd.s32 $0xFFFFFEF7, lr;
	s5 =	simm.s32 $0xFFFFFFFF;
	p2 =	slt.u32 s8, $0xFFFFF086  }
0x1c: {  	p1 =	slt.u32 s9, $0xF7A;
	s5 =	simm.s32 @!p2 $0x0  }
0x1d: {  	s5 =	simm.s32 @p1 $0x1;
	p0 =	seq.s32 s7, s2  }
0x1e: {  	s7 =	smul.u32 @!p0 $0xF7A, s2;
	p2 =	seq.s32 @!p0 s5, $0x0  }
0x1f: {  	s9 =	smul.u32 $0xF7A, s1;
	s8 =	simm.s32 @!p0 $0x1BF5;
	p2 =	por !p2, p0  }
0x20: {  	[sflag:s8] =	ssyncset.s32 @!p0 $0xFFFFF086;
	s6 =	sadd.s32 @!p0 s3, s7;
	s7 =	simm.s32 @!p0 $0x108  }
0x21: {  	s3 =	sadd.s32 s3, s9;
	s6 =	sadd.s32 @!p0 $0x88, s6;
	s7 =	simm.s32 @p2 $0x1082  }
0x22: {  	[simem:s7], [sflag:s8] =	dma.local @!p0 [hbm:s6], $0xF7A  }
0x23: {  	s9 =	sor.u32 $0xD0000000, s2;
	s6 =	simm.s32 $0x108;
	_ =	swait.ge @!p0 [sflag:s8], $0x0  }
0x24: {  	s3 =	sadd.s32 $0x88, s3;
	s6 =	simm.s32 @!p1 $0x1082;
	[sflag:s4] =	ssyncset.s32 $0xFFFFF086  }
0x25: {  	[simem:s6], [sflag:s4] =	dma.local [hbm:s3], $0xF7A  }
0x26: {  	[smem:$0x3FA0] =	sst s1;
	(tag) =	ssettag s2;
	_ =	strace s9  }
0x27: {  	s1 =	sld [smem:$0x3FB0]  }
0x28: {  	s2 =	sld [smem:$0x3FB1]  }
0x29: {  	s4 =	sld [smem:$0x3FB3]  }
0x2a: {  	p0 =	seq.s32 s5, $0x0;
	s5 =	sld [smem:$0x3FB4]  }
0x2b: {  	s6 =	sld [smem:$0x3FB5]  }
0x2c: {  	s7 =	sld [smem:$0x3FB6]  }
0x2d: {  	s3 =	simm.s32 $0x108;
	s8 =	sld [smem:$0x3FB7]  }
0x2e: {  	s3 =	simm.s32 @!p0 $0x1082;
	s9 =	sld [smem:$0x3FB8]  }
0x2f: {  	lr =	sadd.s32 s0, s3;
	s0 =	sld [smem:$0x3FAF]  }
0x30: {  	s3 =	sld [smem:$0x3FB2]  }
0x31: {  	[smem:$0x3FBB] =	sst s10  }
0x32: {  	s10 =	sld [smem:$0x3FB9];
	_ =	sdelay $0x3  }
0x33: {  	p0 =	seq.s32 s10, $0x1;
	s10 =	sld [smem:$0x3FBB];
	_ =	sdelay $0x3  }
0x34: {  	[smem:$0x3FBB] =	sst s10  }
0x35: {  	s10 =	sld [smem:$0x3FBA];
	_ =	sdelay $0x3  }
0x36: {  	p1 =	seq.s32 s10, $0x1;
	s10 =	sld [smem:$0x3FBB];
	_ =	sdelay $0x3  }
0x37: {  	[smem:$0x3FBB] =	sst s10  }
0x38: {  	s10 =	sld [smem:$0x3FBC]  }
0x39: {  	_ = 	snop;
	(pc) =	sbr.ind lr, $3  }
0x3a: {  	_ = 	snop  }
0x3b: {  	_ = 	snop  }
0x3c: {  	p2 =	seq.s32 s10, $0x1;
	s10 =	sld [smem:$0x3FBB]  }
0x3d: {  	_ =	shalt  }
0x3e: {  	_ =	shalt  }
0x3f: {  	_ =	shalt  }
0x40: {  	_ =	shalt  }
0x41: {  	_ =	shalt  }
0x42: {  	_ =	shalt  }
0x43: {  	_ =	shalt  }
0x44: {  	_ =	shalt  }
0x45: {  	_ =	shalt  }
0x46: {  	_ =	shalt  }
0x47: {  	_ =	shalt  }
0x48: {  	_ =	shalt  }
0x49: {  	_ =	shalt  }
0x4a: {  	_ =	shalt  }
0x4b: {  	_ =	shalt  }
0x4c: {  	_ =	shalt  }
0x4d: {  	_ =	shalt  }
0x4e: {  	_ =	shalt  }
0x4f: {  	_ =	shalt  }
0x50: {  	_ =	shalt  }
0x51: {  	_ =	shalt  }
0x52: {  	_ =	shalt  }
0x53: {  	_ =	shalt  }
0x54: {  	_ =	shalt  }
0x55: {  	_ =	shalt  }
0x56: {  	_ =	shalt  }
0x57: {  	_ =	shalt  }
0x58: {  	_ =	shalt  }
0x59: {  	_ =	shalt  }
0x5a: {  	_ =	shalt  }
0x5b: {  	_ =	shalt  }
0x5c: {  	_ =	shalt  }
0x5d: {  	_ =	shalt  }
0x5e: {  	_ =	shalt  }
0x5f: {  	_ =	shalt  }
0x60: {  	_ =	shalt  }
0x61: {  	_ =	shalt  }
0x62: {  	_ =	shalt  }
0x63: {  	_ =	shalt  }
0x64: {  	_ =	shalt  }
0x65: {  	_ =	shalt  }
0x66: {  	_ =	shalt  }
0x67: {  	_ =	shalt  }
0x68: {  	_ =	shalt  }
0x69: {  	_ =	shalt  }
0x6a: {  	_ =	shalt  }
0x6b: {  	_ =	shalt  }
0x6c: {  	_ =	shalt  }
0x6d: {  	_ =	shalt  }
0x6e: {  	_ =	shalt  }
0x6f: {  	_ =	shalt  }
0x70: {  	_ =	shalt  }
0x71: {  	_ =	shalt  }
0x72: {  	_ =	shalt  }
0x73: {  	_ =	shalt  }
0x74: {  	_ =	shalt  }
0x75: {  	_ =	shalt  }
0x76: {  	_ =	shalt  }
0x77: {  	_ =	shalt  }
0x78: {  	_ =	shalt  }
0x79: {  	_ =	shalt  }
0x7a: {  	_ =	shalt  }
0x7b: {  	_ =	shalt  }
0x7c: {  	_ =	shalt  }
0x7d: {  	_ =	shalt  }
0x7e: {  	_ =	shalt  }
0x7f: {  	_ =	shalt  }
0x80: {  	_ =	shalt  }
0x81: {  	_ =	shalt  }
0x82: {  	_ =	shalt  }
0x83: {  	_ =	shalt  }
0x84: {  	_ =	shalt  }
0x85: {  	_ =	shalt  }
0x86: {  	_ =	shalt  }
0x87: {  	_ =	shalt  }
.Lfunc_end0:
.L_simem_size_0:
called_computation_lowered:
.L_overlay_start_0:
0x88: {  	s2 =	sld [smem:$0x3FD9]  }
0x89: {  	s3 =	sld [smem:$0x3FFE];
	_ =	sdelay $0x1  }
0x8a: {  	s1 =	srdreg.scid  }
0x8b: {  	s0 =	sand.u32 $0x1, s1  }
0x8c: {  	s17 =	sshll.u32 s0, $0xA;
	s2 =	sadd.s32 s3, s2  }
0x8d: {  	s2 =	sadd.s32 s2, s17  }
0x8e: {  	[smem:$0x3FC7] =	sst s2  }
0x8f: {  	_ = 	snop  }
0x90: {  	s2 =	sld [smem:$0x3FC9];
	(tm) =	ssettm $0x1  }
0x91: {  	s18 =	sld [smem:$0x3FFB];
	_ =	sdelay $0x3  }
0x92: {  	_ =	strace s18  }
0x93: {  	s3 =	sld [smem:$0x3FFC];
	_ =	sdelay $0x3  }
0x94: {  	_ =	strace s3  }
0x95: {  	s3 =	sld [smem:$0x3FFD];
	_ =	sdelay $0x3  }
0x96: {  	_ =	strace s3  }
0x97: {  	_ =	strace $0x8FFFFFFF  }
0x98: {  	s19 =	sld [smem:$0x3FDB];
	_ =	sdelay $0x1  }
0x99: {  	s4 =	simm.s32 $_scs_section_size  }
0x9a: {  	s5 =	simm.s32 $_size__tile_overlayer_lowered;
	s6 =	simm.s32 $_tile_overlayer_lowered  }
0x9b: {  	s22 =	simm.s32 $0x1BFF;
	s21 =	sshll.u32 s6, $0x1;
	s3 =	sadd.s32 s4, s19  }
0x9c: {  	s7 =	simm.s32 $0x0;
	s20 =	sshll.u32 s5, $0x1;
	s5 =	sadd.s32 s21, s3  }
0x9d: {  	[timem:s7], [sflag:s22] =	dma.local [hbm:s5], s20  }
0x9e: {  	_ =	swait.ge [sflag:s22], s20  }
0x9f: {  	s4 =	ssub.s32 $0x0, s20;
	[sflag:s22] =	ssyncset.done $0x0  }
0xa0: {  	[sflag:s22] =	ssyncadd.s32 s4;
	_ =	sdelay $0x1  }
0xa1: {  	s23 =	simm.s32 $0x1B8B  }
0xa2: {  	_ =	swait.ge [sflag:s23], $0x1  }
0xa3: {  	[sflag:s23] =	ssyncset.done $0x0  }
0xa4: {  	s25 =	simm.s32 $0x1B8E;
	s24 =	sld [smem:$0x3FFE];
	[sflag:s23] =	ssyncadd.s32 $0xFFFFFFFF  }
0xa5: {  	s26 =	simm.s32 $execute0_lowered;
	[smem:$0x3FD2] =	sst s25  }
0xa6: {  	s5 =	sshll.u32 s26, $0x1;
	_ =	strace $0x80000046;
	[dreg:$0x1] =	wrdreg $0xFFFFFFFF  }
0xa7: {  	s28 =	simm.s32 $_size_execute0_lowered;
	s3 =	sadd.s32 s3, s5;
	[dreg:$0x0] =	wrdreg $0x0  }
0xa8: {  	s5 =	sshll.u32 s28, $0x1;
	[dreg:$0x2] =	wrdreg s3  }
0xa9: {  	[dreg:$0x3] =	wrdreg s5  }
0xaa: {  	[dreg:$0x4] =	wrdreg $0xC0  }
0xab: {  	_ =	task [dreg:s7], $0x5FFFF  }
0xac: {  	[dreg:$0x1] =	wrdreg $0xFFFFFFFF  }
0xad: {  	[dreg:$0x0] =	wrdreg $0x60  }
0xae: {  	[dreg:$0x2] =	wrdreg s2  }
0xaf: {  	[dreg:$0x3] =	wrdreg s24  }
0xb0: {  	[dreg:$0x4] =	wrdreg $0x9  }
0xb1: {  	_ =	task.clear_ibuf [dreg:s7], $0x5FFFF;
	_ =	strace $0x90000046  }
0xb2: {  	s29 =	simm.s32 $0x9;
	_ =	strace $0x80000048  }
0xb3: {  	_ =	swait.ge [sflag:s29], $0x1  }
0xb4: {  	[sflag:s29] =	ssyncadd.s32 $0xFFFFFFFF  }
0xb5: {  	_ =	strace $0x90000048  }
0xb6: {  	_ =	sfence  }
0xb7: {  	s30 =	sld [smem:$0x0];
	_ =	sdelay $0x2  }
0xb8: {  	s31 =	sshll.u32 s1, $0xD;
	s1 =	sshrl.u32 s1, $0x2  }
0xb9: {  	s3 =	sand.u32 $0x4000, s31;
	s1 =	sadd.s32 s1, s30  }
0xba: {  	s0 =	sor.u32 s3, s0;
	s1 =	sshll.u32 s1, $0x11  }
0xbb: {  	s0 =	sor.u32 s1, s0  }
0xbc: {  	s0 =	sadd.s32 $0x8F2B, s0  }
0xbd: {  	[sflag:s0] =	ssyncadd.remote.s32 $0x1  }
0xbe: {  	_ =	sfence.sel $0xFFFF  }
0xbf: {  	[dreg:$0x0] =	wrdreg $0xFFFFFFFF;
	(pc) =	sbr.abs _section_cstart, $3  }
0xc0: {  	[dreg:$0x1] =	wrdreg $0xFFFFFFFF  }
0xc1: {  	_ =	task.clear_ibuf [dreg:s7], $0x2FFFF;
	_ =	strace $0x9FFFFFFF  }
0xc2: {  	(tm) =	ssettm $0x7FFFFFFF  }
0xc3: {  	_ =	shalt  }
tec
execute0_lowered:
.L_overlay_start_1:
0x0: {  	(tag) =	ssettag $0x1  }
0x1: {  	s1 =	srdreg.scid;
	s0 =	stileid.u32  }
0x2: {  	s5 =	sand.u32 $0x1, s1;
	s22 =	sshll.u32 s0, $0x1  }
0x3: {  	s2 =	rddreg [dreg:$0x0];
	s4 =	simm.s32 $0x0;
	s9 =	sor.u32 s5, s22  }
0x4: {  	[smem:$0x7FF] =	sst s4;
	s1 =	smul.u32 $0x3240192, s9  }
0x5: {  	s11 =	rddreg [dreg:$0x1];
	_ =	strace $0x80000047;
	s7 =	smul.u32 $0x4B6, s9  }
0x6: {  	s16 =	simm.s32 $0x1;
	s14 =	smul.u32 $0x30002FA, s9;
	s3 =	sshrl.u32 s1, $0x17  }
0x7: {  	s8 =	ssub.s32 $0x2, s5;
	s5 =	sshrl.u32 s7, $0x5;
	s6 =	smul.u32 $0xF5, s3  }
0x8: {  	s10 =	sshrl.u32 s8, $0x1;
	p0 =	seq.s32 s9, $0x0;
	s12 =	smul.u32 $0xAAAB, s5  }
0x9: {  	s7 =	sadd.s32 $0x4B6, s7;
	s14 =	sshrl.u32 s14, $0x1D;
	s13 =	smul.u32 $0x2AAB, s5  }
0xa: {  	s7 =	sshrl.u32 s7, $0x5;
	s1 =	smul.u32 $0xA307, s5;
	s6 =	sshrl.u32 s6, $0xE  }
0xb: {  	s15 =	sadd.s32 $0xAAAB, s12;
	s13 =	sshrl.u32 s13, $0x10;
	s19 =	sadd.s32 $0x15556, s12  }
0xc: {  	s20 =	sadd.s32 $0xA307, s1;
	s12 =	sadd.s32 $0x20001, s12;
	s6 =	smul.u32 $0x43, s6  }
0xd: {  	s15 =	sshrl.u32 s15, $0x12;
	s17 =	smul.u32 $0x6, s13;
	s13 =	ssub.s32 s8, s10  }
0xe: {  	s12 =	sshrl.u32 s12, $0x12;
	s23 =	sand.u32 $0xFF, s15;
	s6 =	ssub.s32 s3, s6  }
0xf: {  	s22 =	sand.u32 $0xFF, s12;
	s13 =	smax.u32 s13, $0x1;
	s6 =	sand.u32 $0xFF, s6  }
0x10: {  	s18 =	smul.u32 $0xF5, s23;
	s25 =	ssub.s32 s5, s17;
	p1 =	sne.s32 s6, $0x0  }
0x11: {  	s17 =	sshrl.u32 s20, $0x18;
	s20 =	simm.s32 $0x1;
	p1 =	por !p0, !p1  }
0x12: {  	s10 =	sand.u32 $0xFFFF, s25;
	s25 =	sadd.s32 $0x1460E, s1;
	p1 =	por !p1, !p1  }
0x13: {  	s26 =	sshrl.u32 s18, $0xE;
	s28 =	sshll.u32 s6, $0x11;
	s16 =	simm.s32 @!p1 $0x0  }
0x14: {  	s24 =	ssub.s32 s14, s16;
	s14 =	smul.u32 $0x43, s26;
	s16 =	sshrl.u32 s19, $0x12  }
0x15: {  	s6 =	ssub.s32 s7, s5;
	s8 =	smul.u32 $0x880000, s24;
	s21 =	sand.u32 $0xFF, s16  }
0x16: {  	s30 =	sshll.u32 s10, $0xE;
	s10 =	simm.s32 $0x1;
	s18 =	smul.u32 $0xF5, s21  }
0x17: {  	s19 =	simm.s32 $0x1;
	s31 =	ssub.s32 s15, s14;
	s15 =	smul.u32 $0x6, s15  }
0x18: {  	s14 =	sadd.s32 $0x1E915, s1;
	s21 =	simm.s32 $0x12000;
	s29 =	sadd.s32 s28, s8  }
0x19: {  	s8 =	sand.u32 $0xFF, s31;
	s14 =	sshrl.u32 s14, $0x18;
	s31 =	sshll.u32 s9, $0xB  }
0x1a: {  	s7 =	sor.u32 s30, s29;
	p4 =	sne.s32 s8, $0x0;
	s18 =	sshrl.u32 s18, $0xE  }
0x1b: {  	s8 =	sshll.u32 s8, $0x11;
	s15 =	ssub.s32 s5, s15;
	s11 =	sadd.s32 s11, s31  }
0x1c: {  	s7 =	sshrl.u32 s7, $0x3;
	p1 =	por !p0, !p4;
	s18 =	smul.u32 $0x43, s18  }
0x1d: {  	s15 =	sadd.s32 $0x1, s15;
	p1 =	por !p1, !p1;
	s7 =	sadd.s32 s2, s7  }
0x1e: {  	s15 =	sand.u32 $0xFFFF, s15;
	s19 =	simm.s32 @!p1 $0x0;
	s18 =	ssub.s32 s16, s18  }
0x1f: {  	s15 =	sshll.u32 s15, $0xE;
	s16 =	smul.u32 $0x6, s16;
	s17 =	ssub.s32 s17, s19  }
0x20: {  	s19 =	smul.u32 $0xF5, s22;
	s23 =	sand.u32 $0xFF, s18;
	s22 =	simm.s32 $0x0  }
0x21: {  	s17 =	smul.u32 $0x880000, s17;
	p5 =	sne.s32 s23, $0x0;
	s16 =	ssub.s32 s5, s16  }
0x22: {  	s24 =	sshrl.u32 s19, $0xE;
	p1 =	por !p0, !p5;
	s19 =	sshrl.u32 s25, $0x18  }
0x23: {  	s28 =	sadd.s32 $0x2, s16;
	s16 =	simm.s32 $0xC000;
	s18 =	smul.u32 $0x43, s24  }
0x24: {  	s8 =	sadd.s32 s8, s17;
	p1 =	por !p1, !p1;
	s17 =	sshll.u32 s23, $0x11  }
0x25: {  	s20 =	simm.s32 @!p1 $0x0;
	s8 =	sor.u32 s15, s8;
	s18 =	ssub.s32 s12, s18  }
0x26: {  	s26 =	ssub.s32 s19, s20;
	s8 =	sshrl.u32 s8, $0x3;
	s18 =	sand.u32 $0xFF, s18  }
0x27: {  	s12 =	smul.u32 $0x6, s12;
	s19 =	simm.s32 $0x10000;
	p6 =	sne.s32 s18, $0x0  }
0x28: {  	s20 =	simm.s32 $0x5;
	s15 =	smul.u32 $0x880000, s26;
	p0 =	por !p0, !p6  }
0x29: {  	s8 =	sadd.s32 s2, s8;
	s12 =	ssub.s32 s5, s12;
	p0 =	por !p0, !p0  }
0x2a: {  	s29 =	sshll.u32 s18, $0x11;
	s18 =	simm.s32 $0x800;
	s10 =	simm.s32 @!p0 $0x0  }
0x2b: {  	s15 =	sadd.s32 s17, s15;
	s12 =	sadd.s32 $0x3, s12;
	s10 =	ssub.s32 s14, s10  }
0x2c: {  	s17 =	simm.s32 $0x400;
	s12 =	sand.u32 $0xFFFF, s12;
	s10 =	smul.u32 $0x880000, s10  }
.Ltmp0:
0x2d: {  	s12 =	sshll.u32 s12, $0xE;
	s14 =	sand.u32 $0xFFFF, s28;
	(pc) =	sbr.rel .LBB2_1-.Ltmp0, $4  }
0x2e: {  	p0 =	slt.s32 s6, $0x1;
	s14 =	sshll.u32 s14, $0xE;
	s10 =	sadd.s32 s29, s10  }
0x2f: {  	s14 =	sor.u32 s14, s15;
	s15 =	simm.s32 $0x8000;
	s10 =	sor.u32 s12, s10  }
0x30: {  	s30 =	sshrl.u32 s14, $0x3;
	s14 =	simm.s32 $0x4000;
	s10 =	sshrl.u32 s10, $0x3  }
0x31: {  	v0 =	vimm.f32 $0.0e+00;
	s9 =	sadd.s32 s2, s30;
	s12 =	sadd.s32 $0x80, s11;
	s10 =	sadd.s32 s2, s10  }
.LBB2_5:
0x32: {  	[hbm4b:s11+s17] =	stream.strided.scatter [tilespmem:s19], [sflag:$0x5], $0x2000, s18, s17, $0x38;
	[tilespmem:$0x14000] =	vst v63  }
0x33: {  	s22 =	sadd.s32 $0x1, s22;
	_ =	swait.ge [sflag:s20], $0x2000  }
0x34: {  	p1 =	sne.s32 s22, s13;
	[sflag:s20] =	ssyncset.done $0x0  }
.Ltmp1:
0x35: {  	[sflag:s20] =	ssyncadd.s32 $0xFFFFE000;
	(pc) =	sbr.rel @!p1 .LBB2_6-.Ltmp1, $4  }
0x36: {  	[hbm4b:s12+s17] =	stream.strided.scatter [tilespmem:s21], [sflag:$0x5], $0x2000, s18, s17, $0x38;
	[tilespmem:$0x14000] =	vst v63  }
0x37: {  	_ =	swait.ge [sflag:s20], $0x2000  }
0x38: {  	[sflag:s20] =	ssyncset.done $0x0  }
0x39: {  	[sflag:s20] =	ssyncadd.s32 $0xFFFFE000  }
.LBB2_1:
0x3a: {  	[tilespmem:$0x10000] =	vst v0  }
0x3b: {  	[tilespmem:$0x12000] =	vst v0  }
0x3c: {  	[tilespmem:$0x10080] =	vst v0  }
0x3d: {  	[tilespmem:$0x12080] =	vst v0  }
0x3e: {  	[tilespmem:$0x10100] =	vst v0  }
0x3f: {  	[tilespmem:$0x12100] =	vst v0  }
0x40: {  	[tilespmem:$0x10180] =	vst v0  }
0x41: {  	[tilespmem:$0x12180] =	vst v0  }
0x42: {  	[tilespmem:$0x10200] =	vst v0  }
0x43: {  	[tilespmem:$0x12200] =	vst v0  }
0x44: {  	[tilespmem:$0x10280] =	vst v0  }
0x45: {  	[tilespmem:$0x12280] =	vst v0  }
0x46: {  	[tilespmem:$0x10300] =	vst v0  }
0x47: {  	[tilespmem:$0x12300] =	vst v0  }
0x48: {  	[tilespmem:$0x10380] =	vst v0  }
0x49: {  	[tilespmem:$0x12380] =	vst v0  }
0x4a: {  	[tilespmem:$0x10400] =	vst v0  }
0x4b: {  	[tilespmem:$0x12400] =	vst v0  }
0x4c: {  	[tilespmem:$0x10480] =	vst v0  }
0x4d: {  	[tilespmem:$0x12480] =	vst v0  }
0x4e: {  	[tilespmem:$0x10500] =	vst v0  }
0x4f: {  	[tilespmem:$0x12500] =	vst v0  }
0x50: {  	[tilespmem:$0x10580] =	vst v0  }
0x51: {  	[tilespmem:$0x12580] =	vst v0  }
0x52: {  	[tilespmem:$0x10600] =	vst v0  }
0x53: {  	[tilespmem:$0x12600] =	vst v0  }
0x54: {  	[tilespmem:$0x10680] =	vst v0  }
0x55: {  	[tilespmem:$0x12680] =	vst v0  }
0x56: {  	[tilespmem:$0x10700] =	vst v0  }
0x57: {  	[tilespmem:$0x12700] =	vst v0  }
0x58: {  	[tilespmem:$0x10780] =	vst v0  }
0x59: {  	[tilespmem:$0x12780] =	vst v0  }
0x5a: {  	[tilespmem:$0x10800] =	vst v0  }
0x5b: {  	[tilespmem:$0x12800] =	vst v0  }
0x5c: {  	[tilespmem:$0x10880] =	vst v0  }
0x5d: {  	[tilespmem:$0x12880] =	vst v0  }
0x5e: {  	[tilespmem:$0x10900] =	vst v0  }
0x5f: {  	[tilespmem:$0x12900] =	vst v0  }
0x60: {  	[tilespmem:$0x10980] =	vst v0  }
0x61: {  	[tilespmem:$0x12980] =	vst v0  }
0x62: {  	[tilespmem:$0x10A00] =	vst v0  }
0x63: {  	[tilespmem:$0x12A00] =	vst v0  }
0x64: {  	[tilespmem:$0x10A80] =	vst v0  }
0x65: {  	[tilespmem:$0x12A80] =	vst v0  }
0x66: {  	[tilespmem:$0x10B00] =	vst v0  }
0x67: {  	[tilespmem:$0x12B00] =	vst v0  }
0x68: {  	[tilespmem:$0x10B80] =	vst v0  }
0x69: {  	[tilespmem:$0x12B80] =	vst v0  }
0x6a: {  	[tilespmem:$0x10C00] =	vst v0  }
0x6b: {  	[tilespmem:$0x12C00] =	vst v0  }
0x6c: {  	[tilespmem:$0x10C80] =	vst v0  }
0x6d: {  	[tilespmem:$0x12C80] =	vst v0  }
0x6e: {  	[tilespmem:$0x10D00] =	vst v0  }
0x6f: {  	[tilespmem:$0x12D00] =	vst v0  }
0x70: {  	[tilespmem:$0x10D80] =	vst v0  }
0x71: {  	[tilespmem:$0x12D80] =	vst v0  }
0x72: {  	[tilespmem:$0x10E00] =	vst v0  }
0x73: {  	[tilespmem:$0x12E00] =	vst v0  }
0x74: {  	[tilespmem:$0x10E80] =	vst v0  }
0x75: {  	[tilespmem:$0x12E80] =	vst v0  }
0x76: {  	[tilespmem:$0x10F00] =	vst v0  }
0x77: {  	[tilespmem:$0x12F00] =	vst v0  }
0x78: {  	[tilespmem:$0x10F80] =	vst v0  }
0x79: {  	[tilespmem:$0x12F80] =	vst v0  }
0x7a: {  	[tilespmem:$0x11000] =	vst v0  }
0x7b: {  	[tilespmem:$0x13000] =	vst v0  }
0x7c: {  	[tilespmem:$0x11080] =	vst v0  }
0x7d: {  	[tilespmem:$0x13080] =	vst v0  }
0x7e: {  	[tilespmem:$0x11100] =	vst v0  }
0x7f: {  	[tilespmem:$0x13100] =	vst v0  }
0x80: {  	[tilespmem:$0x11180] =	vst v0  }
0x81: {  	[tilespmem:$0x13180] =	vst v0  }
0x82: {  	[tilespmem:$0x11200] =	vst v0  }
0x83: {  	[tilespmem:$0x13200] =	vst v0  }
0x84: {  	[tilespmem:$0x11280] =	vst v0  }
0x85: {  	[tilespmem:$0x13280] =	vst v0  }
0x86: {  	[tilespmem:$0x11300] =	vst v0  }
0x87: {  	[tilespmem:$0x13300] =	vst v0  }
0x88: {  	[tilespmem:$0x11380] =	vst v0  }
0x89: {  	[tilespmem:$0x13380] =	vst v0  }
0x8a: {  	[tilespmem:$0x11400] =	vst v0  }
0x8b: {  	[tilespmem:$0x13400] =	vst v0  }
0x8c: {  	[tilespmem:$0x11480] =	vst v0  }
0x8d: {  	[tilespmem:$0x13480] =	vst v0  }
0x8e: {  	[tilespmem:$0x11500] =	vst v0  }
0x8f: {  	[tilespmem:$0x13500] =	vst v0  }
0x90: {  	[tilespmem:$0x11580] =	vst v0  }
0x91: {  	[tilespmem:$0x13580] =	vst v0  }
0x92: {  	[tilespmem:$0x11600] =	vst v0  }
0x93: {  	[tilespmem:$0x13600] =	vst v0  }
0x94: {  	[tilespmem:$0x11680] =	vst v0  }
0x95: {  	[tilespmem:$0x13680] =	vst v0  }
0x96: {  	[tilespmem:$0x11700] =	vst v0  }
0x97: {  	[tilespmem:$0x13700] =	vst v0  }
0x98: {  	[tilespmem:$0x11780] =	vst v0  }
0x99: {  	[tilespmem:$0x13780] =	vst v0  }
0x9a: {  	[tilespmem:$0x11800] =	vst v0  }
0x9b: {  	[tilespmem:$0x13800] =	vst v0  }
0x9c: {  	[tilespmem:$0x11880] =	vst v0  }
0x9d: {  	[tilespmem:$0x13880] =	vst v0  }
0x9e: {  	[tilespmem:$0x11900] =	vst v0  }
0x9f: {  	[tilespmem:$0x13900] =	vst v0  }
0xa0: {  	[tilespmem:$0x11980] =	vst v0  }
0xa1: {  	[tilespmem:$0x13980] =	vst v0  }
0xa2: {  	[tilespmem:$0x11A00] =	vst v0  }
0xa3: {  	[tilespmem:$0x13A00] =	vst v0  }
0xa4: {  	[tilespmem:$0x11A80] =	vst v0  }
0xa5: {  	[tilespmem:$0x13A80] =	vst v0  }
0xa6: {  	[tilespmem:$0x11B00] =	vst v0  }
0xa7: {  	[tilespmem:$0x13B00] =	vst v0  }
0xa8: {  	[tilespmem:$0x11B80] =	vst v0  }
0xa9: {  	[tilespmem:$0x13B80] =	vst v0  }
0xaa: {  	[tilespmem:$0x11C00] =	vst v0  }
0xab: {  	[tilespmem:$0x13C00] =	vst v0  }
0xac: {  	[tilespmem:$0x11C80] =	vst v0  }
0xad: {  	[tilespmem:$0x13C80] =	vst v0  }
0xae: {  	[tilespmem:$0x11D00] =	vst v0  }
0xaf: {  	[tilespmem:$0x13D00] =	vst v0  }
0xb0: {  	[tilespmem:$0x11D80] =	vst v0  }
0xb1: {  	[tilespmem:$0x13D80] =	vst v0  }
0xb2: {  	[tilespmem:$0x11E00] =	vst v0  }
0xb3: {  	[tilespmem:$0x13E00] =	vst v0  }
0xb4: {  	[tilespmem:$0x11E80] =	vst v0  }
0xb5: {  	[tilespmem:$0x13E80] =	vst v0  }
0xb6: {  	[tilespmem:$0x11F00] =	vst v0  }
0xb7: {  	[tilespmem:$0x13F00] =	vst v0  }
0xb8: {  	[tilespmem:$0x11F80] =	vst v0  }
0xb9: {  	[tilespmem:$0x13F80] =	vst v0  }
0xba: {  	[tilespmem:s4], [sflag:$0x1] =	stream.linear.gather [hbm4b:s7+s4], $0x4000, $0x38;
	[tilespmem:$0x14000] =	vst v63  }
0xbb: {  	_ = 	snop  }
0xbc: {  	[tilespmem:s14], [sflag:$0x2] =	stream.linear.gather [hbm4b:s8+s4], $0x4000, $0x38;
	[tilespmem:$0x14000] =	vst v63  }
.Ltmp2:
0xbd: {  	_ = 	snop;
	(pc) =	sbr.rel @p0 .LBB2_5-.Ltmp2, $4  }
0xbe: {  	_ = 	snop  }
0xbf: {  	[tilespmem:s15], [sflag:$0x3] =	stream.linear.gather [hbm4b:s9+s4], $0x4000, $0x38;
	[tilespmem:$0x14000] =	vst v63  }
0xc0: {  	s23 =	simm.s32 $0x0  }
0xc1: {  	[tilespmem:s16], [sflag:$0x4] =	stream.linear.gather [hbm4b:s10+s4], $0x4000, $0x38;
	[tilespmem:$0x14000] =	vst v63  }
.LBB2_2:
0xc2: {  	s25 =	sand.u32 $0x3, s23  }
0xc3: {  	s28 =	simm.s32 $0x0;
	s24 =	sadd.s32 $0x1, s25  }
0xc4: {  	s25 =	sshll.u32 s25, $0xE;
	s26 =	sand.u32 $0x3C00, s28;
	_ =	swait.ge [sflag:s24], $0x4000  }
0xc5: {  	s29 =	sand.u32 $0x60, s28;
	s26 =	sadd.s32 s26, s25;
	[sflag:s24] =	ssyncset.done $0x0  }
0xc6: {  	s26 =	sadd.s32 s29, s26;
	[sflag:s24] =	ssyncadd.s32 $0xFFFFC000  }
0xc7: {  	v1 =	vld [tilespmem:s26+$0x0]  }
0xc8: {  	v2 =	vld [tilespmem:s26+$0x80]  }
0xc9: {  	v3 =	vld [tilespmem:s26+$0x10]  }
0xca: {  	v4 =	vld [tilespmem:s26+$0x90]  }
0xcb: {  	v20 =	vld [tilespmem:s26+$0x100]  }
0xcc: {  	v11 =	vimm.f32 $0.0e+00;
	v16 =	vimm.f32 $0.0e+00;
	v19 =	vld [tilespmem:s26+$0x180]  }
0xcd: {  	v14 =	vimm.f32 $0.0e+00;
	v15 =	vimm.f32 $0.0e+00;
	v13 =	vimm.f32 $0.0e+00  }
0xce: {  	v12 =	vimm.f32 $0.0e+00;
	v5 =	vmul.f32 v1, v1;
	v6 =	vmul.f32 v2, v2  }
0xcf: {  	v1 =	vadd.f32 v1, v11;
	v7 =	vmul.f32 v3, v3;
	v2 =	vadd.f32 v2, v11  }
0xd0: {  	v21 =	vld [tilespmem:s26+$0x110];
	v10 =	vmul.f32 v4, v4;
	v25 =	vmul.f32 v20, v20;
	v5 =	vadd.f32 v5, v11  }
0xd1: {  	v22 =	vld [tilespmem:s26+$0x190];
	v24 =	vmul.f32 v19, v19;
	v9 =	vadd.f32 v6, v11;
	v8 =	vadd.f32 v3, v1  }
0xd2: {  	v23 =	vld [tilespmem:s26+$0x200];
	v6 =	vadd.f32 v4, v2;
	v4 =	vimm.f32 $0.0e+00;
	v3 =	vimm.f32 $0.0e+00  }
0xd3: {  	v18 =	vld [tilespmem:s26+$0x280];
	v2 =	vimm.f32 $0.0e+00;
	v1 =	vimm.f32 $0.0e+00;
	v7 =	vadd.f32 v7, v5  }
0xd4: {  	s29 =	simm.s32 $0x20;
	v17 =	vld [tilespmem:s26+$0x210];
	v5 =	vadd.f32 v10, v9;
	v10 =	vimm.f32 $0.0e+00;
	v9 =	vimm.f32 $0.0e+00  }
.LBB2_3:
0xd5: {  	p1 =	sne.s32 s29, $0x7E0;
	v11 =	vadd.f32 v20, v11;
	v16 =	vadd.f32 v25, v16;
	v20 =	vmul.f32 v21, v21;
	v25 =	vld [tilespmem:s26+$0x290]  }
0xd6: {  	v14 =	vadd.f32 v19, v14;
	s28 =	sadd.s32 $0x100, s28;
	v15 =	vadd.f32 v24, v15;
	v19 =	vld [tilespmem:s26+$0x300];
	v24 =	vmul.f32 v22, v22  }
0xd7: {  	s30 =	sand.u32 $0x3C00, s28;
	v26 =	vmul.f32 v23, v23;
	v27 =	vld [tilespmem:s26+$0x380];
	v11 =	vadd.f32 v21, v11;
	v16 =	vadd.f32 v20, v16  }
0xd8: {  	s31 =	sand.u32 $0x60, s29;
	s30 =	sadd.s32 s30, s25;
	v14 =	vadd.f32 v22, v14;
	v20 =	vmul.f32 v18, v18;
	v15 =	vadd.f32 v24, v15;
	v21 =	vld [tilespmem:s26+$0x310]  }
0xd9: {  	v13 =	vadd.f32 v23, v13;
	v12 =	vadd.f32 v26, v12;
	v22 =	vmul.f32 v17, v17;
	v23 =	vld [tilespmem:s26+$0x390];
	s26 =	sadd.s32 s31, s30  }
0xda: {  	v10 =	vadd.f32 v18, v10;
	v24 =	vld [tilespmem:s26+$0x0];
	v9 =	vadd.f32 v20, v9;
	v18 =	vmul.f32 v25, v25  }
0xdb: {  	v13 =	vadd.f32 v17, v13;
	v26 =	vld [tilespmem:s26+$0x80];
	v20 =	vmul.f32 v19, v19;
	v12 =	vadd.f32 v22, v12  }
0xdc: {  	v10 =	vadd.f32 v25, v10;
	v17 =	vld [tilespmem:s26+$0x10];
	v22 =	vmul.f32 v27, v27;
	v9 =	vadd.f32 v18, v9  }
0xdd: {  	v4 =	vadd.f32 v19, v4;
	v28 =	vld [tilespmem:s26+$0x90];
	v3 =	vadd.f32 v20, v3;
	v18 =	vmul.f32 v21, v21  }
0xde: {  	v2 =	vadd.f32 v27, v2;
	v20 =	vld [tilespmem:s26+$0x100];
	v1 =	vadd.f32 v22, v1;
	v22 =	vmul.f32 v23, v23  }
0xdf: {  	v4 =	vadd.f32 v21, v4;
	v25 =	vmul.f32 v24, v24;
	v19 =	vld [tilespmem:s26+$0x180];
	v3 =	vadd.f32 v18, v3  }
.Ltmp3:
0xe0: {  	v2 =	vadd.f32 v23, v2;
	v18 =	vmul.f32 v26, v26;
	v21 =	vld [tilespmem:s26+$0x110];
	v1 =	vadd.f32 v22, v1;
	(pc) =	sbr.rel @p1 .LBB2_3-.Ltmp3, $4  }
0xe1: {  	v8 =	vadd.f32 v24, v8;
	v7 =	vadd.f32 v25, v7;
	v24 =	vmul.f32 v17, v17;
	v22 =	vld [tilespmem:s26+$0x190]  }
0xe2: {  	v6 =	vadd.f32 v26, v6;
	v5 =	vadd.f32 v18, v5;
	v23 =	vld [tilespmem:s26+$0x200];
	v26 =	vmul.f32 v28, v28  }
0xe3: {  	v8 =	vadd.f32 v17, v8;
	v25 =	vmul.f32 v20, v20;
	v18 =	vld [tilespmem:s26+$0x280];
	v7 =	vadd.f32 v24, v7  }
0xe4: {  	s29 =	sadd.s32 $0x20, s29;
	v6 =	vadd.f32 v28, v6;
	v24 =	vmul.f32 v19, v19;
	v5 =	vadd.f32 v26, v5;
	v17 =	vld [tilespmem:s26+$0x210]  }
0xe5: {  	s28 =	sadd.s32 s5, s23  }
0xe6: {  	v26 =	vld [tilespmem:s26+$0x290];
	s28 =	smulhi.u32 $0xAAAAAAAB, s28  }
0xe7: {  	v27 =	vld [tilespmem:s26+$0x300]  }
0xe8: {  	v28 =	vld [tilespmem:s26+$0x380];
	s28 =	sshrl.u32 s28, $0x2  }
0xe9: {  	v29 =	vld [tilespmem:s26+$0x310];
	s28 =	ssub.s32 s28, s3  }
0xea: {  	v30 =	vld [tilespmem:s26+$0x390];
	s26 =	sshll.u32 s28, $0xA;
	s28 =	sadd.s32 $0x4, s23  }
0xeb: {  	v11 =	vadd.f32 v20, v11;
	v16 =	vadd.f32 v25, v16;
	v63 =	vmul.f32 v21, v21;
	v31 =	vld [tilespmem:s26+$0x10000];
	p1 =	sge.s32 s28, s6  }
0xec: {  	v14 =	vadd.f32 v19, v14;
	v15 =	vadd.f32 v24, v15;
	v33 =	vld [tilespmem:s26+$0x12000];
	s28 =	sadd.s32 @!p1 s5, s28  }
0xed: {  	v32 =	vmul.f32 v22, v22;
	v11 =	vadd.f32 v21, v11;
	v16 =	vadd.f32 v63, v16;
	v35 =	vld [tilespmem:s26+$0x10080];
	s29 =	smulhi.u32 @!p1 $0xAAAAAAAB, s28  }
0xee: {  	v34 =	vmul.f32 v23, v23;
	v14 =	vadd.f32 v22, v14;
	v13 =	vadd.f32 v23, v13;
	v36 =	vld [tilespmem:s26+$0x12080]  }
0xef: {  	v15 =	vadd.f32 v32, v15;
	v10 =	vadd.f32 v18, v10;
	v38 =	vld [tilespmem:s26+$0x10100];
	s29 =	sshrl.u32 @!p1 s29, $0x2  }
0xf0: {  	v37 =	vmul.f32 v18, v18;
	v12 =	vadd.f32 v34, v12;
	v39 =	vld [tilespmem:s26+$0x12100];
	v8 =	vadd.f32 v31, v8;
	s30 =	smulhi.u32 @!p1 $0x7A44C6B, s29  }
0xf1: {  	v13 =	vadd.f32 v17, v13;
	v41 =	vld [tilespmem:s26+$0x10180];
	v7 =	vadd.f32 v33, v7  }
0xf2: {  	v9 =	vadd.f32 v37, v9;
	v42 =	vld [tilespmem:s26+$0x12180];
	v6 =	vadd.f32 v35, v6;
	[tilespmem:s26+$0x10000] =	vst v8;
	s30 =	sshrl.u32 @!p1 s30, $0x1  }
0xf3: {  	v10 =	vadd.f32 v26, v10;
	v44 =	vld [tilespmem:s26+$0x10200];
	v5 =	vadd.f32 v36, v5;
	[tilespmem:s26+$0x12000] =	vst v7;
	s30 =	smul.u32 @!p1 $0x43, s30  }
0xf4: {  	v40 =	vmul.f32 v17, v17;
	v4 =	vadd.f32 v27, v4;
	v46 =	vld [tilespmem:s26+$0x12200];
	v45 =	vadd.f32 v38, v11;
	[tilespmem:s26+$0x10080] =	vst v6  }
0xf5: {  	v43 =	vmul.f32 v26, v26;
	v2 =	vadd.f32 v28, v2;
	v49 =	vld [tilespmem:s26+$0x10280];
	v48 =	vadd.f32 v39, v16;
	[tilespmem:s26+$0x12080] =	vst v5;
	s30 =	ssub.s32 @!p1 s29, s30  }
0xf6: {  	v47 =	vmul.f32 v27, v27;
	v12 =	vadd.f32 v40, v12;
	v51 =	vld [tilespmem:s26+$0x12280];
	p2 =	slt.u32 @!p1 s28, $0x6;
	v50 =	vadd.f32 v41, v14;
	[tilespmem:s26+$0x10100] =	vst v45;
	p3 =	sne.s32 @!p1 s30, $0x0  }
0xf7: {  	v52 =	vmul.f32 v28, v28;
	v54 =	vld [tilespmem:s26+$0x10300];
	v9 =	vadd.f32 v43, v9;
	v53 =	vadd.f32 v42, v15;
	[tilespmem:s26+$0x12100] =	vst v48;
	p2 =	por @!p1 !p2, !p3  }
0xf8: {  	v56 =	vld [tilespmem:s26+$0x12300];
	v3 =	vadd.f32 v47, v3;
	s31 =	smulhi.u32 @!p1 $0x28C1979, s28;
	v55 =	vadd.f32 v44, v13;
	[tilespmem:s26+$0x10180] =	vst v50;
	p2 =	por @!p1 !p2, !p2  }
0xf9: {  	v57 =	vmul.f32 v29, v29;
	v59 =	vld [tilespmem:s26+$0x10380];
	v1 =	vadd.f32 v52, v1;
	s1 =	simm.s32 @!p1 $0x1;
	v58 =	vadd.f32 v46, v12;
	[tilespmem:s26+$0x12180] =	vst v53;
	p2 =	por !p2, p1  }
0xfa: {  	v61 =	vld [tilespmem:s26+$0x12380];
	v4 =	vadd.f32 v29, v4;
	s31 =	sshrl.u32 @!p1 s31, $0x2;
	v60 =	vadd.f32 v49, v10;
	[tilespmem:s26+$0x10200] =	vst v55;
	s1 =	simm.s32 @p2 $0x0  }
0xfb: {  	v62 =	vmul.f32 v30, v30;
	v3 =	vadd.f32 v57, v3;
	v63 =	vadd.f32 v51, v9;
	[tilespmem:s26+$0x12200] =	vst v58;
	s29 =	smul.u32 @!p1 $0x6, s29;
	s1 =	ssub.s32 @!p1 s31, s1  }
0xfc: {  	v2 =	vadd.f32 v30, v2;
	v4 =	vadd.f32 v54, v4;
	[tilespmem:s26+$0x10280] =	vst v60;
	s1 =	smul.u32 @!p1 $0x880000, s1  }
0xfd: {  	v1 =	vadd.f32 v62, v1;
	v3 =	vadd.f32 v56, v3;
	[tilespmem:s26+$0x12280] =	vst v63;
	s30 =	sshll.u32 @!p1 s30, $0x11;
	s28 =	ssub.s32 @!p1 s28, s29  }
0xfe: {  	v2 =	vadd.f32 v59, v2;
	[tilespmem:s26+$0x10300] =	vst v4;
	s28 =	sshll.u32 @!p1 s28, $0xE;
	s1 =	sadd.s32 @!p1 s30, s1  }
0xff: {  	v1 =	vadd.f32 v61, v1;
	[tilespmem:s26+$0x12300] =	vst v3;
	s1 =	sor.u32 @!p1 s28, s1  }
0x100: {  	[tilespmem:s26+$0x10380] =	vst v2;
	s1 =	sshrl.u32 @!p1 s1, $0x3  }
0x101: {  	s23 =	sadd.s32 $0x1, s23;
	[tilespmem:s26+$0x12380] =	vst v1;
	s26 =	simm.s32 @!p1 $0x0;
	s1 =	sadd.s32 @!p1 s2, s1  }
0x102: {  	[tilespmem:s25], [sflag:s24] =	stream.linear.gather @!p1 [hbm4b:s1+s26], $0x4000, $0x38;
	[tilespmem:$0x14000] =	vst v63  }
0x103: {  	p1 =	slt.s32 s23, s6  }
.Ltmp4:
0x104: {  	_ = 	snop;
	(pc) =	sbr.rel @p1 .LBB2_2-.Ltmp4, $4  }
.Ltmp5:
0x105: {  	_ = 	snop;
	(pc) =	sbr.rel @!p1 .LBB2_5-.Ltmp5, $4  }
0x106: {  	_ = 	snop  }
0x107: {  	_ = 	snop  }
0x108: {  	_ = 	snop  }
0x109: {  	_ = 	snop  }
.LBB2_6:
0x10a: {  	_ =	sfence.sel $0x180000  }
0x10b: {  	[bflag:$0x0] =	sbarrier.arrive $0xFFFF  }
0x10c: {  	_ =	strace $0x90000047  }
0x10d: {  	[bflag:$0x2] =	sbarrier.arrive $0xFFFF  }
0x10e: {  	p0 =	sne.s32 s0, $0x0;
	s0 =	rddreg [dreg:$0x2]  }
0x10f: {  	s0 =	sadd.s32 @!p0 $0x100000, s0  }
0x110: {  	[sflag:s0] =	ssyncadd.tile.s32 @!p0 $0x1;
	_ =	shalt  }
.Lfunc_end2:
_tile_overlayer_lowered:
.L_overlay_start_2:
0x111: {  	(tag) =	ssettag $0x2  }
0x112: {  	s0 =	rddreg [dreg:$0x0];
	s2 =	stileid.u32  }
0x113: {  	s1 =	rddreg [dreg:$0x1];
	p0 =	sne.s32 s2, $0x0  }
0x114: {  	s3 =	rddreg [dreg:$0x2];
	[bflag:$0x3] =	sbarrier.arrive $0xFFFF;
	s2 =	simm.s32 @!p0 $0x1C05  }
0x115: {  	[timem:s3], [sflag:s2] =	dma.local @!p0 [hbm:s0], s1  }
0x116: {  	s0 =	simm.s32 @!p0 $0x5  }
0x117: {  	_ =	swait.ge @!p0 [sflag:s0], s1  }
0x118: {  	s1 =	ssub.s32 @!p0 $0x0, s1;
	[sflag:s0] =	ssyncset.done @!p0 $0x0  }
0x119: {  	[sflag:s0] =	ssyncadd.s32 @!p0 s1  }
0x11a: {  	[bflag:$0x3] =	sbarrier.arrive $0xFFFF  }
0x11b: {  	_ =	shalt  }

</sc_bundles>
